<compile_context>
chip_gen: v7x
topology: tpu7x:2x2x1
jax: 0.10.2.dev20260603
libtpu: 0.0.44.dev20260713+nightly
codegen_flags: <defaults>
</compile_context>

<pallas_src>
import jax
import jax.numpy as jnp
from jax import lax
from jax.experimental import pallas as pl
from jax.experimental.pallas import tpu as pltpu
from jax.experimental.pallas import tpu_sc as plsc

B, H, S, D, U = 8, 16, 2048, 128, 32
SLAB = S * D
PCHUNK = U * D
HALF = B * H * SLAB
CH = 16384
CHPS = SLAB // CH
NCK = 8 * CHPS


def _body(kc_hbm, vc_hbm, kn_hbm, vn_hbm, pos_hbm, out_hbm,
          pos_v, b0, b1, b2, b3, b4, pb,
          sg0, sg1, sg2, sg3, sg4, ss0, ss1, ss2, ss3, ss4, sp):
    c = lax.axis_index("c")
    s = lax.axis_index("s")
    wid = s * 2 + c
    b = wid // 4
    q = wid % 4

    bufs = (b0, b1, b2, b3, b4)
    sg = (sg0, sg1, sg2, sg3, sg4)
    ss = (ss0, ss1, ss2, ss3, ss4)
    srcs = ((kc_hbm, 0), (vc_hbm, HALF))
    NB = 5
    LEAD = 3

    def soff(local):
        return (b * H + q * 4 + local // CHPS) * SLAB + (local % CHPS) * CH

    def gather(src, local, k):
        pltpu.async_copy(src.at[pl.ds(soff(local), CH)], bufs[k], sg[k])

    def scatter(kvhalf, local, k):
        pltpu.async_copy(
            bufs[k], out_hbm.at[pl.ds(kvhalf + soff(local), CH)], ss[k])

    def wait_g(k):
        pltpu.make_async_copy(kc_hbm.at[pl.ds(0, CH)], bufs[k], sg[k]).wait()

    def wait_s(k):
        pltpu.make_async_copy(bufs[k], out_hbm.at[pl.ds(0, CH)], ss[k]).wait()

    def static_step(ch):
        kv, local = divmod(ch, NCK // 2)
        k = ch % NB
        wait_g(k)
        scatter(srcs[kv][1], local, k)
        gch = ch + LEAD
        if gch < NCK:
            kv2, local2 = divmod(gch, NCK // 2)
            if gch >= NB:
                wait_s(gch % NB)
            gather(srcs[kv2][0], local2, gch % NB)

    def make_body(kv):
        src, kvhalf = srcs[kv]

        def body(i, carry):
            for k in range(NB):
                local = NB * i + k - kv * (NCK // 2)
                wait_g(k)
                scatter(kvhalf, local, k)
                kn = (k + LEAD) % NB
                wait_s(kn)
                gather(src, local + LEAD, kn)
            return carry

        return body

    for ch in range(LEAD):
        kv2, local2 = divmod(ch, NCK // 2)
        gather(srcs[kv2][0], local2, ch % NB)

    pltpu.sync_copy(pos_hbm, pos_v)
    pos_b = pos_v[b][0]
    for j in range(4):
        noff = (b * H + q * 4 + j) * PCHUNK
        pltpu.async_copy(kn_hbm.at[pl.ds(noff, PCHUNK)],
                         pb.at[pl.ds((2 * j) * PCHUNK, PCHUNK)], sp)
        pltpu.async_copy(vn_hbm.at[pl.ds(noff, PCHUNK)],
                         pb.at[pl.ds((2 * j + 1) * PCHUNK, PCHUNK)], sp)

    for ch in range(NB):
        static_step(ch)
    lax.fori_loop(1, 12, make_body(0), None)
    for ch in range(60, 70):
        static_step(ch)
    lax.fori_loop(14, 25, make_body(1), None)
    for ch in range(NCK - 3, NCK):
        static_step(ch)
    for k in range(NB):
        wait_s(k)

    pltpu.make_async_copy(kn_hbm.at[pl.ds(0, 8 * PCHUNK)], pb, sp).wait()
    for j in range(4):
        doff = (b * H + q * 4 + j) * SLAB + pos_b * D
        pltpu.async_copy(pb.at[pl.ds((2 * j) * PCHUNK, PCHUNK)],
                         out_hbm.at[pl.ds(doff, PCHUNK)], sp)
        pltpu.async_copy(pb.at[pl.ds((2 * j + 1) * PCHUNK, PCHUNK)],
                         out_hbm.at[pl.ds(HALF + doff, PCHUNK)], sp)
    pltpu.make_async_copy(pb, kn_hbm.at[pl.ds(0, 8 * PCHUNK)], sp).wait()


def kernel(k_new, v_new, cache_seqlens, qcache_seqlens, k_cache_buf, v_cache_buf):
    pos = (cache_seqlens - qcache_seqlens).astype(jnp.int32)
    pos_by_batch = jnp.broadcast_to(pos[:, None], (B, 16))
    mesh = plsc.VectorSubcoreMesh(core_axis_name="c", subcore_axis_name="s")
    out_flat = pl.kernel(
        _body,
        out_type=jax.ShapeDtypeStruct((2 * HALF,), jnp.float32),
        mesh=mesh,
        scratch_types=[
            pltpu.VMEM((B, 16), jnp.int32),
            pltpu.VMEM((CH,), jnp.float32),
            pltpu.VMEM((CH,), jnp.float32),
            pltpu.VMEM((CH,), jnp.float32),
            pltpu.VMEM((CH,), jnp.float32),
            pltpu.VMEM((CH,), jnp.float32),
            pltpu.VMEM((8 * PCHUNK,), jnp.float32),
            pltpu.SemaphoreType.DMA,
            pltpu.SemaphoreType.DMA,
            pltpu.SemaphoreType.DMA,
            pltpu.SemaphoreType.DMA,
            pltpu.SemaphoreType.DMA,
            pltpu.SemaphoreType.DMA,
            pltpu.SemaphoreType.DMA,
            pltpu.SemaphoreType.DMA,
            pltpu.SemaphoreType.DMA,
            pltpu.SemaphoreType.DMA,
            pltpu.SemaphoreType.DMA,
        ],
    )(
        k_cache_buf.reshape(-1),
        v_cache_buf.reshape(-1),
        k_new.reshape(-1),
        v_new.reshape(-1),
        pos_by_batch,
    )
    return out_flat.reshape(2, B, H, S, D)

# --- scband reference (transcript-rebuilt; emitter-appended) ---
"""Pipeline reference for scband-kvcache-72275709657687 (READ-ONLY COPY).

The authoritative reference and input builder live on the scoring server;
editing this copy changes nothing except your own understanding.
"""

import jax, jax.numpy as jnp
import numpy as np

B, H, S, D, U = 8, 16, 2048, 128, 32


def setup_inputs(seed: int = 0) -> dict:
    key = jax.random.key(seed)
    k1, k2, k3 = jax.random.split(key, 3)
    k_new = jax.random.normal(k1, (B, H, U, D), dtype=jnp.float32)
    v_new = jax.random.normal(k2, (B, H, U, D), dtype=jnp.float32)
    cache_seqlens = jax.random.randint(k3, (B,), 0, S - U, dtype=jnp.int32)
    qcache_seqlens = jnp.zeros((B,), dtype=jnp.int32)
    # persistent KV cache buffers (module state), layout [B, H, S, D]
    k_cache_buf = jnp.zeros((B, H, S, D), dtype=jnp.float32)
    v_cache_buf = jnp.zeros((B, H, S, D), dtype=jnp.float32)
    return {
        'k_new': k_new,
        'v_new': v_new,
        'cache_seqlens': cache_seqlens,
        'qcache_seqlens': qcache_seqlens,
        'k_cache_buf': k_cache_buf,
        'v_cache_buf': v_cache_buf,
    }


def reference(k_new, v_new, cache_seqlens, qcache_seqlens, k_cache_buf, v_cache_buf):
    # Faithful translation of KVCache.update: scatter-overwrite new K/V chunks
    # into the persistent cache along the sequence dim, with per-batch write
    # offsets residual_lens = cache_seqlens - qcache_seqlens.
    residual_lens = cache_seqlens - qcache_seqlens  # [B]
    pos = residual_lens[:, None] + jnp.arange(U, dtype=residual_lens.dtype)  # [B, U]
    b_idx = jnp.arange(B)[:, None, None]   # [B,1,1]
    h_idx = jnp.arange(H)[None, :, None]   # [1,H,1]
    s_idx = pos[:, None, :]                # [B,1,U]
    k_updated = k_cache_buf.at[b_idx, h_idx, s_idx, :].set(k_new)
    v_updated = v_cache_buf.at[b_idx, h_idx, s_idx, :].set(v_new)
    return jnp.stack([k_updated, v_updated], axis=0)  # [2, B, H, S, D]

if __name__ == "__main__":
    import jax
    _d = setup_inputs()
    print(jax.jit(kernel)(*tuple(_d.values())))

</pallas_src>

<mosaic_0001>
#map = affine_map<(d0, d1) -> (0)>
#map1 = affine_map<(d0, d1) -> (0, 0)>
module attributes {stable_mosaic.version = 14 : i64} {
  func.func @_body(%arg0: i32, %arg1: i32, %arg2: memref<33554432xf32, #tpu.memory_space<hbm>>, %arg3: memref<33554432xf32, #tpu.memory_space<hbm>>, %arg4: memref<524288xf32, #tpu.memory_space<hbm>>, %arg5: memref<524288xf32, #tpu.memory_space<hbm>>, %arg6: memref<8x16xi32, #tpu.memory_space<hbm>>, %arg7: memref<67108864xf32, #tpu.memory_space<hbm>>, %arg8: memref<8x16xi32, #tpu.memory_space<vmem>>, %arg9: memref<16384xf32, #tpu.memory_space<vmem>>, %arg10: memref<16384xf32, #tpu.memory_space<vmem>>, %arg11: memref<16384xf32, #tpu.memory_space<vmem>>, %arg12: memref<16384xf32, #tpu.memory_space<vmem>>, %arg13: memref<16384xf32, #tpu.memory_space<vmem>>, %arg14: memref<32768xf32, #tpu.memory_space<vmem>>, %arg15: memref<!tpu.dma_semaphore, #tpu.memory_space<semaphore_mem>>, %arg16: memref<!tpu.dma_semaphore, #tpu.memory_space<semaphore_mem>>, %arg17: memref<!tpu.dma_semaphore, #tpu.memory_space<semaphore_mem>>, %arg18: memref<!tpu.dma_semaphore, #tpu.memory_space<semaphore_mem>>, %arg19: memref<!tpu.dma_semaphore, #tpu.memory_space<semaphore_mem>>, %arg20: memref<!tpu.dma_semaphore, #tpu.memory_space<semaphore_mem>>, %arg21: memref<!tpu.dma_semaphore, #tpu.memory_space<semaphore_mem>>, %arg22: memref<!tpu.dma_semaphore, #tpu.memory_space<semaphore_mem>>, %arg23: memref<!tpu.dma_semaphore, #tpu.memory_space<semaphore_mem>>, %arg24: memref<!tpu.dma_semaphore, #tpu.memory_space<semaphore_mem>>, %arg25: memref<!tpu.dma_semaphore, #tpu.memory_space<semaphore_mem>>) attributes {dimension_semantics = [#tpu.dimension_semantics<core_parallel>, #tpu.dimension_semantics<subcore_parallel>], iteration_bounds = array<i64: 2, 16>, scalar_prefetch = 0 : i64, scratch_operands = 18 : i64, tpu.core_type = #tpu.core_type<sc_vector_subcore>, window_params = [{transform_indices = #map}, {transform_indices = #map}, {transform_indices = #map}, {transform_indices = #map}, {transform_indices = #map1}, {transform_indices = #map}]} {
    %mul3A = arith.constant 2 : i32
    %mul3A_0 = arith.muli %arg1, %mul3A : i32
    %add3A = arith.addi %mul3A_0, %arg0 : i32
    %jit3A = arith.constant 4 : i32
    %div3A = arith.divsi %add3A, %jit3A : i32
    %sign3A = arith.constant 0 : i32
    %sign3A_1 = arith.cmpi sgt, %add3A, %sign3A : i32
    %sign3A_2 = arith.extui %sign3A_1 : i1 to i32
    %sign3A_3 = arith.constant 0 : i32
    %sign3A_4 = arith.cmpi slt, %add3A, %sign3A_3 : i32
    %sign3A_5 = arith.extui %sign3A_4 : i1 to i32
    %sign3A_6 = arith.subi %sign3A_2, %sign3A_5 : i32
    %sign3A_7 = arith.constant 0 : i32
    %sign3A_8 = arith.cmpi sgt, %jit3A, %sign3A_7 : i32
    %sign3A_9 = arith.extui %sign3A_8 : i1 to i32
    %sign3A_10 = arith.constant 0 : i32
    %sign3A_11 = arith.cmpi slt, %jit3A, %sign3A_10 : i32
    %sign3A_12 = arith.extui %sign3A_11 : i1 to i32
    %sign3A_13 = arith.subi %sign3A_9, %sign3A_12 : i32
    %ne3A = arith.cmpi ne, %sign3A_6, %sign3A_13 : i32
    %rem3A = arith.remsi %add3A, %jit3A : i32
    %ne3A_14 = arith.constant 0 : i32
    %ne3A_15 = arith.cmpi ne, %rem3A, %ne3A_14 : i32
    %and3A = arith.andi %ne3A, %ne3A_15 : i1
    %sub3A = arith.constant 1 : i32
    %sub3A_16 = arith.subi %div3A, %sub3A : i32
    %select_n3A = arith.select %and3A, %sub3A_16, %div3A : i32
    %jit3A_17 = arith.constant 4 : i32
    %eq3A = arith.constant 0 : i32
    %eq3A_18 = arith.cmpi eq, %jit3A_17, %eq3A : i32
    %jit3A_19 = arith.constant 1 : i32
    %select_n3A_20 = arith.select %eq3A_18, %jit3A_19, %jit3A_17 : i32
    %rem3A_21 = arith.remsi %add3A, %select_n3A_20 : i32
    %ne3A_22 = arith.constant 0 : i32
    %ne3A_23 = arith.cmpi ne, %rem3A_21, %ne3A_22 : i32
    %lt3A = arith.constant 0 : i32
    %lt3A_24 = arith.cmpi slt, %rem3A_21, %lt3A : i32
    %lt3A_25 = arith.constant 0 : i32
    %lt3A_26 = arith.cmpi slt, %select_n3A_20, %lt3A_25 : i32
    %ne3A_27 = arith.xori %lt3A_24, %lt3A_26 : i1
    %and3A_28 = arith.andi %ne3A_27, %ne3A_23 : i1
    %add3A_29 = arith.addi %rem3A_21, %select_n3A_20 : i32
    %select_n3A_30 = arith.select %and3A_28, %add3A_29, %rem3A_21 : i32
    %mul3A_31 = arith.constant 16 : i32
    %mul3A_32 = arith.muli %select_n3A, %mul3A_31 : i32
    %mul3A_33 = arith.constant 4 : i32
    %mul3A_34 = arith.muli %select_n3A_30, %mul3A_33 : i32
    %add3A_35 = arith.addi %mul3A_32, %mul3A_34 : i32
    %add3A_36 = arith.constant 0 : i32
    %add3A_37 = arith.addi %add3A_35, %add3A_36 : i32
    %mul3A_38 = arith.constant 262144 : i32
    %mul3A_39 = arith.muli %add3A_37, %mul3A_38 : i32
    %add3A_40 = arith.constant 0 : i32
    %add3A_41 = arith.addi %mul3A_39, %add3A_40 : i32
    %dma_start3A = tpu.memref_slice %arg2[%add3A_41] : memref<33554432xf32, #tpu.memory_space<hbm>> -> memref<16384xf32, #tpu.memory_space<hbm>>
    %dma_start3A_42 = tpu.memref_slice %arg2[%add3A_41] : memref<33554432xf32, #tpu.memory_space<hbm>> -> memref<16384xf32, #tpu.memory_space<hbm>>
    tpu.enqueue_dma source(%dma_start3A_42 : memref<16384xf32, #tpu.memory_space<hbm>>) target(%arg9 : memref<16384xf32, #tpu.memory_space<vmem>>) target_semaphore(%arg15 : memref<!tpu.dma_semaphore, #tpu.memory_space<semaphore_mem>>)
    %mul3A_43 = arith.constant 16 : i32
    %mul3A_44 = arith.muli %select_n3A, %mul3A_43 : i32
    %mul3A_45 = arith.constant 4 : i32
    %mul3A_46 = arith.muli %select_n3A_30, %mul3A_45 : i32
    %add3A_47 = arith.addi %mul3A_44, %mul3A_46 : i32
    %add3A_48 = arith.constant 0 : i32
    %add3A_49 = arith.addi %add3A_47, %add3A_48 : i32
    %mul3A_50 = arith.constant 262144 : i32
    %mul3A_51 = arith.muli %add3A_49, %mul3A_50 : i32
    %add3A_52 = arith.constant 16384 : i32
    %add3A_53 = arith.addi %mul3A_51, %add3A_52 : i32
    %dma_start3A_54 = tpu.memref_slice %arg2[%add3A_53] : memref<33554432xf32, #tpu.memory_space<hbm>> -> memref<16384xf32, #tpu.memory_space<hbm>>
    %dma_start3A_55 = tpu.memref_slice %arg2[%add3A_53] : memref<33554432xf32, #tpu.memory_space<hbm>> -> memref<16384xf32, #tpu.memory_space<hbm>>
    tpu.enqueue_dma source(%dma_start3A_55 : memref<16384xf32, #tpu.memory_space<hbm>>) target(%arg10 : memref<16384xf32, #tpu.memory_space<vmem>>) target_semaphore(%arg16 : memref<!tpu.dma_semaphore, #tpu.memory_space<semaphore_mem>>)
    %mul3A_56 = arith.constant 16 : i32
    %mul3A_57 = arith.muli %select_n3A, %mul3A_56 : i32
    %mul3A_58 = arith.constant 4 : i32
    %mul3A_59 = arith.muli %select_n3A_30, %mul3A_58 : i32
    %add3A_60 = arith.addi %mul3A_57, %mul3A_59 : i32
    %add3A_61 = arith.constant 0 : i32
    %add3A_62 = arith.addi %add3A_60, %add3A_61 : i32
    %mul3A_63 = arith.constant 262144 : i32
    %mul3A_64 = arith.muli %add3A_62, %mul3A_63 : i32
    %add3A_65 = arith.constant 32768 : i32
    %add3A_66 = arith.addi %mul3A_64, %add3A_65 : i32
    %dma_start3A_67 = tpu.memref_slice %arg2[%add3A_66] : memref<33554432xf32, #tpu.memory_space<hbm>> -> memref<16384xf32, #tpu.memory_space<hbm>>
    %dma_start3A_68 = tpu.memref_slice %arg2[%add3A_66] : memref<33554432xf32, #tpu.memory_space<hbm>> -> memref<16384xf32, #tpu.memory_space<hbm>>
    tpu.enqueue_dma source(%dma_start3A_68 : memref<16384xf32, #tpu.memory_space<hbm>>) target(%arg11 : memref<16384xf32, #tpu.memory_space<vmem>>) target_semaphore(%arg17 : memref<!tpu.dma_semaphore, #tpu.memory_space<semaphore_mem>>)
    "tpu.region"() ({
      %run_scoped3A = tpu.sem_alloc : memref<!tpu.dma_semaphore, #tpu.memory_space<semaphore_mem>>
      tpu.enqueue_dma source(%arg6 : memref<8x16xi32, #tpu.memory_space<hbm>>) target(%arg8 : memref<8x16xi32, #tpu.memory_space<vmem>>) target_semaphore(%run_scoped3A : memref<!tpu.dma_semaphore, #tpu.memory_space<semaphore_mem>>)
      tpu.wait_dma2 semaphore(%run_scoped3A : memref<!tpu.dma_semaphore, #tpu.memory_space<semaphore_mem>>) src(%arg6 : memref<8x16xi32, #tpu.memory_space<hbm>>) dst(%arg8 : memref<8x16xi32, #tpu.memory_space<vmem>>)
      tpu.yield
    }) : () -> ()
    %get3A = arith.index_cast %select_n3A : i32 to index
    %get3A_69 = arith.constant 0 : index
    %get3A_70 = tpu.vector_load %arg8[%get3A, %get3A_69] {strides = array<i32>} : memref<8x16xi32, #tpu.memory_space<vmem>>, vector<1x16xi32>,
    %get3A_71 = vector.shape_cast %get3A_70 : vector<1x16xi32> to vector<16xi32>
    %slice3A = vector.extract_strided_slice %get3A_71 {offsets = [0], sizes = [1], strides = [1]} : vector<16xi32> to vector<1xi32>
    %squeeze3A = vector.extract %slice3A[0] : i32 from vector<1xi32>
    %mul3A_72 = arith.constant 16 : i32
    %mul3A_73 = arith.muli %select_n3A, %mul3A_72 : i32
    %mul3A_74 = arith.constant 4 : i32
    %mul3A_75 = arith.muli %select_n3A_30, %mul3A_74 : i32
    %add3A_76 = arith.addi %mul3A_73, %mul3A_75 : i32
    %add3A_77 = arith.constant 0 : i32
    %add3A_78 = arith.addi %add3A_76, %add3A_77 : i32
    %mul3A_79 = arith.constant 4096 : i32
    %mul3A_80 = arith.muli %add3A_78, %mul3A_79 : i32
    %dma_start3A_81 = arith.constant 0 : i32
    %dma_start3A_82 = tpu.memref_slice %arg14[%dma_start3A_81] : memref<32768xf32, #tpu.memory_space<vmem>> -> memref<4096xf32, #tpu.memory_space<vmem>>
    %dma_start3A_83 = tpu.memref_slice %arg4[%mul3A_80] : memref<524288xf32, #tpu.memory_space<hbm>> -> memref<4096xf32, #tpu.memory_space<hbm>>
    %dma_start3A_84 = arith.constant 0 : i32
    %dma_start3A_85 = tpu.memref_slice %arg14[%dma_start3A_84] : memref<32768xf32, #tpu.memory_space<vmem>> -> memref<4096xf32, #tpu.memory_space<vmem>>
    %dma_start3A_86 = tpu.memref_slice %arg4[%mul3A_80] : memref<524288xf32, #tpu.memory_space<hbm>> -> memref<4096xf32, #tpu.memory_space<hbm>>
    tpu.enqueue_dma source(%dma_start3A_86 : memref<4096xf32, #tpu.memory_space<hbm>>) target(%dma_start3A_85 : memref<4096xf32, #tpu.memory_space<vmem>>) target_semaphore(%arg25 : memref<!tpu.dma_semaphore, #tpu.memory_space<semaphore_mem>>)
    %dma_start3A_87 = arith.constant 4096 : i32
    %dma_start3A_88 = tpu.memref_slice %arg14[%dma_start3A_87] : memref<32768xf32, #tpu.memory_space<vmem>> -> memref<4096xf32, #tpu.memory_space<vmem>>
    %dma_start3A_89 = tpu.memref_slice %arg5[%mul3A_80] : memref<524288xf32, #tpu.memory_space<hbm>> -> memref<4096xf32, #tpu.memory_space<hbm>>
    %dma_start3A_90 = arith.constant 4096 : i32
    %dma_start3A_91 = tpu.memref_slice %arg14[%dma_start3A_90] : memref<32768xf32, #tpu.memory_space<vmem>> -> memref<4096xf32, #tpu.memory_space<vmem>>
    %dma_start3A_92 = tpu.memref_slice %arg5[%mul3A_80] : memref<524288xf32, #tpu.memory_space<hbm>> -> memref<4096xf32, #tpu.memory_space<hbm>>
    tpu.enqueue_dma source(%dma_start3A_92 : memref<4096xf32, #tpu.memory_space<hbm>>) target(%dma_start3A_91 : memref<4096xf32, #tpu.memory_space<vmem>>) target_semaphore(%arg25 : memref<!tpu.dma_semaphore, #tpu.memory_space<semaphore_mem>>)
    %mul3A_93 = arith.constant 16 : i32
    %mul3A_94 = arith.muli %select_n3A, %mul3A_93 : i32
    %mul3A_95 = arith.constant 4 : i32
    %mul3A_96 = arith.muli %select_n3A_30, %mul3A_95 : i32
    %add3A_97 = arith.addi %mul3A_94, %mul3A_96 : i32
    %add3A_98 = arith.constant 1 : i32
    %add3A_99 = arith.addi %add3A_97, %add3A_98 : i32
    %mul3A_100 = arith.constant 4096 : i32
    %mul3A_101 = arith.muli %add3A_99, %mul3A_100 : i32
    %dma_start3A_102 = arith.constant 8192 : i32
    %dma_start3A_103 = tpu.memref_slice %arg14[%dma_start3A_102] : memref<32768xf32, #tpu.memory_space<vmem>> -> memref<4096xf32, #tpu.memory_space<vmem>>
    %dma_start3A_104 = tpu.memref_slice %arg4[%mul3A_101] : memref<524288xf32, #tpu.memory_space<hbm>> -> memref<4096xf32, #tpu.memory_space<hbm>>
    %dma_start3A_105 = arith.constant 8192 : i32
    %dma_start3A_106 = tpu.memref_slice %arg14[%dma_start3A_105] : memref<32768xf32, #tpu.memory_space<vmem>> -> memref<4096xf32, #tpu.memory_space<vmem>>
    %dma_start3A_107 = tpu.memref_slice %arg4[%mul3A_101] : memref<524288xf32, #tpu.memory_space<hbm>> -> memref<4096xf32, #tpu.memory_space<hbm>>
    tpu.enqueue_dma source(%dma_start3A_107 : memref<4096xf32, #tpu.memory_space<hbm>>) target(%dma_start3A_106 : memref<4096xf32, #tpu.memory_space<vmem>>) target_semaphore(%arg25 : memref<!tpu.dma_semaphore, #tpu.memory_space<semaphore_mem>>)
    %dma_start3A_108 = arith.constant 12288 : i32
    %dma_start3A_109 = tpu.memref_slice %arg14[%dma_start3A_108] : memref<32768xf32, #tpu.memory_space<vmem>> -> memref<4096xf32, #tpu.memory_space<vmem>>
    %dma_start3A_110 = tpu.memref_slice %arg5[%mul3A_101] : memref<524288xf32, #tpu.memory_space<hbm>> -> memref<4096xf32, #tpu.memory_space<hbm>>
    %dma_start3A_111 = arith.constant 12288 : i32
    %dma_start3A_112 = tpu.memref_slice %arg14[%dma_start3A_111] : memref<32768xf32, #tpu.memory_space<vmem>> -> memref<4096xf32, #tpu.memory_space<vmem>>
    %dma_start3A_113 = tpu.memref_slice %arg5[%mul3A_101] : memref<524288xf32, #tpu.memory_space<hbm>> -> memref<4096xf32, #tpu.memory_space<hbm>>
    tpu.enqueue_dma source(%dma_start3A_113 : memref<4096xf32, #tpu.memory_space<hbm>>) target(%dma_start3A_112 : memref<4096xf32, #tpu.memory_space<vmem>>) target_semaphore(%arg25 : memref<!tpu.dma_semaphore, #tpu.memory_space<semaphore_mem>>)
    %mul3A_114 = arith.constant 16 : i32
    %mul3A_115 = arith.muli %select_n3A, %mul3A_114 : i32
    %mul3A_116 = arith.constant 4 : i32
    %mul3A_117 = arith.muli %select_n3A_30, %mul3A_116 : i32
    %add3A_118 = arith.addi %mul3A_115, %mul3A_117 : i32
    %add3A_119 = arith.constant 2 : i32
    %add3A_120 = arith.addi %add3A_118, %add3A_119 : i32
    %mul3A_121 = arith.constant 4096 : i32
    %mul3A_122 = arith.muli %add3A_120, %mul3A_121 : i32
    %dma_start3A_123 = arith.constant 16384 : i32
    %dma_start3A_124 = tpu.memref_slice %arg14[%dma_start3A_123] : memref<32768xf32, #tpu.memory_space<vmem>> -> memref<4096xf32, #tpu.memory_space<vmem>>
    %dma_start3A_125 = tpu.memref_slice %arg4[%mul3A_122] : memref<524288xf32, #tpu.memory_space<hbm>> -> memref<4096xf32, #tpu.memory_space<hbm>>
    %dma_start3A_126 = arith.constant 16384 : i32
    %dma_start3A_127 = tpu.memref_slice %arg14[%dma_start3A_126] : memref<32768xf32, #tpu.memory_space<vmem>> -> memref<4096xf32, #tpu.memory_space<vmem>>
    %dma_start3A_128 = tpu.memref_slice %arg4[%mul3A_122] : memref<524288xf32, #tpu.memory_space<hbm>> -> memref<4096xf32, #tpu.memory_space<hbm>>
    tpu.enqueue_dma source(%dma_start3A_128 : memref<4096xf32, #tpu.memory_space<hbm>>) target(%dma_start3A_127 : memref<4096xf32, #tpu.memory_space<vmem>>) target_semaphore(%arg25 : memref<!tpu.dma_semaphore, #tpu.memory_space<semaphore_mem>>)
    %dma_start3A_129 = arith.constant 20480 : i32
    %dma_start3A_130 = tpu.memref_slice %arg14[%dma_start3A_129] : memref<32768xf32, #tpu.memory_space<vmem>> -> memref<4096xf32, #tpu.memory_space<vmem>>
    %dma_start3A_131 = tpu.memref_slice %arg5[%mul3A_122] : memref<524288xf32, #tpu.memory_space<hbm>> -> memref<4096xf32, #tpu.memory_space<hbm>>
    %dma_start3A_132 = arith.constant 20480 : i32
    %dma_start3A_133 = tpu.memref_slice %arg14[%dma_start3A_132] : memref<32768xf32, #tpu.memory_space<vmem>> -> memref<4096xf32, #tpu.memory_space<vmem>>
    %dma_start3A_134 = tpu.memref_slice %arg5[%mul3A_122] : memref<524288xf32, #tpu.memory_space<hbm>> -> memref<4096xf32, #tpu.memory_space<hbm>>
    tpu.enqueue_dma source(%dma_start3A_134 : memref<4096xf32, #tpu.memory_space<hbm>>) target(%dma_start3A_133 : memref<4096xf32, #tpu.memory_space<vmem>>) target_semaphore(%arg25 : memref<!tpu.dma_semaphore, #tpu.memory_space<semaphore_mem>>)
    %mul3A_135 = arith.constant 16 : i32
    %mul3A_136 = arith.muli %select_n3A, %mul3A_135 : i32
    %mul3A_137 = arith.constant 4 : i32
    %mul3A_138 = arith.muli %select_n3A_30, %mul3A_137 : i32
    %add3A_139 = arith.addi %mul3A_136, %mul3A_138 : i32
    %add3A_140 = arith.constant 3 : i32
    %add3A_141 = arith.addi %add3A_139, %add3A_140 : i32
    %mul3A_142 = arith.constant 4096 : i32
    %mul3A_143 = arith.muli %add3A_141, %mul3A_142 : i32
    %dma_start3A_144 = arith.constant 24576 : i32
    %dma_start3A_145 = tpu.memref_slice %arg14[%dma_start3A_144] : memref<32768xf32, #tpu.memory_space<vmem>> -> memref<4096xf32, #tpu.memory_space<vmem>>
    %dma_start3A_146 = tpu.memref_slice %arg4[%mul3A_143] : memref<524288xf32, #tpu.memory_space<hbm>> -> memref<4096xf32, #tpu.memory_space<hbm>>
    %dma_start3A_147 = arith.constant 24576 : i32
    %dma_start3A_148 = tpu.memref_slice %arg14[%dma_start3A_147] : memref<32768xf32, #tpu.memory_space<vmem>> -> memref<4096xf32, #tpu.memory_space<vmem>>
    %dma_start3A_149 = tpu.memref_slice %arg4[%mul3A_143] : memref<524288xf32, #tpu.memory_space<hbm>> -> memref<4096xf32, #tpu.memory_space<hbm>>
    tpu.enqueue_dma source(%dma_start3A_149 : memref<4096xf32, #tpu.memory_space<hbm>>) target(%dma_start3A_148 : memref<4096xf32, #tpu.memory_space<vmem>>) target_semaphore(%arg25 : memref<!tpu.dma_semaphore, #tpu.memory_space<semaphore_mem>>)
    %dma_start3A_150 = arith.constant 28672 : i32
    %dma_start3A_151 = tpu.memref_slice %arg14[%dma_start3A_150] : memref<32768xf32, #tpu.memory_space<vmem>> -> memref<4096xf32, #tpu.memory_space<vmem>>
    %dma_start3A_152 = tpu.memref_slice %arg5[%mul3A_143] : memref<524288xf32, #tpu.memory_space<hbm>> -> memref<4096xf32, #tpu.memory_space<hbm>>
    %dma_start3A_153 = arith.constant 28672 : i32
    %dma_start3A_154 = tpu.memref_slice %arg14[%dma_start3A_153] : memref<32768xf32, #tpu.memory_space<vmem>> -> memref<4096xf32, #tpu.memory_space<vmem>>
    %dma_start3A_155 = tpu.memref_slice %arg5[%mul3A_143] : memref<524288xf32, #tpu.memory_space<hbm>> -> memref<4096xf32, #tpu.memory_space<hbm>>
    tpu.enqueue_dma source(%dma_start3A_155 : memref<4096xf32, #tpu.memory_space<hbm>>) target(%dma_start3A_154 : memref<4096xf32, #tpu.memory_space<vmem>>) target_semaphore(%arg25 : memref<!tpu.dma_semaphore, #tpu.memory_space<semaphore_mem>>)
    %dma_wait3A = arith.constant 0 : i32
    %dma_wait3A_156 = tpu.memref_slice %arg2[%dma_wait3A] : memref<33554432xf32, #tpu.memory_space<hbm>> -> memref<16384xf32, #tpu.memory_space<hbm>>
    %dma_wait3A_157 = arith.constant 0 : i32
    %dma_wait3A_158 = tpu.memref_slice %arg2[%dma_wait3A_157] : memref<33554432xf32, #tpu.memory_space<hbm>> -> memref<16384xf32, #tpu.memory_space<hbm>>
    tpu.wait_dma2 semaphore(%arg15 : memref<!tpu.dma_semaphore, #tpu.memory_space<semaphore_mem>>) src(%dma_wait3A_158 : memref<16384xf32, #tpu.memory_space<hbm>>) dst(%arg9 : memref<16384xf32, #tpu.memory_space<vmem>>)
    %mul3A_159 = arith.constant 16 : i32
    %mul3A_160 = arith.muli %select_n3A, %mul3A_159 : i32
    %mul3A_161 = arith.constant 4 : i32
    %mul3A_162 = arith.muli %select_n3A_30, %mul3A_161 : i32
    %add3A_163 = arith.addi %mul3A_160, %mul3A_162 : i32
    %add3A_164 = arith.constant 0 : i32
    %add3A_165 = arith.addi %add3A_163, %add3A_164 : i32
    %mul3A_166 = arith.constant 262144 : i32
    %mul3A_167 = arith.muli %add3A_165, %mul3A_166 : i32
    %add3A_168 = arith.constant 0 : i32
    %add3A_169 = arith.addi %mul3A_167, %add3A_168 : i32
    %add3A_170 = arith.constant 0 : i32
    %add3A_171 = arith.addi %add3A_170, %add3A_169 : i32
    %dma_start3A_172 = tpu.memref_slice %arg7[%add3A_171] : memref<67108864xf32, #tpu.memory_space<hbm>> -> memref<16384xf32, #tpu.memory_space<hbm>>
    %dma_start3A_173 = tpu.memref_slice %arg7[%add3A_171] : memref<67108864xf32, #tpu.memory_space<hbm>> -> memref<16384xf32, #tpu.memory_space<hbm>>
    tpu.enqueue_dma source(%arg9 : memref<16384xf32, #tpu.memory_space<vmem>>) target(%dma_start3A_173 : memref<16384xf32, #tpu.memory_space<hbm>>) target_semaphore(%arg20 : memref<!tpu.dma_semaphore, #tpu.memory_space<semaphore_mem>>)
    %mul3A_174 = arith.constant 16 : i32
    %mul3A_175 = arith.muli %select_n3A, %mul3A_174 : i32
    %mul3A_176 = arith.constant 4 : i32
    %mul3A_177 = arith.muli %select_n3A_30, %mul3A_176 : i32
    %add3A_178 = arith.addi %mul3A_175, %mul3A_177 : i32
    %add3A_179 = arith.constant 0 : i32
    %add3A_180 = arith.addi %add3A_178, %add3A_179 : i32
    %mul3A_181 = arith.constant 262144 : i32
    %mul3A_182 = arith.muli %add3A_180, %mul3A_181 : i32
    %add3A_183 = arith.constant 49152 : i32
    %add3A_184 = arith.addi %mul3A_182, %add3A_183 : i32
    %dma_start3A_185 = tpu.memref_slice %arg2[%add3A_184] : memref<33554432xf32, #tpu.memory_space<hbm>> -> memref<16384xf32, #tpu.memory_space<hbm>>
    %dma_start3A_186 = tpu.memref_slice %arg2[%add3A_184] : memref<33554432xf32, #tpu.memory_space<hbm>> -> memref<16384xf32, #tpu.memory_space<hbm>>
    tpu.enqueue_dma source(%dma_start3A_186 : memref<16384xf32, #tpu.memory_space<hbm>>) target(%arg12 : memref<16384xf32, #tpu.memory_space<vmem>>) target_semaphore(%arg18 : memref<!tpu.dma_semaphore, #tpu.memory_space<semaphore_mem>>)
    %dma_wait3A_187 = arith.constant 0 : i32
    %dma_wait3A_188 = tpu.memref_slice %arg2[%dma_wait3A_187] : memref<33554432xf32, #tpu.memory_space<hbm>> -> memref<16384xf32, #tpu.memory_space<hbm>>
    %dma_wait3A_189 = arith.constant 0 : i32
    %dma_wait3A_190 = tpu.memref_slice %arg2[%dma_wait3A_189] : memref<33554432xf32, #tpu.memory_space<hbm>> -> memref<16384xf32, #tpu.memory_space<hbm>>
    tpu.wait_dma2 semaphore(%arg16 : memref<!tpu.dma_semaphore, #tpu.memory_space<semaphore_mem>>) src(%dma_wait3A_190 : memref<16384xf32, #tpu.memory_space<hbm>>) dst(%arg10 : memref<16384xf32, #tpu.memory_space<vmem>>)
    %mul3A_191 = arith.constant 16 : i32
    %mul3A_192 = arith.muli %select_n3A, %mul3A_191 : i32
    %mul3A_193 = arith.constant 4 : i32
    %mul3A_194 = arith.muli %select_n3A_30, %mul3A_193 : i32
    %add3A_195 = arith.addi %mul3A_192, %mul3A_194 : i32
    %add3A_196 = arith.constant 0 : i32
    %add3A_197 = arith.addi %add3A_195, %add3A_196 : i32
    %mul3A_198 = arith.constant 262144 : i32
    %mul3A_199 = arith.muli %add3A_197, %mul3A_198 : i32
    %add3A_200 = arith.constant 16384 : i32
    %add3A_201 = arith.addi %mul3A_199, %add3A_200 : i32
    %add3A_202 = arith.constant 0 : i32
    %add3A_203 = arith.addi %add3A_202, %add3A_201 : i32
    %dma_start3A_204 = tpu.memref_slice %arg7[%add3A_203] : memref<67108864xf32, #tpu.memory_space<hbm>> -> memref<16384xf32, #tpu.memory_space<hbm>>
    %dma_start3A_205 = tpu.memref_slice %arg7[%add3A_203] : memref<67108864xf32, #tpu.memory_space<hbm>> -> memref<16384xf32, #tpu.memory_space<hbm>>
    tpu.enqueue_dma source(%arg10 : memref<16384xf32, #tpu.memory_space<vmem>>) target(%dma_start3A_205 : memref<16384xf32, #tpu.memory_space<hbm>>) target_semaphore(%arg21 : memref<!tpu.dma_semaphore, #tpu.memory_space<semaphore_mem>>)
    %mul3A_206 = arith.constant 16 : i32
    %mul3A_207 = arith.muli %select_n3A, %mul3A_206 : i32
    %mul3A_208 = arith.constant 4 : i32
    %mul3A_209 = arith.muli %select_n3A_30, %mul3A_208 : i32
    %add3A_210 = arith.addi %mul3A_207, %mul3A_209 : i32
    %add3A_211 = arith.constant 0 : i32
    %add3A_212 = arith.addi %add3A_210, %add3A_211 : i32
    %mul3A_213 = arith.constant 262144 : i32
    %mul3A_214 = arith.muli %add3A_212, %mul3A_213 : i32
    %add3A_215 = arith.constant 65536 : i32
    %add3A_216 = arith.addi %mul3A_214, %add3A_215 : i32
    %dma_start3A_217 = tpu.memref_slice %arg2[%add3A_216] : memref<33554432xf32, #tpu.memory_space<hbm>> -> memref<16384xf32, #tpu.memory_space<hbm>>
    %dma_start3A_218 = tpu.memref_slice %arg2[%add3A_216] : memref<33554432xf32, #tpu.memory_space<hbm>> -> memref<16384xf32, #tpu.memory_space<hbm>>
    tpu.enqueue_dma source(%dma_start3A_218 : memref<16384xf32, #tpu.memory_space<hbm>>) target(%arg13 : memref<16384xf32, #tpu.memory_space<vmem>>) target_semaphore(%arg19 : memref<!tpu.dma_semaphore, #tpu.memory_space<semaphore_mem>>)
    %dma_wait3A_219 = arith.constant 0 : i32
    %dma_wait3A_220 = tpu.memref_slice %arg2[%dma_wait3A_219] : memref<33554432xf32, #tpu.memory_space<hbm>> -> memref<16384xf32, #tpu.memory_space<hbm>>
    %dma_wait3A_221 = arith.constant 0 : i32
    %dma_wait3A_222 = tpu.memref_slice %arg2[%dma_wait3A_221] : memref<33554432xf32, #tpu.memory_space<hbm>> -> memref<16384xf32, #tpu.memory_space<hbm>>
    tpu.wait_dma2 semaphore(%arg17 : memref<!tpu.dma_semaphore, #tpu.memory_space<semaphore_mem>>) src(%dma_wait3A_222 : memref<16384xf32, #tpu.memory_space<hbm>>) dst(%arg11 : memref<16384xf32, #tpu.memory_space<vmem>>)
    %mul3A_223 = arith.constant 16 : i32
    %mul3A_224 = arith.muli %select_n3A, %mul3A_223 : i32
    %mul3A_225 = arith.constant 4 : i32
    %mul3A_226 = arith.muli %select_n3A_30, %mul3A_225 : i32
    %add3A_227 = arith.addi %mul3A_224, %mul3A_226 : i32
    %add3A_228 = arith.constant 0 : i32
    %add3A_229 = arith.addi %add3A_227, %add3A_228 : i32
    %mul3A_230 = arith.constant 262144 : i32
    %mul3A_231 = arith.muli %add3A_229, %mul3A_230 : i32
    %add3A_232 = arith.constant 32768 : i32
    %add3A_233 = arith.addi %mul3A_231, %add3A_232 : i32
    %add3A_234 = arith.constant 0 : i32
    %add3A_235 = arith.addi %add3A_234, %add3A_233 : i32
    %dma_start3A_236 = tpu.memref_slice %arg7[%add3A_235] : memref<67108864xf32, #tpu.memory_space<hbm>> -> memref<16384xf32, #tpu.memory_space<hbm>>
    %dma_start3A_237 = tpu.memref_slice %arg7[%add3A_235] : memref<67108864xf32, #tpu.memory_space<hbm>> -> memref<16384xf32, #tpu.memory_space<hbm>>
    tpu.enqueue_dma source(%arg11 : memref<16384xf32, #tpu.memory_space<vmem>>) target(%dma_start3A_237 : memref<16384xf32, #tpu.memory_space<hbm>>) target_semaphore(%arg22 : memref<!tpu.dma_semaphore, #tpu.memory_space<semaphore_mem>>)
    %dma_wait3A_238 = arith.constant 0 : i32
    %dma_wait3A_239 = tpu.memref_slice %arg7[%dma_wait3A_238] : memref<67108864xf32, #tpu.memory_space<hbm>> -> memref<16384xf32, #tpu.memory_space<hbm>>
    %dma_wait3A_240 = arith.constant 0 : i32
    %dma_wait3A_241 = tpu.memref_slice %arg7[%dma_wait3A_240] : memref<67108864xf32, #tpu.memory_space<hbm>> -> memref<16384xf32, #tpu.memory_space<hbm>>
    tpu.wait_dma2 semaphore(%arg20 : memref<!tpu.dma_semaphore, #tpu.memory_space<semaphore_mem>>) src(%arg9 : memref<16384xf32, #tpu.memory_space<vmem>>) dst(%dma_wait3A_241 : memref<16384xf32, #tpu.memory_space<hbm>>)
    %mul3A_242 = arith.constant 16 : i32
    %mul3A_243 = arith.muli %select_n3A, %mul3A_242 : i32
    %mul3A_244 = arith.constant 4 : i32
    %mul3A_245 = arith.muli %select_n3A_30, %mul3A_244 : i32
    %add3A_246 = arith.addi %mul3A_243, %mul3A_245 : i32
    %add3A_247 = arith.constant 0 : i32
    %add3A_248 = arith.addi %add3A_246, %add3A_247 : i32
    %mul3A_249 = arith.constant 262144 : i32
    %mul3A_250 = arith.muli %add3A_248, %mul3A_249 : i32
    %add3A_251 = arith.constant 81920 : i32
    %add3A_252 = arith.addi %mul3A_250, %add3A_251 : i32
    %dma_start3A_253 = tpu.memref_slice %arg2[%add3A_252] : memref<33554432xf32, #tpu.memory_space<hbm>> -> memref<16384xf32, #tpu.memory_space<hbm>>
    %dma_start3A_254 = tpu.memref_slice %arg2[%add3A_252] : memref<33554432xf32, #tpu.memory_space<hbm>> -> memref<16384xf32, #tpu.memory_space<hbm>>
    tpu.enqueue_dma source(%dma_start3A_254 : memref<16384xf32, #tpu.memory_space<hbm>>) target(%arg9 : memref<16384xf32, #tpu.memory_space<vmem>>) target_semaphore(%arg15 : memref<!tpu.dma_semaphore, #tpu.memory_space<semaphore_mem>>)
    %dma_wait3A_255 = arith.constant 0 : i32
    %dma_wait3A_256 = tpu.memref_slice %arg2[%dma_wait3A_255] : memref<33554432xf32, #tpu.memory_space<hbm>> -> memref<16384xf32, #tpu.memory_space<hbm>>
    %dma_wait3A_257 = arith.constant 0 : i32
    %dma_wait3A_258 = tpu.memref_slice %arg2[%dma_wait3A_257] : memref<33554432xf32, #tpu.memory_space<hbm>> -> memref<16384xf32, #tpu.memory_space<hbm>>
    tpu.wait_dma2 semaphore(%arg18 : memref<!tpu.dma_semaphore, #tpu.memory_space<semaphore_mem>>) src(%dma_wait3A_258 : memref<16384xf32, #tpu.memory_space<hbm>>) dst(%arg12 : memref<16384xf32, #tpu.memory_space<vmem>>)
    %mul3A_259 = arith.constant 16 : i32
    %mul3A_260 = arith.muli %select_n3A, %mul3A_259 : i32
    %mul3A_261 = arith.constant 4 : i32
    %mul3A_262 = arith.muli %select_n3A_30, %mul3A_261 : i32
    %add3A_263 = arith.addi %mul3A_260, %mul3A_262 : i32
    %add3A_264 = arith.constant 0 : i32
    %add3A_265 = arith.addi %add3A_263, %add3A_264 : i32
    %mul3A_266 = arith.constant 262144 : i32
    %mul3A_267 = arith.muli %add3A_265, %mul3A_266 : i32
    %add3A_268 = arith.constant 49152 : i32
    %add3A_269 = arith.addi %mul3A_267, %add3A_268 : i32
    %add3A_270 = arith.constant 0 : i32
    %add3A_271 = arith.addi %add3A_270, %add3A_269 : i32
    %dma_start3A_272 = tpu.memref_slice %arg7[%add3A_271] : memref<67108864xf32, #tpu.memory_space<hbm>> -> memref<16384xf32, #tpu.memory_space<hbm>>
    %dma_start3A_273 = tpu.memref_slice %arg7[%add3A_271] : memref<67108864xf32, #tpu.memory_space<hbm>> -> memref<16384xf32, #tpu.memory_space<hbm>>
    tpu.enqueue_dma source(%arg12 : memref<16384xf32, #tpu.memory_space<vmem>>) target(%dma_start3A_273 : memref<16384xf32, #tpu.memory_space<hbm>>) target_semaphore(%arg23 : memref<!tpu.dma_semaphore, #tpu.memory_space<semaphore_mem>>)
    %dma_wait3A_274 = arith.constant 0 : i32
    %dma_wait3A_275 = tpu.memref_slice %arg7[%dma_wait3A_274] : memref<67108864xf32, #tpu.memory_space<hbm>> -> memref<16384xf32, #tpu.memory_space<hbm>>
    %dma_wait3A_276 = arith.constant 0 : i32
    %dma_wait3A_277 = tpu.memref_slice %arg7[%dma_wait3A_276] : memref<67108864xf32, #tpu.memory_space<hbm>> -> memref<16384xf32, #tpu.memory_space<hbm>>
    tpu.wait_dma2 semaphore(%arg21 : memref<!tpu.dma_semaphore, #tpu.memory_space<semaphore_mem>>) src(%arg10 : memref<16384xf32, #tpu.memory_space<vmem>>) dst(%dma_wait3A_277 : memref<16384xf32, #tpu.memory_space<hbm>>)
    %mul3A_278 = arith.constant 16 : i32
    %mul3A_279 = arith.muli %select_n3A, %mul3A_278 : i32
    %mul3A_280 = arith.constant 4 : i32
    %mul3A_281 = arith.muli %select_n3A_30, %mul3A_280 : i32
    %add3A_282 = arith.addi %mul3A_279, %mul3A_281 : i32
    %add3A_283 = arith.constant 0 : i32
    %add3A_284 = arith.addi %add3A_282, %add3A_283 : i32
    %mul3A_285 = arith.constant 262144 : i32
    %mul3A_286 = arith.muli %add3A_284, %mul3A_285 : i32
    %add3A_287 = arith.constant 98304 : i32
    %add3A_288 = arith.addi %mul3A_286, %add3A_287 : i32
    %dma_start3A_289 = tpu.memref_slice %arg2[%add3A_288] : memref<33554432xf32, #tpu.memory_space<hbm>> -> memref<16384xf32, #tpu.memory_space<hbm>>
    %dma_start3A_290 = tpu.memref_slice %arg2[%add3A_288] : memref<33554432xf32, #tpu.memory_space<hbm>> -> memref<16384xf32, #tpu.memory_space<hbm>>
    tpu.enqueue_dma source(%dma_start3A_290 : memref<16384xf32, #tpu.memory_space<hbm>>) target(%arg10 : memref<16384xf32, #tpu.memory_space<vmem>>) target_semaphore(%arg16 : memref<!tpu.dma_semaphore, #tpu.memory_space<semaphore_mem>>)
    %dma_wait3A_291 = arith.constant 0 : i32
    %dma_wait3A_292 = tpu.memref_slice %arg2[%dma_wait3A_291] : memref<33554432xf32, #tpu.memory_space<hbm>> -> memref<16384xf32, #tpu.memory_space<hbm>>
    %dma_wait3A_293 = arith.constant 0 : i32
    %dma_wait3A_294 = tpu.memref_slice %arg2[%dma_wait3A_293] : memref<33554432xf32, #tpu.memory_space<hbm>> -> memref<16384xf32, #tpu.memory_space<hbm>>
    tpu.wait_dma2 semaphore(%arg19 : memref<!tpu.dma_semaphore, #tpu.memory_space<semaphore_mem>>) src(%dma_wait3A_294 : memref<16384xf32, #tpu.memory_space<hbm>>) dst(%arg13 : memref<16384xf32, #tpu.memory_space<vmem>>)
    %mul3A_295 = arith.constant 16 : i32
    %mul3A_296 = arith.muli %select_n3A, %mul3A_295 : i32
    %mul3A_297 = arith.constant 4 : i32
    %mul3A_298 = arith.muli %select_n3A_30, %mul3A_297 : i32
    %add3A_299 = arith.addi %mul3A_296, %mul3A_298 : i32
    %add3A_300 = arith.constant 0 : i32
    %add3A_301 = arith.addi %add3A_299, %add3A_300 : i32
    %mul3A_302 = arith.constant 262144 : i32
    %mul3A_303 = arith.muli %add3A_301, %mul3A_302 : i32
    %add3A_304 = arith.constant 65536 : i32
    %add3A_305 = arith.addi %mul3A_303, %add3A_304 : i32
    %add3A_306 = arith.constant 0 : i32
    %add3A_307 = arith.addi %add3A_306, %add3A_305 : i32
    %dma_start3A_308 = tpu.memref_slice %arg7[%add3A_307] : memref<67108864xf32, #tpu.memory_space<hbm>> -> memref<16384xf32, #tpu.memory_space<hbm>>
    %dma_start3A_309 = tpu.memref_slice %arg7[%add3A_307] : memref<67108864xf32, #tpu.memory_space<hbm>> -> memref<16384xf32, #tpu.memory_space<hbm>>
    tpu.enqueue_dma source(%arg13 : memref<16384xf32, #tpu.memory_space<vmem>>) target(%dma_start3A_309 : memref<16384xf32, #tpu.memory_space<hbm>>) target_semaphore(%arg24 : memref<!tpu.dma_semaphore, #tpu.memory_space<semaphore_mem>>)
    %dma_wait3A_310 = arith.constant 0 : i32
    %dma_wait3A_311 = tpu.memref_slice %arg7[%dma_wait3A_310] : memref<67108864xf32, #tpu.memory_space<hbm>> -> memref<16384xf32, #tpu.memory_space<hbm>>
    %dma_wait3A_312 = arith.constant 0 : i32
    %dma_wait3A_313 = tpu.memref_slice %arg7[%dma_wait3A_312] : memref<67108864xf32, #tpu.memory_space<hbm>> -> memref<16384xf32, #tpu.memory_space<hbm>>
    tpu.wait_dma2 semaphore(%arg22 : memref<!tpu.dma_semaphore, #tpu.memory_space<semaphore_mem>>) src(%arg11 : memref<16384xf32, #tpu.memory_space<vmem>>) dst(%dma_wait3A_313 : memref<16384xf32, #tpu.memory_space<hbm>>)
    %mul3A_314 = arith.constant 16 : i32
    %mul3A_315 = arith.muli %select_n3A, %mul3A_314 : i32
    %mul3A_316 = arith.constant 4 : i32
    %mul3A_317 = arith.muli %select_n3A_30, %mul3A_316 : i32
    %add3A_318 = arith.addi %mul3A_315, %mul3A_317 : i32
    %add3A_319 = arith.constant 0 : i32
    %add3A_320 = arith.addi %add3A_318, %add3A_319 : i32
    %mul3A_321 = arith.constant 262144 : i32
    %mul3A_322 = arith.muli %add3A_320, %mul3A_321 : i32
    %add3A_323 = arith.constant 114688 : i32
    %add3A_324 = arith.addi %mul3A_322, %add3A_323 : i32
    %dma_start3A_325 = tpu.memref_slice %arg2[%add3A_324] : memref<33554432xf32, #tpu.memory_space<hbm>> -> memref<16384xf32, #tpu.memory_space<hbm>>
    %dma_start3A_326 = tpu.memref_slice %arg2[%add3A_324] : memref<33554432xf32, #tpu.memory_space<hbm>> -> memref<16384xf32, #tpu.memory_space<hbm>>
    tpu.enqueue_dma source(%dma_start3A_326 : memref<16384xf32, #tpu.memory_space<hbm>>) target(%arg11 : memref<16384xf32, #tpu.memory_space<vmem>>) target_semaphore(%arg17 : memref<!tpu.dma_semaphore, #tpu.memory_space<semaphore_mem>>)
    %scan3A = arith.constant 1 : i32
    %scan3A_327 = arith.constant 11 : i32
    %scan3A_328 = arith.addi %scan3A, %scan3A_327 : i32
    %scan3A_329 = arith.constant 1 : i32
    scf.for %scan3A_885 = %scan3A to %scan3A_328 step %scan3A_329  : i32 {
      %mul3A_886 = arith.constant 5 : i32
      %mul3A_887 = arith.muli %mul3A_886, %scan3A_885 : i32
      %add3A_888 = arith.constant 0 : i32
      %add3A_889 = arith.addi %mul3A_887, %add3A_888 : i32
      %sub3A_890 = arith.constant 0 : i32
      %sub3A_891 = arith.subi %add3A_889, %sub3A_890 : i32
      %dma_wait3A_892 = arith.constant 0 : i32
      %dma_wait3A_893 = tpu.memref_slice %arg2[%dma_wait3A_892] : memref<33554432xf32, #tpu.memory_space<hbm>> -> memref<16384xf32, #tpu.memory_space<hbm>>
      %dma_wait3A_894 = arith.constant 0 : i32
      %dma_wait3A_895 = tpu.memref_slice %arg2[%dma_wait3A_894] : memref<33554432xf32, #tpu.memory_space<hbm>> -> memref<16384xf32, #tpu.memory_space<hbm>>
      tpu.wait_dma2 semaphore(%arg15 : memref<!tpu.dma_semaphore, #tpu.memory_space<semaphore_mem>>) src(%dma_wait3A_895 : memref<16384xf32, #tpu.memory_space<hbm>>) dst(%arg9 : memref<16384xf32, #tpu.memory_space<vmem>>)
      %mul3A_896 = arith.constant 16 : i32
      %mul3A_897 = arith.muli %select_n3A, %mul3A_896 : i32
      %mul3A_898 = arith.constant 4 : i32
      %mul3A_899 = arith.muli %select_n3A_30, %mul3A_898 : i32
      %add3A_900 = arith.addi %mul3A_897, %mul3A_899 : i32
      %jit3A_901 = arith.constant 16 : i32
      %div3A_902 = arith.divsi %sub3A_891, %jit3A_901 : i32
      %sign3A_903 = arith.constant 0 : i32
      %sign3A_904 = arith.cmpi sgt, %sub3A_891, %sign3A_903 : i32
      %sign3A_905 = arith.extui %sign3A_904 : i1 to i32
      %sign3A_906 = arith.constant 0 : i32
      %sign3A_907 = arith.cmpi slt, %sub3A_891, %sign3A_906 : i32
      %sign3A_908 = arith.extui %sign3A_907 : i1 to i32
      %sign3A_909 = arith.subi %sign3A_905, %sign3A_908 : i32
      %sign3A_910 = arith.constant 0 : i32
      %sign3A_911 = arith.cmpi sgt, %jit3A_901, %sign3A_910 : i32
      %sign3A_912 = arith.extui %sign3A_911 : i1 to i32
      %sign3A_913 = arith.constant 0 : i32
      %sign3A_914 = arith.cmpi slt, %jit3A_901, %sign3A_913 : i32
      %sign3A_915 = arith.extui %sign3A_914 : i1 to i32
      %sign3A_916 = arith.subi %sign3A_912, %sign3A_915 : i32
      %ne3A_917 = arith.cmpi ne, %sign3A_909, %sign3A_916 : i32
      %rem3A_918 = arith.remsi %sub3A_891, %jit3A_901 : i32
      %ne3A_919 = arith.constant 0 : i32
      %ne3A_920 = arith.cmpi ne, %rem3A_918, %ne3A_919 : i32
      %and3A_921 = arith.andi %ne3A_917, %ne3A_920 : i1
      %sub3A_922 = arith.constant 1 : i32
      %sub3A_923 = arith.subi %div3A_902, %sub3A_922 : i32
      %select_n3A_924 = arith.select %and3A_921, %sub3A_923, %div3A_902 : i32
      %add3A_925 = arith.addi %add3A_900, %select_n3A_924 : i32
      %mul3A_926 = arith.constant 262144 : i32
      %mul3A_927 = arith.muli %add3A_925, %mul3A_926 : i32
      %jit3A_928 = arith.constant 16 : i32
      %eq3A_929 = arith.constant 0 : i32
      %eq3A_930 = arith.cmpi eq, %jit3A_928, %eq3A_929 : i32
      %jit3A_931 = arith.constant 1 : i32
      %select_n3A_932 = arith.select %eq3A_930, %jit3A_931, %jit3A_928 : i32
      %rem3A_933 = arith.remsi %sub3A_891, %select_n3A_932 : i32
      %ne3A_934 = arith.constant 0 : i32
      %ne3A_935 = arith.cmpi ne, %rem3A_933, %ne3A_934 : i32
      %lt3A_936 = arith.constant 0 : i32
      %lt3A_937 = arith.cmpi slt, %rem3A_933, %lt3A_936 : i32
      %lt3A_938 = arith.constant 0 : i32
      %lt3A_939 = arith.cmpi slt, %select_n3A_932, %lt3A_938 : i32
      %ne3A_940 = arith.xori %lt3A_937, %lt3A_939 : i1
      %and3A_941 = arith.andi %ne3A_940, %ne3A_935 : i1
      %add3A_942 = arith.addi %rem3A_933, %select_n3A_932 : i32
      %select_n3A_943 = arith.select %and3A_941, %add3A_942, %rem3A_933 : i32
      %mul3A_944 = arith.constant 16384 : i32
      %mul3A_945 = arith.muli %select_n3A_943, %mul3A_944 : i32
      %add3A_946 = arith.addi %mul3A_927, %mul3A_945 : i32
      %add3A_947 = arith.constant 0 : i32
      %add3A_948 = arith.addi %add3A_947, %add3A_946 : i32
      %dma_start3A_949 = tpu.memref_slice %arg7[%add3A_948] : memref<67108864xf32, #tpu.memory_space<hbm>> -> memref<16384xf32, #tpu.memory_space<hbm>>
      %dma_start3A_950 = tpu.memref_slice %arg7[%add3A_948] : memref<67108864xf32, #tpu.memory_space<hbm>> -> memref<16384xf32, #tpu.memory_space<hbm>>
      tpu.enqueue_dma source(%arg9 : memref<16384xf32, #tpu.memory_space<vmem>>) target(%dma_start3A_950 : memref<16384xf32, #tpu.memory_space<hbm>>) target_semaphore(%arg20 : memref<!tpu.dma_semaphore, #tpu.memory_space<semaphore_mem>>)
      %dma_wait3A_951 = arith.constant 0 : i32
      %dma_wait3A_952 = tpu.memref_slice %arg7[%dma_wait3A_951] : memref<67108864xf32, #tpu.memory_space<hbm>> -> memref<16384xf32, #tpu.memory_space<hbm>>
      %dma_wait3A_953 = arith.constant 0 : i32
      %dma_wait3A_954 = tpu.memref_slice %arg7[%dma_wait3A_953] : memref<67108864xf32, #tpu.memory_space<hbm>> -> memref<16384xf32, #tpu.memory_space<hbm>>
      tpu.wait_dma2 semaphore(%arg23 : memref<!tpu.dma_semaphore, #tpu.memory_space<semaphore_mem>>) src(%arg12 : memref<16384xf32, #tpu.memory_space<vmem>>) dst(%dma_wait3A_954 : memref<16384xf32, #tpu.memory_space<hbm>>)
      %add3A_955 = arith.constant 3 : i32
      %add3A_956 = arith.addi %sub3A_891, %add3A_955 : i32
      %mul3A_957 = arith.constant 16 : i32
      %mul3A_958 = arith.muli %select_n3A, %mul3A_957 : i32
      %mul3A_959 = arith.constant 4 : i32
      %mul3A_960 = arith.muli %select_n3A_30, %mul3A_959 : i32
      %add3A_961 = arith.addi %mul3A_958, %mul3A_960 : i32
      %jit3A_962 = arith.constant 16 : i32
      %div3A_963 = arith.divsi %add3A_956, %jit3A_962 : i32
      %sign3A_964 = arith.constant 0 : i32
      %sign3A_965 = arith.cmpi sgt, %add3A_956, %sign3A_964 : i32
      %sign3A_966 = arith.extui %sign3A_965 : i1 to i32
      %sign3A_967 = arith.constant 0 : i32
      %sign3A_968 = arith.cmpi slt, %add3A_956, %sign3A_967 : i32
      %sign3A_969 = arith.extui %sign3A_968 : i1 to i32
      %sign3A_970 = arith.subi %sign3A_966, %sign3A_969 : i32
      %sign3A_971 = arith.constant 0 : i32
      %sign3A_972 = arith.cmpi sgt, %jit3A_962, %sign3A_971 : i32
      %sign3A_973 = arith.extui %sign3A_972 : i1 to i32
      %sign3A_974 = arith.constant 0 : i32
      %sign3A_975 = arith.cmpi slt, %jit3A_962, %sign3A_974 : i32
      %sign3A_976 = arith.extui %sign3A_975 : i1 to i32
      %sign3A_977 = arith.subi %sign3A_973, %sign3A_976 : i32
      %ne3A_978 = arith.cmpi ne, %sign3A_970, %sign3A_977 : i32
      %rem3A_979 = arith.remsi %add3A_956, %jit3A_962 : i32
      %ne3A_980 = arith.constant 0 : i32
      %ne3A_981 = arith.cmpi ne, %rem3A_979, %ne3A_980 : i32
      %and3A_982 = arith.andi %ne3A_978, %ne3A_981 : i1
      %sub3A_983 = arith.constant 1 : i32
      %sub3A_984 = arith.subi %div3A_963, %sub3A_983 : i32
      %select_n3A_985 = arith.select %and3A_982, %sub3A_984, %div3A_963 : i32
      %add3A_986 = arith.addi %add3A_961, %select_n3A_985 : i32
      %mul3A_987 = arith.constant 262144 : i32
      %mul3A_988 = arith.muli %add3A_986, %mul3A_987 : i32
      %jit3A_989 = arith.constant 16 : i32
      %eq3A_990 = arith.constant 0 : i32
      %eq3A_991 = arith.cmpi eq, %jit3A_989, %eq3A_990 : i32
      %jit3A_992 = arith.constant 1 : i32
      %select_n3A_993 = arith.select %eq3A_991, %jit3A_992, %jit3A_989 : i32
      %rem3A_994 = arith.remsi %add3A_956, %select_n3A_993 : i32
      %ne3A_995 = arith.constant 0 : i32
      %ne3A_996 = arith.cmpi ne, %rem3A_994, %ne3A_995 : i32
      %lt3A_997 = arith.constant 0 : i32
      %lt3A_998 = arith.cmpi slt, %rem3A_994, %lt3A_997 : i32
      %lt3A_999 = arith.constant 0 : i32
      %lt3A_1000 = arith.cmpi slt, %select_n3A_993, %lt3A_999 : i32
      %ne3A_1001 = arith.xori %lt3A_998, %lt3A_1000 : i1
      %and3A_1002 = arith.andi %ne3A_1001, %ne3A_996 : i1
      %add3A_1003 = arith.addi %rem3A_994, %select_n3A_993 : i32
      %select_n3A_1004 = arith.select %and3A_1002, %add3A_1003, %rem3A_994 : i32
      %mul3A_1005 = arith.constant 16384 : i32
      %mul3A_1006 = arith.muli %select_n3A_1004, %mul3A_1005 : i32
      %add3A_1007 = arith.addi %mul3A_988, %mul3A_1006 : i32
      %dma_start3A_1008 = tpu.memref_slice %arg2[%add3A_1007] : memref<33554432xf32, #tpu.memory_space<hbm>> -> memref<16384xf32, #tpu.memory_space<hbm>>
      %dma_start3A_1009 = tpu.memref_slice %arg2[%add3A_1007] : memref<33554432xf32, #tpu.memory_space<hbm>> -> memref<16384xf32, #tpu.memory_space<hbm>>
      tpu.enqueue_dma source(%dma_start3A_1009 : memref<16384xf32, #tpu.memory_space<hbm>>) target(%arg12 : memref<16384xf32, #tpu.memory_space<vmem>>) target_semaphore(%arg18 : memref<!tpu.dma_semaphore, #tpu.memory_space<semaphore_mem>>)
      %mul3A_1010 = arith.constant 5 : i32
      %mul3A_1011 = arith.muli %mul3A_1010, %scan3A_885 : i32
      %add3A_1012 = arith.constant 1 : i32
      %add3A_1013 = arith.addi %mul3A_1011, %add3A_1012 : i32
      %sub3A_1014 = arith.constant 0 : i32
      %sub3A_1015 = arith.subi %add3A_1013, %sub3A_1014 : i32
      %dma_wait3A_1016 = arith.constant 0 : i32
      %dma_wait3A_1017 = tpu.memref_slice %arg2[%dma_wait3A_1016] : memref<33554432xf32, #tpu.memory_space<hbm>> -> memref<16384xf32, #tpu.memory_space<hbm>>
      %dma_wait3A_1018 = arith.constant 0 : i32
      %dma_wait3A_1019 = tpu.memref_slice %arg2[%dma_wait3A_1018] : memref<33554432xf32, #tpu.memory_space<hbm>> -> memref<16384xf32, #tpu.memory_space<hbm>>
      tpu.wait_dma2 semaphore(%arg16 : memref<!tpu.dma_semaphore, #tpu.memory_space<semaphore_mem>>) src(%dma_wait3A_1019 : memref<16384xf32, #tpu.memory_space<hbm>>) dst(%arg10 : memref<16384xf32, #tpu.memory_space<vmem>>)
      %mul3A_1020 = arith.constant 16 : i32
      %mul3A_1021 = arith.muli %select_n3A, %mul3A_1020 : i32
      %mul3A_1022 = arith.constant 4 : i32
      %mul3A_1023 = arith.muli %select_n3A_30, %mul3A_1022 : i32
      %add3A_1024 = arith.addi %mul3A_1021, %mul3A_1023 : i32
      %jit3A_1025 = arith.constant 16 : i32
      %div3A_1026 = arith.divsi %sub3A_1015, %jit3A_1025 : i32
      %sign3A_1027 = arith.constant 0 : i32
      %sign3A_1028 = arith.cmpi sgt, %sub3A_1015, %sign3A_1027 : i32
      %sign3A_1029 = arith.extui %sign3A_1028 : i1 to i32
      %sign3A_1030 = arith.constant 0 : i32
      %sign3A_1031 = arith.cmpi slt, %sub3A_1015, %sign3A_1030 : i32
      %sign3A_1032 = arith.extui %sign3A_1031 : i1 to i32
      %sign3A_1033 = arith.subi %sign3A_1029, %sign3A_1032 : i32
      %sign3A_1034 = arith.constant 0 : i32
      %sign3A_1035 = arith.cmpi sgt, %jit3A_1025, %sign3A_1034 : i32
      %sign3A_1036 = arith.extui %sign3A_1035 : i1 to i32
      %sign3A_1037 = arith.constant 0 : i32
      %sign3A_1038 = arith.cmpi slt, %jit3A_1025, %sign3A_1037 : i32
      %sign3A_1039 = arith.extui %sign3A_1038 : i1 to i32
      %sign3A_1040 = arith.subi %sign3A_1036, %sign3A_1039 : i32
      %ne3A_1041 = arith.cmpi ne, %sign3A_1033, %sign3A_1040 : i32
      %rem3A_1042 = arith.remsi %sub3A_1015, %jit3A_1025 : i32
      %ne3A_1043 = arith.constant 0 : i32
      %ne3A_1044 = arith.cmpi ne, %rem3A_1042, %ne3A_1043 : i32
      %and3A_1045 = arith.andi %ne3A_1041, %ne3A_1044 : i1
      %sub3A_1046 = arith.constant 1 : i32
      %sub3A_1047 = arith.subi %div3A_1026, %sub3A_1046 : i32
      %select_n3A_1048 = arith.select %and3A_1045, %sub3A_1047, %div3A_1026 : i32
      %add3A_1049 = arith.addi %add3A_1024, %select_n3A_1048 : i32
      %mul3A_1050 = arith.constant 262144 : i32
      %mul3A_1051 = arith.muli %add3A_1049, %mul3A_1050 : i32
      %jit3A_1052 = arith.constant 16 : i32
      %eq3A_1053 = arith.constant 0 : i32
      %eq3A_1054 = arith.cmpi eq, %jit3A_1052, %eq3A_1053 : i32
      %jit3A_1055 = arith.constant 1 : i32
      %select_n3A_1056 = arith.select %eq3A_1054, %jit3A_1055, %jit3A_1052 : i32
      %rem3A_1057 = arith.remsi %sub3A_1015, %select_n3A_1056 : i32
      %ne3A_1058 = arith.constant 0 : i32
      %ne3A_1059 = arith.cmpi ne, %rem3A_1057, %ne3A_1058 : i32
      %lt3A_1060 = arith.constant 0 : i32
      %lt3A_1061 = arith.cmpi slt, %rem3A_1057, %lt3A_1060 : i32
      %lt3A_1062 = arith.constant 0 : i32
      %lt3A_1063 = arith.cmpi slt, %select_n3A_1056, %lt3A_1062 : i32
      %ne3A_1064 = arith.xori %lt3A_1061, %lt3A_1063 : i1
      %and3A_1065 = arith.andi %ne3A_1064, %ne3A_1059 : i1
      %add3A_1066 = arith.addi %rem3A_1057, %select_n3A_1056 : i32
      %select_n3A_1067 = arith.select %and3A_1065, %add3A_1066, %rem3A_1057 : i32
      %mul3A_1068 = arith.constant 16384 : i32
      %mul3A_1069 = arith.muli %select_n3A_1067, %mul3A_1068 : i32
      %add3A_1070 = arith.addi %mul3A_1051, %mul3A_1069 : i32
      %add3A_1071 = arith.constant 0 : i32
      %add3A_1072 = arith.addi %add3A_1071, %add3A_1070 : i32
      %dma_start3A_1073 = tpu.memref_slice %arg7[%add3A_1072] : memref<67108864xf32, #tpu.memory_space<hbm>> -> memref<16384xf32, #tpu.memory_space<hbm>>
      %dma_start3A_1074 = tpu.memref_slice %arg7[%add3A_1072] : memref<67108864xf32, #tpu.memory_space<hbm>> -> memref<16384xf32, #tpu.memory_space<hbm>>
      tpu.enqueue_dma source(%arg10 : memref<16384xf32, #tpu.memory_space<vmem>>) target(%dma_start3A_1074 : memref<16384xf32, #tpu.memory_space<hbm>>) target_semaphore(%arg21 : memref<!tpu.dma_semaphore, #tpu.memory_space<semaphore_mem>>)
      %dma_wait3A_1075 = arith.constant 0 : i32
      %dma_wait3A_1076 = tpu.memref_slice %arg7[%dma_wait3A_1075] : memref<67108864xf32, #tpu.memory_space<hbm>> -> memref<16384xf32, #tpu.memory_space<hbm>>
      %dma_wait3A_1077 = arith.constant 0 : i32
      %dma_wait3A_1078 = tpu.memref_slice %arg7[%dma_wait3A_1077] : memref<67108864xf32, #tpu.memory_space<hbm>> -> memref<16384xf32, #tpu.memory_space<hbm>>
      tpu.wait_dma2 semaphore(%arg24 : memref<!tpu.dma_semaphore, #tpu.memory_space<semaphore_mem>>) src(%arg13 : memref<16384xf32, #tpu.memory_space<vmem>>) dst(%dma_wait3A_1078 : memref<16384xf32, #tpu.memory_space<hbm>>)
      %add3A_1079 = arith.constant 3 : i32
      %add3A_1080 = arith.addi %sub3A_1015, %add3A_1079 : i32
      %mul3A_1081 = arith.constant 16 : i32
      %mul3A_1082 = arith.muli %select_n3A, %mul3A_1081 : i32
      %mul3A_1083 = arith.constant 4 : i32
      %mul3A_1084 = arith.muli %select_n3A_30, %mul3A_1083 : i32
      %add3A_1085 = arith.addi %mul3A_1082, %mul3A_1084 : i32
      %jit3A_1086 = arith.constant 16 : i32
      %div3A_1087 = arith.divsi %add3A_1080, %jit3A_1086 : i32
      %sign3A_1088 = arith.constant 0 : i32
      %sign3A_1089 = arith.cmpi sgt, %add3A_1080, %sign3A_1088 : i32
      %sign3A_1090 = arith.extui %sign3A_1089 : i1 to i32
      %sign3A_1091 = arith.constant 0 : i32
      %sign3A_1092 = arith.cmpi slt, %add3A_1080, %sign3A_1091 : i32
      %sign3A_1093 = arith.extui %sign3A_1092 : i1 to i32
      %sign3A_1094 = arith.subi %sign3A_1090, %sign3A_1093 : i32
      %sign3A_1095 = arith.constant 0 : i32
      %sign3A_1096 = arith.cmpi sgt, %jit3A_1086, %sign3A_1095 : i32
      %sign3A_1097 = arith.extui %sign3A_1096 : i1 to i32
      %sign3A_1098 = arith.constant 0 : i32
      %sign3A_1099 = arith.cmpi slt, %jit3A_1086, %sign3A_1098 : i32
      %sign3A_1100 = arith.extui %sign3A_1099 : i1 to i32
      %sign3A_1101 = arith.subi %sign3A_1097, %sign3A_1100 : i32
      %ne3A_1102 = arith.cmpi ne, %sign3A_1094, %sign3A_1101 : i32
      %rem3A_1103 = arith.remsi %add3A_1080, %jit3A_1086 : i32
      %ne3A_1104 = arith.constant 0 : i32
      %ne3A_1105 = arith.cmpi ne, %rem3A_1103, %ne3A_1104 : i32
      %and3A_1106 = arith.andi %ne3A_1102, %ne3A_1105 : i1
      %sub3A_1107 = arith.constant 1 : i32
      %sub3A_1108 = arith.subi %div3A_1087, %sub3A_1107 : i32
      %select_n3A_1109 = arith.select %and3A_1106, %sub3A_1108, %div3A_1087 : i32
      %add3A_1110 = arith.addi %add3A_1085, %select_n3A_1109 : i32
      %mul3A_1111 = arith.constant 262144 : i32
      %mul3A_1112 = arith.muli %add3A_1110, %mul3A_1111 : i32
      %jit3A_1113 = arith.constant 16 : i32
      %eq3A_1114 = arith.constant 0 : i32
      %eq3A_1115 = arith.cmpi eq, %jit3A_1113, %eq3A_1114 : i32
      %jit3A_1116 = arith.constant 1 : i32
      %select_n3A_1117 = arith.select %eq3A_1115, %jit3A_1116, %jit3A_1113 : i32
      %rem3A_1118 = arith.remsi %add3A_1080, %select_n3A_1117 : i32
      %ne3A_1119 = arith.constant 0 : i32
      %ne3A_1120 = arith.cmpi ne, %rem3A_1118, %ne3A_1119 : i32
      %lt3A_1121 = arith.constant 0 : i32
      %lt3A_1122 = arith.cmpi slt, %rem3A_1118, %lt3A_1121 : i32
      %lt3A_1123 = arith.constant 0 : i32
      %lt3A_1124 = arith.cmpi slt, %select_n3A_1117, %lt3A_1123 : i32
      %ne3A_1125 = arith.xori %lt3A_1122, %lt3A_1124 : i1
      %and3A_1126 = arith.andi %ne3A_1125, %ne3A_1120 : i1
      %add3A_1127 = arith.addi %rem3A_1118, %select_n3A_1117 : i32
      %select_n3A_1128 = arith.select %and3A_1126, %add3A_1127, %rem3A_1118 : i32
      %mul3A_1129 = arith.constant 16384 : i32
      %mul3A_1130 = arith.muli %select_n3A_1128, %mul3A_1129 : i32
      %add3A_1131 = arith.addi %mul3A_1112, %mul3A_1130 : i32
      %dma_start3A_1132 = tpu.memref_slice %arg2[%add3A_1131] : memref<33554432xf32, #tpu.memory_space<hbm>> -> memref<16384xf32, #tpu.memory_space<hbm>>
      %dma_start3A_1133 = tpu.memref_slice %arg2[%add3A_1131] : memref<33554432xf32, #tpu.memory_space<hbm>> -> memref<16384xf32, #tpu.memory_space<hbm>>
      tpu.enqueue_dma source(%dma_start3A_1133 : memref<16384xf32, #tpu.memory_space<hbm>>) target(%arg13 : memref<16384xf32, #tpu.memory_space<vmem>>) target_semaphore(%arg19 : memref<!tpu.dma_semaphore, #tpu.memory_space<semaphore_mem>>)
      %mul3A_1134 = arith.constant 5 : i32
      %mul3A_1135 = arith.muli %mul3A_1134, %scan3A_885 : i32
      %add3A_1136 = arith.constant 2 : i32
      %add3A_1137 = arith.addi %mul3A_1135, %add3A_1136 : i32
      %sub3A_1138 = arith.constant 0 : i32
      %sub3A_1139 = arith.subi %add3A_1137, %sub3A_1138 : i32
      %dma_wait3A_1140 = arith.constant 0 : i32
      %dma_wait3A_1141 = tpu.memref_slice %arg2[%dma_wait3A_1140] : memref<33554432xf32, #tpu.memory_space<hbm>> -> memref<16384xf32, #tpu.memory_space<hbm>>
      %dma_wait3A_1142 = arith.constant 0 : i32
      %dma_wait3A_1143 = tpu.memref_slice %arg2[%dma_wait3A_1142] : memref<33554432xf32, #tpu.memory_space<hbm>> -> memref<16384xf32, #tpu.memory_space<hbm>>
      tpu.wait_dma2 semaphore(%arg17 : memref<!tpu.dma_semaphore, #tpu.memory_space<semaphore_mem>>) src(%dma_wait3A_1143 : memref<16384xf32, #tpu.memory_space<hbm>>) dst(%arg11 : memref<16384xf32, #tpu.memory_space<vmem>>)
      %mul3A_1144 = arith.constant 16 : i32
      %mul3A_1145 = arith.muli %select_n3A, %mul3A_1144 : i32
      %mul3A_1146 = arith.constant 4 : i32
      %mul3A_1147 = arith.muli %select_n3A_30, %mul3A_1146 : i32
      %add3A_1148 = arith.addi %mul3A_1145, %mul3A_1147 : i32
      %jit3A_1149 = arith.constant 16 : i32
      %div3A_1150 = arith.divsi %sub3A_1139, %jit3A_1149 : i32
      %sign3A_1151 = arith.constant 0 : i32
      %sign3A_1152 = arith.cmpi sgt, %sub3A_1139, %sign3A_1151 : i32
      %sign3A_1153 = arith.extui %sign3A_1152 : i1 to i32
      %sign3A_1154 = arith.constant 0 : i32
      %sign3A_1155 = arith.cmpi slt, %sub3A_1139, %sign3A_1154 : i32
      %sign3A_1156 = arith.extui %sign3A_1155 : i1 to i32
      %sign3A_1157 = arith.subi %sign3A_1153, %sign3A_1156 : i32
      %sign3A_1158 = arith.constant 0 : i32
      %sign3A_1159 = arith.cmpi sgt, %jit3A_1149, %sign3A_1158 : i32
      %sign3A_1160 = arith.extui %sign3A_1159 : i1 to i32
      %sign3A_1161 = arith.constant 0 : i32
      %sign3A_1162 = arith.cmpi slt, %jit3A_1149, %sign3A_1161 : i32
      %sign3A_1163 = arith.extui %sign3A_1162 : i1 to i32
      %sign3A_1164 = arith.subi %sign3A_1160, %sign3A_1163 : i32
      %ne3A_1165 = arith.cmpi ne, %sign3A_1157, %sign3A_1164 : i32
      %rem3A_1166 = arith.remsi %sub3A_1139, %jit3A_1149 : i32
      %ne3A_1167 = arith.constant 0 : i32
      %ne3A_1168 = arith.cmpi ne, %rem3A_1166, %ne3A_1167 : i32
      %and3A_1169 = arith.andi %ne3A_1165, %ne3A_1168 : i1
      %sub3A_1170 = arith.constant 1 : i32
      %sub3A_1171 = arith.subi %div3A_1150, %sub3A_1170 : i32
      %select_n3A_1172 = arith.select %and3A_1169, %sub3A_1171, %div3A_1150 : i32
      %add3A_1173 = arith.addi %add3A_1148, %select_n3A_1172 : i32
      %mul3A_1174 = arith.constant 262144 : i32
      %mul3A_1175 = arith.muli %add3A_1173, %mul3A_1174 : i32
      %jit3A_1176 = arith.constant 16 : i32
      %eq3A_1177 = arith.constant 0 : i32
      %eq3A_1178 = arith.cmpi eq, %jit3A_1176, %eq3A_1177 : i32
      %jit3A_1179 = arith.constant 1 : i32
      %select_n3A_1180 = arith.select %eq3A_1178, %jit3A_1179, %jit3A_1176 : i32
      %rem3A_1181 = arith.remsi %sub3A_1139, %select_n3A_1180 : i32
      %ne3A_1182 = arith.constant 0 : i32
      %ne3A_1183 = arith.cmpi ne, %rem3A_1181, %ne3A_1182 : i32
      %lt3A_1184 = arith.constant 0 : i32
      %lt3A_1185 = arith.cmpi slt, %rem3A_1181, %lt3A_1184 : i32
      %lt3A_1186 = arith.constant 0 : i32
      %lt3A_1187 = arith.cmpi slt, %select_n3A_1180, %lt3A_1186 : i32
      %ne3A_1188 = arith.xori %lt3A_1185, %lt3A_1187 : i1
      %and3A_1189 = arith.andi %ne3A_1188, %ne3A_1183 : i1
      %add3A_1190 = arith.addi %rem3A_1181, %select_n3A_1180 : i32
      %select_n3A_1191 = arith.select %and3A_1189, %add3A_1190, %rem3A_1181 : i32
      %mul3A_1192 = arith.constant 16384 : i32
      %mul3A_1193 = arith.muli %select_n3A_1191, %mul3A_1192 : i32
      %add3A_1194 = arith.addi %mul3A_1175, %mul3A_1193 : i32
      %add3A_1195 = arith.constant 0 : i32
      %add3A_1196 = arith.addi %add3A_1195, %add3A_1194 : i32
      %dma_start3A_1197 = tpu.memref_slice %arg7[%add3A_1196] : memref<67108864xf32, #tpu.memory_space<hbm>> -> memref<16384xf32, #tpu.memory_space<hbm>>
      %dma_start3A_1198 = tpu.memref_slice %arg7[%add3A_1196] : memref<67108864xf32, #tpu.memory_space<hbm>> -> memref<16384xf32, #tpu.memory_space<hbm>>
      tpu.enqueue_dma source(%arg11 : memref<16384xf32, #tpu.memory_space<vmem>>) target(%dma_start3A_1198 : memref<16384xf32, #tpu.memory_space<hbm>>) target_semaphore(%arg22 : memref<!tpu.dma_semaphore, #tpu.memory_space<semaphore_mem>>)
      %dma_wait3A_1199 = arith.constant 0 : i32
      %dma_wait3A_1200 = tpu.memref_slice %arg7[%dma_wait3A_1199] : memref<67108864xf32, #tpu.memory_space<hbm>> -> memref<16384xf32, #tpu.memory_space<hbm>>
      %dma_wait3A_1201 = arith.constant 0 : i32
      %dma_wait3A_1202 = tpu.memref_slice %arg7[%dma_wait3A_1201] : memref<67108864xf32, #tpu.memory_space<hbm>> -> memref<16384xf32, #tpu.memory_space<hbm>>
      tpu.wait_dma2 semaphore(%arg20 : memref<!tpu.dma_semaphore, #tpu.memory_space<semaphore_mem>>) src(%arg9 : memref<16384xf32, #tpu.memory_space<vmem>>) dst(%dma_wait3A_1202 : memref<16384xf32, #tpu.memory_space<hbm>>)
      %add3A_1203 = arith.constant 3 : i32
      %add3A_1204 = arith.addi %sub3A_1139, %add3A_1203 : i32
      %mul3A_1205 = arith.constant 16 : i32
      %mul3A_1206 = arith.muli %select_n3A, %mul3A_1205 : i32
      %mul3A_1207 = arith.constant 4 : i32
      %mul3A_1208 = arith.muli %select_n3A_30, %mul3A_1207 : i32
      %add3A_1209 = arith.addi %mul3A_1206, %mul3A_1208 : i32
      %jit3A_1210 = arith.constant 16 : i32
      %div3A_1211 = arith.divsi %add3A_1204, %jit3A_1210 : i32
      %sign3A_1212 = arith.constant 0 : i32
      %sign3A_1213 = arith.cmpi sgt, %add3A_1204, %sign3A_1212 : i32
      %sign3A_1214 = arith.extui %sign3A_1213 : i1 to i32
      %sign3A_1215 = arith.constant 0 : i32
      %sign3A_1216 = arith.cmpi slt, %add3A_1204, %sign3A_1215 : i32
      %sign3A_1217 = arith.extui %sign3A_1216 : i1 to i32
      %sign3A_1218 = arith.subi %sign3A_1214, %sign3A_1217 : i32
      %sign3A_1219 = arith.constant 0 : i32
      %sign3A_1220 = arith.cmpi sgt, %jit3A_1210, %sign3A_1219 : i32
      %sign3A_1221 = arith.extui %sign3A_1220 : i1 to i32
      %sign3A_1222 = arith.constant 0 : i32
      %sign3A_1223 = arith.cmpi slt, %jit3A_1210, %sign3A_1222 : i32
      %sign3A_1224 = arith.extui %sign3A_1223 : i1 to i32
      %sign3A_1225 = arith.subi %sign3A_1221, %sign3A_1224 : i32
      %ne3A_1226 = arith.cmpi ne, %sign3A_1218, %sign3A_1225 : i32
      %rem3A_1227 = arith.remsi %add3A_1204, %jit3A_1210 : i32
      %ne3A_1228 = arith.constant 0 : i32
      %ne3A_1229 = arith.cmpi ne, %rem3A_1227, %ne3A_1228 : i32
      %and3A_1230 = arith.andi %ne3A_1226, %ne3A_1229 : i1
      %sub3A_1231 = arith.constant 1 : i32
      %sub3A_1232 = arith.subi %div3A_1211, %sub3A_1231 : i32
      %select_n3A_1233 = arith.select %and3A_1230, %sub3A_1232, %div3A_1211 : i32
      %add3A_1234 = arith.addi %add3A_1209, %select_n3A_1233 : i32
      %mul3A_1235 = arith.constant 262144 : i32
      %mul3A_1236 = arith.muli %add3A_1234, %mul3A_1235 : i32
      %jit3A_1237 = arith.constant 16 : i32
      %eq3A_1238 = arith.constant 0 : i32
      %eq3A_1239 = arith.cmpi eq, %jit3A_1237, %eq3A_1238 : i32
      %jit3A_1240 = arith.constant 1 : i32
      %select_n3A_1241 = arith.select %eq3A_1239, %jit3A_1240, %jit3A_1237 : i32
      %rem3A_1242 = arith.remsi %add3A_1204, %select_n3A_1241 : i32
      %ne3A_1243 = arith.constant 0 : i32
      %ne3A_1244 = arith.cmpi ne, %rem3A_1242, %ne3A_1243 : i32
      %lt3A_1245 = arith.constant 0 : i32
      %lt3A_1246 = arith.cmpi slt, %rem3A_1242, %lt3A_1245 : i32
      %lt3A_1247 = arith.constant 0 : i32
      %lt3A_1248 = arith.cmpi slt, %select_n3A_1241, %lt3A_1247 : i32
      %ne3A_1249 = arith.xori %lt3A_1246, %lt3A_1248 : i1
      %and3A_1250 = arith.andi %ne3A_1249, %ne3A_1244 : i1
      %add3A_1251 = arith.addi %rem3A_1242, %select_n3A_1241 : i32
      %select_n3A_1252 = arith.select %and3A_1250, %add3A_1251, %rem3A_1242 : i32
      %mul3A_1253 = arith.constant 16384 : i32
      %mul3A_1254 = arith.muli %select_n3A_1252, %mul3A_1253 : i32
      %add3A_1255 = arith.addi %mul3A_1236, %mul3A_1254 : i32
      %dma_start3A_1256 = tpu.memref_slice %arg2[%add3A_1255] : memref<33554432xf32, #tpu.memory_space<hbm>> -> memref<16384xf32, #tpu.memory_space<hbm>>
      %dma_start3A_1257 = tpu.memref_slice %arg2[%add3A_1255] : memref<33554432xf32, #tpu.memory_space<hbm>> -> memref<16384xf32, #tpu.memory_space<hbm>>
      tpu.enqueue_dma source(%dma_start3A_1257 : memref<16384xf32, #tpu.memory_space<hbm>>) target(%arg9 : memref<16384xf32, #tpu.memory_space<vmem>>) target_semaphore(%arg15 : memref<!tpu.dma_semaphore, #tpu.memory_space<semaphore_mem>>)
      %mul3A_1258 = arith.constant 5 : i32
      %mul3A_1259 = arith.muli %mul3A_1258, %scan3A_885 : i32
      %add3A_1260 = arith.constant 3 : i32
      %add3A_1261 = arith.addi %mul3A_1259, %add3A_1260 : i32
      %sub3A_1262 = arith.constant 0 : i32
      %sub3A_1263 = arith.subi %add3A_1261, %sub3A_1262 : i32
      %dma_wait3A_1264 = arith.constant 0 : i32
      %dma_wait3A_1265 = tpu.memref_slice %arg2[%dma_wait3A_1264] : memref<33554432xf32, #tpu.memory_space<hbm>> -> memref<16384xf32, #tpu.memory_space<hbm>>
      %dma_wait3A_1266 = arith.constant 0 : i32
      %dma_wait3A_1267 = tpu.memref_slice %arg2[%dma_wait3A_1266] : memref<33554432xf32, #tpu.memory_space<hbm>> -> memref<16384xf32, #tpu.memory_space<hbm>>
      tpu.wait_dma2 semaphore(%arg18 : memref<!tpu.dma_semaphore, #tpu.memory_space<semaphore_mem>>) src(%dma_wait3A_1267 : memref<16384xf32, #tpu.memory_space<hbm>>) dst(%arg12 : memref<16384xf32, #tpu.memory_space<vmem>>)
      %mul3A_1268 = arith.constant 16 : i32
      %mul3A_1269 = arith.muli %select_n3A, %mul3A_1268 : i32
      %mul3A_1270 = arith.constant 4 : i32
      %mul3A_1271 = arith.muli %select_n3A_30, %mul3A_1270 : i32
      %add3A_1272 = arith.addi %mul3A_1269, %mul3A_1271 : i32
      %jit3A_1273 = arith.constant 16 : i32
      %div3A_1274 = arith.divsi %sub3A_1263, %jit3A_1273 : i32
      %sign3A_1275 = arith.constant 0 : i32
      %sign3A_1276 = arith.cmpi sgt, %sub3A_1263, %sign3A_1275 : i32
      %sign3A_1277 = arith.extui %sign3A_1276 : i1 to i32
      %sign3A_1278 = arith.constant 0 : i32
      %sign3A_1279 = arith.cmpi slt, %sub3A_1263, %sign3A_1278 : i32
      %sign3A_1280 = arith.extui %sign3A_1279 : i1 to i32
      %sign3A_1281 = arith.subi %sign3A_1277, %sign3A_1280 : i32
      %sign3A_1282 = arith.constant 0 : i32
      %sign3A_1283 = arith.cmpi sgt, %jit3A_1273, %sign3A_1282 : i32
      %sign3A_1284 = arith.extui %sign3A_1283 : i1 to i32
      %sign3A_1285 = arith.constant 0 : i32
      %sign3A_1286 = arith.cmpi slt, %jit3A_1273, %sign3A_1285 : i32
      %sign3A_1287 = arith.extui %sign3A_1286 : i1 to i32
      %sign3A_1288 = arith.subi %sign3A_1284, %sign3A_1287 : i32
      %ne3A_1289 = arith.cmpi ne, %sign3A_1281, %sign3A_1288 : i32
      %rem3A_1290 = arith.remsi %sub3A_1263, %jit3A_1273 : i32
      %ne3A_1291 = arith.constant 0 : i32
      %ne3A_1292 = arith.cmpi ne, %rem3A_1290, %ne3A_1291 : i32
      %and3A_1293 = arith.andi %ne3A_1289, %ne3A_1292 : i1
      %sub3A_1294 = arith.constant 1 : i32
      %sub3A_1295 = arith.subi %div3A_1274, %sub3A_1294 : i32
      %select_n3A_1296 = arith.select %and3A_1293, %sub3A_1295, %div3A_1274 : i32
      %add3A_1297 = arith.addi %add3A_1272, %select_n3A_1296 : i32
      %mul3A_1298 = arith.constant 262144 : i32
      %mul3A_1299 = arith.muli %add3A_1297, %mul3A_1298 : i32
      %jit3A_1300 = arith.constant 16 : i32
      %eq3A_1301 = arith.constant 0 : i32
      %eq3A_1302 = arith.cmpi eq, %jit3A_1300, %eq3A_1301 : i32
      %jit3A_1303 = arith.constant 1 : i32
      %select_n3A_1304 = arith.select %eq3A_1302, %jit3A_1303, %jit3A_1300 : i32
      %rem3A_1305 = arith.remsi %sub3A_1263, %select_n3A_1304 : i32
      %ne3A_1306 = arith.constant 0 : i32
      %ne3A_1307 = arith.cmpi ne, %rem3A_1305, %ne3A_1306 : i32
      %lt3A_1308 = arith.constant 0 : i32
      %lt3A_1309 = arith.cmpi slt, %rem3A_1305, %lt3A_1308 : i32
      %lt3A_1310 = arith.constant 0 : i32
      %lt3A_1311 = arith.cmpi slt, %select_n3A_1304, %lt3A_1310 : i32
      %ne3A_1312 = arith.xori %lt3A_1309, %lt3A_1311 : i1
      %and3A_1313 = arith.andi %ne3A_1312, %ne3A_1307 : i1
      %add3A_1314 = arith.addi %rem3A_1305, %select_n3A_1304 : i32
      %select_n3A_1315 = arith.select %and3A_1313, %add3A_1314, %rem3A_1305 : i32
      %mul3A_1316 = arith.constant 16384 : i32
      %mul3A_1317 = arith.muli %select_n3A_1315, %mul3A_1316 : i32
      %add3A_1318 = arith.addi %mul3A_1299, %mul3A_1317 : i32
      %add3A_1319 = arith.constant 0 : i32
      %add3A_1320 = arith.addi %add3A_1319, %add3A_1318 : i32
      %dma_start3A_1321 = tpu.memref_slice %arg7[%add3A_1320] : memref<67108864xf32, #tpu.memory_space<hbm>> -> memref<16384xf32, #tpu.memory_space<hbm>>
      %dma_start3A_1322 = tpu.memref_slice %arg7[%add3A_1320] : memref<67108864xf32, #tpu.memory_space<hbm>> -> memref<16384xf32, #tpu.memory_space<hbm>>
      tpu.enqueue_dma source(%arg12 : memref<16384xf32, #tpu.memory_space<vmem>>) target(%dma_start3A_1322 : memref<16384xf32, #tpu.memory_space<hbm>>) target_semaphore(%arg23 : memref<!tpu.dma_semaphore, #tpu.memory_space<semaphore_mem>>)
      %dma_wait3A_1323 = arith.constant 0 : i32
      %dma_wait3A_1324 = tpu.memref_slice %arg7[%dma_wait3A_1323] : memref<67108864xf32, #tpu.memory_space<hbm>> -> memref<16384xf32, #tpu.memory_space<hbm>>
      %dma_wait3A_1325 = arith.constant 0 : i32
      %dma_wait3A_1326 = tpu.memref_slice %arg7[%dma_wait3A_1325] : memref<67108864xf32, #tpu.memory_space<hbm>> -> memref<16384xf32, #tpu.memory_space<hbm>>
      tpu.wait_dma2 semaphore(%arg21 : memref<!tpu.dma_semaphore, #tpu.memory_space<semaphore_mem>>) src(%arg10 : memref<16384xf32, #tpu.memory_space<vmem>>) dst(%dma_wait3A_1326 : memref<16384xf32, #tpu.memory_space<hbm>>)
      %add3A_1327 = arith.constant 3 : i32
      %add3A_1328 = arith.addi %sub3A_1263, %add3A_1327 : i32
      %mul3A_1329 = arith.constant 16 : i32
      %mul3A_1330 = arith.muli %select_n3A, %mul3A_1329 : i32
      %mul3A_1331 = arith.constant 4 : i32
      %mul3A_1332 = arith.muli %select_n3A_30, %mul3A_1331 : i32
      %add3A_1333 = arith.addi %mul3A_1330, %mul3A_1332 : i32
      %jit3A_1334 = arith.constant 16 : i32
      %div3A_1335 = arith.divsi %add3A_1328, %jit3A_1334 : i32
      %sign3A_1336 = arith.constant 0 : i32
      %sign3A_1337 = arith.cmpi sgt, %add3A_1328, %sign3A_1336 : i32
      %sign3A_1338 = arith.extui %sign3A_1337 : i1 to i32
      %sign3A_1339 = arith.constant 0 : i32
      %sign3A_1340 = arith.cmpi slt, %add3A_1328, %sign3A_1339 : i32
      %sign3A_1341 = arith.extui %sign3A_1340 : i1 to i32
      %sign3A_1342 = arith.subi %sign3A_1338, %sign3A_1341 : i32
      %sign3A_1343 = arith.constant 0 : i32
      %sign3A_1344 = arith.cmpi sgt, %jit3A_1334, %sign3A_1343 : i32
      %sign3A_1345 = arith.extui %sign3A_1344 : i1 to i32
      %sign3A_1346 = arith.constant 0 : i32
      %sign3A_1347 = arith.cmpi slt, %jit3A_1334, %sign3A_1346 : i32
      %sign3A_1348 = arith.extui %sign3A_1347 : i1 to i32
      %sign3A_1349 = arith.subi %sign3A_1345, %sign3A_1348 : i32
      %ne3A_1350 = arith.cmpi ne, %sign3A_1342, %sign3A_1349 : i32
      %rem3A_1351 = arith.remsi %add3A_1328, %jit3A_1334 : i32
      %ne3A_1352 = arith.constant 0 : i32
      %ne3A_1353 = arith.cmpi ne, %rem3A_1351, %ne3A_1352 : i32
      %and3A_1354 = arith.andi %ne3A_1350, %ne3A_1353 : i1
      %sub3A_1355 = arith.constant 1 : i32
      %sub3A_1356 = arith.subi %div3A_1335, %sub3A_1355 : i32
      %select_n3A_1357 = arith.select %and3A_1354, %sub3A_1356, %div3A_1335 : i32
      %add3A_1358 = arith.addi %add3A_1333, %select_n3A_1357 : i32
      %mul3A_1359 = arith.constant 262144 : i32
      %mul3A_1360 = arith.muli %add3A_1358, %mul3A_1359 : i32
      %jit3A_1361 = arith.constant 16 : i32
      %eq3A_1362 = arith.constant 0 : i32
      %eq3A_1363 = arith.cmpi eq, %jit3A_1361, %eq3A_1362 : i32
      %jit3A_1364 = arith.constant 1 : i32
      %select_n3A_1365 = arith.select %eq3A_1363, %jit3A_1364, %jit3A_1361 : i32
      %rem3A_1366 = arith.remsi %add3A_1328, %select_n3A_1365 : i32
      %ne3A_1367 = arith.constant 0 : i32
      %ne3A_1368 = arith.cmpi ne, %rem3A_1366, %ne3A_1367 : i32
      %lt3A_1369 = arith.constant 0 : i32
      %lt3A_1370 = arith.cmpi slt, %rem3A_1366, %lt3A_1369 : i32
      %lt3A_1371 = arith.constant 0 : i32
      %lt3A_1372 = arith.cmpi slt, %select_n3A_1365, %lt3A_1371 : i32
      %ne3A_1373 = arith.xori %lt3A_1370, %lt3A_1372 : i1
      %and3A_1374 = arith.andi %ne3A_1373, %ne3A_1368 : i1
      %add3A_1375 = arith.addi %rem3A_1366, %select_n3A_1365 : i32
      %select_n3A_1376 = arith.select %and3A_1374, %add3A_1375, %rem3A_1366 : i32
      %mul3A_1377 = arith.constant 16384 : i32
      %mul3A_1378 = arith.muli %select_n3A_1376, %mul3A_1377 : i32
      %add3A_1379 = arith.addi %mul3A_1360, %mul3A_1378 : i32
      %dma_start3A_1380 = tpu.memref_slice %arg2[%add3A_1379] : memref<33554432xf32, #tpu.memory_space<hbm>> -> memref<16384xf32, #tpu.memory_space<hbm>>
      %dma_start3A_1381 = tpu.memref_slice %arg2[%add3A_1379] : memref<33554432xf32, #tpu.memory_space<hbm>> -> memref<16384xf32, #tpu.memory_space<hbm>>
      tpu.enqueue_dma source(%dma_start3A_1381 : memref<16384xf32, #tpu.memory_space<hbm>>) target(%arg10 : memref<16384xf32, #tpu.memory_space<vmem>>) target_semaphore(%arg16 : memref<!tpu.dma_semaphore, #tpu.memory_space<semaphore_mem>>)
      %mul3A_1382 = arith.constant 5 : i32
      %mul3A_1383 = arith.muli %mul3A_1382, %scan3A_885 : i32
      %add3A_1384 = arith.constant 4 : i32
      %add3A_1385 = arith.addi %mul3A_1383, %add3A_1384 : i32
      %sub3A_1386 = arith.constant 0 : i32
      %sub3A_1387 = arith.subi %add3A_1385, %sub3A_1386 : i32
      %dma_wait3A_1388 = arith.constant 0 : i32
      %dma_wait3A_1389 = tpu.memref_slice %arg2[%dma_wait3A_1388] : memref<33554432xf32, #tpu.memory_space<hbm>> -> memref<16384xf32, #tpu.memory_space<hbm>>
      %dma_wait3A_1390 = arith.constant 0 : i32
      %dma_wait3A_1391 = tpu.memref_slice %arg2[%dma_wait3A_1390] : memref<33554432xf32, #tpu.memory_space<hbm>> -> memref<16384xf32, #tpu.memory_space<hbm>>
      tpu.wait_dma2 semaphore(%arg19 : memref<!tpu.dma_semaphore, #tpu.memory_space<semaphore_mem>>) src(%dma_wait3A_1391 : memref<16384xf32, #tpu.memory_space<hbm>>) dst(%arg13 : memref<16384xf32, #tpu.memory_space<vmem>>)
      %mul3A_1392 = arith.constant 16 : i32
      %mul3A_1393 = arith.muli %select_n3A, %mul3A_1392 : i32
      %mul3A_1394 = arith.constant 4 : i32
      %mul3A_1395 = arith.muli %select_n3A_30, %mul3A_1394 : i32
      %add3A_1396 = arith.addi %mul3A_1393, %mul3A_1395 : i32
      %jit3A_1397 = arith.constant 16 : i32
      %div3A_1398 = arith.divsi %sub3A_1387, %jit3A_1397 : i32
      %sign3A_1399 = arith.constant 0 : i32
      %sign3A_1400 = arith.cmpi sgt, %sub3A_1387, %sign3A_1399 : i32
      %sign3A_1401 = arith.extui %sign3A_1400 : i1 to i32
      %sign3A_1402 = arith.constant 0 : i32
      %sign3A_1403 = arith.cmpi slt, %sub3A_1387, %sign3A_1402 : i32
      %sign3A_1404 = arith.extui %sign3A_1403 : i1 to i32
      %sign3A_1405 = arith.subi %sign3A_1401, %sign3A_1404 : i32
      %sign3A_1406 = arith.constant 0 : i32
      %sign3A_1407 = arith.cmpi sgt, %jit3A_1397, %sign3A_1406 : i32
      %sign3A_1408 = arith.extui %sign3A_1407 : i1 to i32
      %sign3A_1409 = arith.constant 0 : i32
      %sign3A_1410 = arith.cmpi slt, %jit3A_1397, %sign3A_1409 : i32
      %sign3A_1411 = arith.extui %sign3A_1410 : i1 to i32
      %sign3A_1412 = arith.subi %sign3A_1408, %sign3A_1411 : i32
      %ne3A_1413 = arith.cmpi ne, %sign3A_1405, %sign3A_1412 : i32
      %rem3A_1414 = arith.remsi %sub3A_1387, %jit3A_1397 : i32
      %ne3A_1415 = arith.constant 0 : i32
      %ne3A_1416 = arith.cmpi ne, %rem3A_1414, %ne3A_1415 : i32
      %and3A_1417 = arith.andi %ne3A_1413, %ne3A_1416 : i1
      %sub3A_1418 = arith.constant 1 : i32
      %sub3A_1419 = arith.subi %div3A_1398, %sub3A_1418 : i32
      %select_n3A_1420 = arith.select %and3A_1417, %sub3A_1419, %div3A_1398 : i32
      %add3A_1421 = arith.addi %add3A_1396, %select_n3A_1420 : i32
      %mul3A_1422 = arith.constant 262144 : i32
      %mul3A_1423 = arith.muli %add3A_1421, %mul3A_1422 : i32
      %jit3A_1424 = arith.constant 16 : i32
      %eq3A_1425 = arith.constant 0 : i32
      %eq3A_1426 = arith.cmpi eq, %jit3A_1424, %eq3A_1425 : i32
      %jit3A_1427 = arith.constant 1 : i32
      %select_n3A_1428 = arith.select %eq3A_1426, %jit3A_1427, %jit3A_1424 : i32
      %rem3A_1429 = arith.remsi %sub3A_1387, %select_n3A_1428 : i32
      %ne3A_1430 = arith.constant 0 : i32
      %ne3A_1431 = arith.cmpi ne, %rem3A_1429, %ne3A_1430 : i32
      %lt3A_1432 = arith.constant 0 : i32
      %lt3A_1433 = arith.cmpi slt, %rem3A_1429, %lt3A_1432 : i32
      %lt3A_1434 = arith.constant 0 : i32
      %lt3A_1435 = arith.cmpi slt, %select_n3A_1428, %lt3A_1434 : i32
      %ne3A_1436 = arith.xori %lt3A_1433, %lt3A_1435 : i1
      %and3A_1437 = arith.andi %ne3A_1436, %ne3A_1431 : i1
      %add3A_1438 = arith.addi %rem3A_1429, %select_n3A_1428 : i32
      %select_n3A_1439 = arith.select %and3A_1437, %add3A_1438, %rem3A_1429 : i32
      %mul3A_1440 = arith.constant 16384 : i32
      %mul3A_1441 = arith.muli %select_n3A_1439, %mul3A_1440 : i32
      %add3A_1442 = arith.addi %mul3A_1423, %mul3A_1441 : i32
      %add3A_1443 = arith.constant 0 : i32
      %add3A_1444 = arith.addi %add3A_1443, %add3A_1442 : i32
      %dma_start3A_1445 = tpu.memref_slice %arg7[%add3A_1444] : memref<67108864xf32, #tpu.memory_space<hbm>> -> memref<16384xf32, #tpu.memory_space<hbm>>
      %dma_start3A_1446 = tpu.memref_slice %arg7[%add3A_1444] : memref<67108864xf32, #tpu.memory_space<hbm>> -> memref<16384xf32, #tpu.memory_space<hbm>>
      tpu.enqueue_dma source(%arg13 : memref<16384xf32, #tpu.memory_space<vmem>>) target(%dma_start3A_1446 : memref<16384xf32, #tpu.memory_space<hbm>>) target_semaphore(%arg24 : memref<!tpu.dma_semaphore, #tpu.memory_space<semaphore_mem>>)
      %dma_wait3A_1447 = arith.constant 0 : i32
      %dma_wait3A_1448 = tpu.memref_slice %arg7[%dma_wait3A_1447] : memref<67108864xf32, #tpu.memory_space<hbm>> -> memref<16384xf32, #tpu.memory_space<hbm>>
      %dma_wait3A_1449 = arith.constant 0 : i32
      %dma_wait3A_1450 = tpu.memref_slice %arg7[%dma_wait3A_1449] : memref<67108864xf32, #tpu.memory_space<hbm>> -> memref<16384xf32, #tpu.memory_space<hbm>>
      tpu.wait_dma2 semaphore(%arg22 : memref<!tpu.dma_semaphore, #tpu.memory_space<semaphore_mem>>) src(%arg11 : memref<16384xf32, #tpu.memory_space<vmem>>) dst(%dma_wait3A_1450 : memref<16384xf32, #tpu.memory_space<hbm>>)
      %add3A_1451 = arith.constant 3 : i32
      %add3A_1452 = arith.addi %sub3A_1387, %add3A_1451 : i32
      %mul3A_1453 = arith.constant 16 : i32
      %mul3A_1454 = arith.muli %select_n3A, %mul3A_1453 : i32
      %mul3A_1455 = arith.constant 4 : i32
      %mul3A_1456 = arith.muli %select_n3A_30, %mul3A_1455 : i32
      %add3A_1457 = arith.addi %mul3A_1454, %mul3A_1456 : i32
      %jit3A_1458 = arith.constant 16 : i32
      %div3A_1459 = arith.divsi %add3A_1452, %jit3A_1458 : i32
      %sign3A_1460 = arith.constant 0 : i32
      %sign3A_1461 = arith.cmpi sgt, %add3A_1452, %sign3A_1460 : i32
      %sign3A_1462 = arith.extui %sign3A_1461 : i1 to i32
      %sign3A_1463 = arith.constant 0 : i32
      %sign3A_1464 = arith.cmpi slt, %add3A_1452, %sign3A_1463 : i32
      %sign3A_1465 = arith.extui %sign3A_1464 : i1 to i32
      %sign3A_1466 = arith.subi %sign3A_1462, %sign3A_1465 : i32
      %sign3A_1467 = arith.constant 0 : i32
      %sign3A_1468 = arith.cmpi sgt, %jit3A_1458, %sign3A_1467 : i32
      %sign3A_1469 = arith.extui %sign3A_1468 : i1 to i32
      %sign3A_1470 = arith.constant 0 : i32
      %sign3A_1471 = arith.cmpi slt, %jit3A_1458, %sign3A_1470 : i32
      %sign3A_1472 = arith.extui %sign3A_1471 : i1 to i32
      %sign3A_1473 = arith.subi %sign3A_1469, %sign3A_1472 : i32
      %ne3A_1474 = arith.cmpi ne, %sign3A_1466, %sign3A_1473 : i32
      %rem3A_1475 = arith.remsi %add3A_1452, %jit3A_1458 : i32
      %ne3A_1476 = arith.constant 0 : i32
      %ne3A_1477 = arith.cmpi ne, %rem3A_1475, %ne3A_1476 : i32
      %and3A_1478 = arith.andi %ne3A_1474, %ne3A_1477 : i1
      %sub3A_1479 = arith.constant 1 : i32
      %sub3A_1480 = arith.subi %div3A_1459, %sub3A_1479 : i32
      %select_n3A_1481 = arith.select %and3A_1478, %sub3A_1480, %div3A_1459 : i32
      %add3A_1482 = arith.addi %add3A_1457, %select_n3A_1481 : i32
      %mul3A_1483 = arith.constant 262144 : i32
      %mul3A_1484 = arith.muli %add3A_1482, %mul3A_1483 : i32
      %jit3A_1485 = arith.constant 16 : i32
      %eq3A_1486 = arith.constant 0 : i32
      %eq3A_1487 = arith.cmpi eq, %jit3A_1485, %eq3A_1486 : i32
      %jit3A_1488 = arith.constant 1 : i32
      %select_n3A_1489 = arith.select %eq3A_1487, %jit3A_1488, %jit3A_1485 : i32
      %rem3A_1490 = arith.remsi %add3A_1452, %select_n3A_1489 : i32
      %ne3A_1491 = arith.constant 0 : i32
      %ne3A_1492 = arith.cmpi ne, %rem3A_1490, %ne3A_1491 : i32
      %lt3A_1493 = arith.constant 0 : i32
      %lt3A_1494 = arith.cmpi slt, %rem3A_1490, %lt3A_1493 : i32
      %lt3A_1495 = arith.constant 0 : i32
      %lt3A_1496 = arith.cmpi slt, %select_n3A_1489, %lt3A_1495 : i32
      %ne3A_1497 = arith.xori %lt3A_1494, %lt3A_1496 : i1
      %and3A_1498 = arith.andi %ne3A_1497, %ne3A_1492 : i1
      %add3A_1499 = arith.addi %rem3A_1490, %select_n3A_1489 : i32
      %select_n3A_1500 = arith.select %and3A_1498, %add3A_1499, %rem3A_1490 : i32
      %mul3A_1501 = arith.constant 16384 : i32
      %mul3A_1502 = arith.muli %select_n3A_1500, %mul3A_1501 : i32
      %add3A_1503 = arith.addi %mul3A_1484, %mul3A_1502 : i32
      %dma_start3A_1504 = tpu.memref_slice %arg2[%add3A_1503] : memref<33554432xf32, #tpu.memory_space<hbm>> -> memref<16384xf32, #tpu.memory_space<hbm>>
      %dma_start3A_1505 = tpu.memref_slice %arg2[%add3A_1503] : memref<33554432xf32, #tpu.memory_space<hbm>> -> memref<16384xf32, #tpu.memory_space<hbm>>
      tpu.enqueue_dma source(%dma_start3A_1505 : memref<16384xf32, #tpu.memory_space<hbm>>) target(%arg11 : memref<16384xf32, #tpu.memory_space<vmem>>) target_semaphore(%arg17 : memref<!tpu.dma_semaphore, #tpu.memory_space<semaphore_mem>>)
    }
    %scan3A_330 = arith.constant 11 : i32
    %dma_wait3A_331 = arith.constant 0 : i32
    %dma_wait3A_332 = tpu.memref_slice %arg2[%dma_wait3A_331] : memref<33554432xf32, #tpu.memory_space<hbm>> -> memref<16384xf32, #tpu.memory_space<hbm>>
    %dma_wait3A_333 = arith.constant 0 : i32
    %dma_wait3A_334 = tpu.memref_slice %arg2[%dma_wait3A_333] : memref<33554432xf32, #tpu.memory_space<hbm>> -> memref<16384xf32, #tpu.memory_space<hbm>>
    tpu.wait_dma2 semaphore(%arg15 : memref<!tpu.dma_semaphore, #tpu.memory_space<semaphore_mem>>) src(%dma_wait3A_334 : memref<16384xf32, #tpu.memory_space<hbm>>) dst(%arg9 : memref<16384xf32, #tpu.memory_space<vmem>>)
    %mul3A_335 = arith.constant 16 : i32
    %mul3A_336 = arith.muli %select_n3A, %mul3A_335 : i32
    %mul3A_337 = arith.constant 4 : i32
    %mul3A_338 = arith.muli %select_n3A_30, %mul3A_337 : i32
    %add3A_339 = arith.addi %mul3A_336, %mul3A_338 : i32
    %add3A_340 = arith.constant 3 : i32
    %add3A_341 = arith.addi %add3A_339, %add3A_340 : i32
    %mul3A_342 = arith.constant 262144 : i32
    %mul3A_343 = arith.muli %add3A_341, %mul3A_342 : i32
    %add3A_344 = arith.constant 196608 : i32
    %add3A_345 = arith.addi %mul3A_343, %add3A_344 : i32
    %add3A_346 = arith.constant 0 : i32
    %add3A_347 = arith.addi %add3A_346, %add3A_345 : i32
    %dma_start3A_348 = tpu.memref_slice %arg7[%add3A_347] : memref<67108864xf32, #tpu.memory_space<hbm>> -> memref<16384xf32, #tpu.memory_space<hbm>>
    %dma_start3A_349 = tpu.memref_slice %arg7[%add3A_347] : memref<67108864xf32, #tpu.memory_space<hbm>> -> memref<16384xf32, #tpu.memory_space<hbm>>
    tpu.enqueue_dma source(%arg9 : memref<16384xf32, #tpu.memory_space<vmem>>) target(%dma_start3A_349 : memref<16384xf32, #tpu.memory_space<hbm>>) target_semaphore(%arg20 : memref<!tpu.dma_semaphore, #tpu.memory_space<semaphore_mem>>)
    %dma_wait3A_350 = arith.constant 0 : i32
    %dma_wait3A_351 = tpu.memref_slice %arg7[%dma_wait3A_350] : memref<67108864xf32, #tpu.memory_space<hbm>> -> memref<16384xf32, #tpu.memory_space<hbm>>
    %dma_wait3A_352 = arith.constant 0 : i32
    %dma_wait3A_353 = tpu.memref_slice %arg7[%dma_wait3A_352] : memref<67108864xf32, #tpu.memory_space<hbm>> -> memref<16384xf32, #tpu.memory_space<hbm>>
    tpu.wait_dma2 semaphore(%arg23 : memref<!tpu.dma_semaphore, #tpu.memory_space<semaphore_mem>>) src(%arg12 : memref<16384xf32, #tpu.memory_space<vmem>>) dst(%dma_wait3A_353 : memref<16384xf32, #tpu.memory_space<hbm>>)
    %mul3A_354 = arith.constant 16 : i32
    %mul3A_355 = arith.muli %select_n3A, %mul3A_354 : i32
    %mul3A_356 = arith.constant 4 : i32
    %mul3A_357 = arith.muli %select_n3A_30, %mul3A_356 : i32
    %add3A_358 = arith.addi %mul3A_355, %mul3A_357 : i32
    %add3A_359 = arith.constant 3 : i32
    %add3A_360 = arith.addi %add3A_358, %add3A_359 : i32
    %mul3A_361 = arith.constant 262144 : i32
    %mul3A_362 = arith.muli %add3A_360, %mul3A_361 : i32
    %add3A_363 = arith.constant 245760 : i32
    %add3A_364 = arith.addi %mul3A_362, %add3A_363 : i32
    %dma_start3A_365 = tpu.memref_slice %arg2[%add3A_364] : memref<33554432xf32, #tpu.memory_space<hbm>> -> memref<16384xf32, #tpu.memory_space<hbm>>
    %dma_start3A_366 = tpu.memref_slice %arg2[%add3A_364] : memref<33554432xf32, #tpu.memory_space<hbm>> -> memref<16384xf32, #tpu.memory_space<hbm>>
    tpu.enqueue_dma source(%dma_start3A_366 : memref<16384xf32, #tpu.memory_space<hbm>>) target(%arg12 : memref<16384xf32, #tpu.memory_space<vmem>>) target_semaphore(%arg18 : memref<!tpu.dma_semaphore, #tpu.memory_space<semaphore_mem>>)
    %dma_wait3A_367 = arith.constant 0 : i32
    %dma_wait3A_368 = tpu.memref_slice %arg2[%dma_wait3A_367] : memref<33554432xf32, #tpu.memory_space<hbm>> -> memref<16384xf32, #tpu.memory_space<hbm>>
    %dma_wait3A_369 = arith.constant 0 : i32
    %dma_wait3A_370 = tpu.memref_slice %arg2[%dma_wait3A_369] : memref<33554432xf32, #tpu.memory_space<hbm>> -> memref<16384xf32, #tpu.memory_space<hbm>>
    tpu.wait_dma2 semaphore(%arg16 : memref<!tpu.dma_semaphore, #tpu.memory_space<semaphore_mem>>) src(%dma_wait3A_370 : memref<16384xf32, #tpu.memory_space<hbm>>) dst(%arg10 : memref<16384xf32, #tpu.memory_space<vmem>>)
    %mul3A_371 = arith.constant 16 : i32
    %mul3A_372 = arith.muli %select_n3A, %mul3A_371 : i32
    %mul3A_373 = arith.constant 4 : i32
    %mul3A_374 = arith.muli %select_n3A_30, %mul3A_373 : i32
    %add3A_375 = arith.addi %mul3A_372, %mul3A_374 : i32
    %add3A_376 = arith.constant 3 : i32
    %add3A_377 = arith.addi %add3A_375, %add3A_376 : i32
    %mul3A_378 = arith.constant 262144 : i32
    %mul3A_379 = arith.muli %add3A_377, %mul3A_378 : i32
    %add3A_380 = arith.constant 212992 : i32
    %add3A_381 = arith.addi %mul3A_379, %add3A_380 : i32
    %add3A_382 = arith.constant 0 : i32
    %add3A_383 = arith.addi %add3A_382, %add3A_381 : i32
    %dma_start3A_384 = tpu.memref_slice %arg7[%add3A_383] : memref<67108864xf32, #tpu.memory_space<hbm>> -> memref<16384xf32, #tpu.memory_space<hbm>>
    %dma_start3A_385 = tpu.memref_slice %arg7[%add3A_383] : memref<67108864xf32, #tpu.memory_space<hbm>> -> memref<16384xf32, #tpu.memory_space<hbm>>
    tpu.enqueue_dma source(%arg10 : memref<16384xf32, #tpu.memory_space<vmem>>) target(%dma_start3A_385 : memref<16384xf32, #tpu.memory_space<hbm>>) target_semaphore(%arg21 : memref<!tpu.dma_semaphore, #tpu.memory_space<semaphore_mem>>)
    %dma_wait3A_386 = arith.constant 0 : i32
    %dma_wait3A_387 = tpu.memref_slice %arg7[%dma_wait3A_386] : memref<67108864xf32, #tpu.memory_space<hbm>> -> memref<16384xf32, #tpu.memory_space<hbm>>
    %dma_wait3A_388 = arith.constant 0 : i32
    %dma_wait3A_389 = tpu.memref_slice %arg7[%dma_wait3A_388] : memref<67108864xf32, #tpu.memory_space<hbm>> -> memref<16384xf32, #tpu.memory_space<hbm>>
    tpu.wait_dma2 semaphore(%arg24 : memref<!tpu.dma_semaphore, #tpu.memory_space<semaphore_mem>>) src(%arg13 : memref<16384xf32, #tpu.memory_space<vmem>>) dst(%dma_wait3A_389 : memref<16384xf32, #tpu.memory_space<hbm>>)
    %mul3A_390 = arith.constant 16 : i32
    %mul3A_391 = arith.muli %select_n3A, %mul3A_390 : i32
    %mul3A_392 = arith.constant 4 : i32
    %mul3A_393 = arith.muli %select_n3A_30, %mul3A_392 : i32
    %add3A_394 = arith.addi %mul3A_391, %mul3A_393 : i32
    %add3A_395 = arith.constant 0 : i32
    %add3A_396 = arith.addi %add3A_394, %add3A_395 : i32
    %mul3A_397 = arith.constant 262144 : i32
    %mul3A_398 = arith.muli %add3A_396, %mul3A_397 : i32
    %add3A_399 = arith.constant 0 : i32
    %add3A_400 = arith.addi %mul3A_398, %add3A_399 : i32
    %dma_start3A_401 = tpu.memref_slice %arg3[%add3A_400] : memref<33554432xf32, #tpu.memory_space<hbm>> -> memref<16384xf32, #tpu.memory_space<hbm>>
    %dma_start3A_402 = tpu.memref_slice %arg3[%add3A_400] : memref<33554432xf32, #tpu.memory_space<hbm>> -> memref<16384xf32, #tpu.memory_space<hbm>>
    tpu.enqueue_dma source(%dma_start3A_402 : memref<16384xf32, #tpu.memory_space<hbm>>) target(%arg13 : memref<16384xf32, #tpu.memory_space<vmem>>) target_semaphore(%arg19 : memref<!tpu.dma_semaphore, #tpu.memory_space<semaphore_mem>>)
    %dma_wait3A_403 = arith.constant 0 : i32
    %dma_wait3A_404 = tpu.memref_slice %arg2[%dma_wait3A_403] : memref<33554432xf32, #tpu.memory_space<hbm>> -> memref<16384xf32, #tpu.memory_space<hbm>>
    %dma_wait3A_405 = arith.constant 0 : i32
    %dma_wait3A_406 = tpu.memref_slice %arg2[%dma_wait3A_405] : memref<33554432xf32, #tpu.memory_space<hbm>> -> memref<16384xf32, #tpu.memory_space<hbm>>
    tpu.wait_dma2 semaphore(%arg17 : memref<!tpu.dma_semaphore, #tpu.memory_space<semaphore_mem>>) src(%dma_wait3A_406 : memref<16384xf32, #tpu.memory_space<hbm>>) dst(%arg11 : memref<16384xf32, #tpu.memory_space<vmem>>)
    %mul3A_407 = arith.constant 16 : i32
    %mul3A_408 = arith.muli %select_n3A, %mul3A_407 : i32
    %mul3A_409 = arith.constant 4 : i32
    %mul3A_410 = arith.muli %select_n3A_30, %mul3A_409 : i32
    %add3A_411 = arith.addi %mul3A_408, %mul3A_410 : i32
    %add3A_412 = arith.constant 3 : i32
    %add3A_413 = arith.addi %add3A_411, %add3A_412 : i32
    %mul3A_414 = arith.constant 262144 : i32
    %mul3A_415 = arith.muli %add3A_413, %mul3A_414 : i32
    %add3A_416 = arith.constant 229376 : i32
    %add3A_417 = arith.addi %mul3A_415, %add3A_416 : i32
    %add3A_418 = arith.constant 0 : i32
    %add3A_419 = arith.addi %add3A_418, %add3A_417 : i32
    %dma_start3A_420 = tpu.memref_slice %arg7[%add3A_419] : memref<67108864xf32, #tpu.memory_space<hbm>> -> memref<16384xf32, #tpu.memory_space<hbm>>
    %dma_start3A_421 = tpu.memref_slice %arg7[%add3A_419] : memref<67108864xf32, #tpu.memory_space<hbm>> -> memref<16384xf32, #tpu.memory_space<hbm>>
    tpu.enqueue_dma source(%arg11 : memref<16384xf32, #tpu.memory_space<vmem>>) target(%dma_start3A_421 : memref<16384xf32, #tpu.memory_space<hbm>>) target_semaphore(%arg22 : memref<!tpu.dma_semaphore, #tpu.memory_space<semaphore_mem>>)
    %dma_wait3A_422 = arith.constant 0 : i32
    %dma_wait3A_423 = tpu.memref_slice %arg7[%dma_wait3A_422] : memref<67108864xf32, #tpu.memory_space<hbm>> -> memref<16384xf32, #tpu.memory_space<hbm>>
    %dma_wait3A_424 = arith.constant 0 : i32
    %dma_wait3A_425 = tpu.memref_slice %arg7[%dma_wait3A_424] : memref<67108864xf32, #tpu.memory_space<hbm>> -> memref<16384xf32, #tpu.memory_space<hbm>>
    tpu.wait_dma2 semaphore(%arg20 : memref<!tpu.dma_semaphore, #tpu.memory_space<semaphore_mem>>) src(%arg9 : memref<16384xf32, #tpu.memory_space<vmem>>) dst(%dma_wait3A_425 : memref<16384xf32, #tpu.memory_space<hbm>>)
    %mul3A_426 = arith.constant 16 : i32
    %mul3A_427 = arith.muli %select_n3A, %mul3A_426 : i32
    %mul3A_428 = arith.constant 4 : i32
    %mul3A_429 = arith.muli %select_n3A_30, %mul3A_428 : i32
    %add3A_430 = arith.addi %mul3A_427, %mul3A_429 : i32
    %add3A_431 = arith.constant 0 : i32
    %add3A_432 = arith.addi %add3A_430, %add3A_431 : i32
    %mul3A_433 = arith.constant 262144 : i32
    %mul3A_434 = arith.muli %add3A_432, %mul3A_433 : i32
    %add3A_435 = arith.constant 16384 : i32
    %add3A_436 = arith.addi %mul3A_434, %add3A_435 : i32
    %dma_start3A_437 = tpu.memref_slice %arg3[%add3A_436] : memref<33554432xf32, #tpu.memory_space<hbm>> -> memref<16384xf32, #tpu.memory_space<hbm>>
    %dma_start3A_438 = tpu.memref_slice %arg3[%add3A_436] : memref<33554432xf32, #tpu.memory_space<hbm>> -> memref<16384xf32, #tpu.memory_space<hbm>>
    tpu.enqueue_dma source(%dma_start3A_438 : memref<16384xf32, #tpu.memory_space<hbm>>) target(%arg9 : memref<16384xf32, #tpu.memory_space<vmem>>) target_semaphore(%arg15 : memref<!tpu.dma_semaphore, #tpu.memory_space<semaphore_mem>>)
    %dma_wait3A_439 = arith.constant 0 : i32
    %dma_wait3A_440 = tpu.memref_slice %arg2[%dma_wait3A_439] : memref<33554432xf32, #tpu.memory_space<hbm>> -> memref<16384xf32, #tpu.memory_space<hbm>>
    %dma_wait3A_441 = arith.constant 0 : i32
    %dma_wait3A_442 = tpu.memref_slice %arg2[%dma_wait3A_441] : memref<33554432xf32, #tpu.memory_space<hbm>> -> memref<16384xf32, #tpu.memory_space<hbm>>
    tpu.wait_dma2 semaphore(%arg18 : memref<!tpu.dma_semaphore, #tpu.memory_space<semaphore_mem>>) src(%dma_wait3A_442 : memref<16384xf32, #tpu.memory_space<hbm>>) dst(%arg12 : memref<16384xf32, #tpu.memory_space<vmem>>)
    %mul3A_443 = arith.constant 16 : i32
    %mul3A_444 = arith.muli %select_n3A, %mul3A_443 : i32
    %mul3A_445 = arith.constant 4 : i32
    %mul3A_446 = arith.muli %select_n3A_30, %mul3A_445 : i32
    %add3A_447 = arith.addi %mul3A_444, %mul3A_446 : i32
    %add3A_448 = arith.constant 3 : i32
    %add3A_449 = arith.addi %add3A_447, %add3A_448 : i32
    %mul3A_450 = arith.constant 262144 : i32
    %mul3A_451 = arith.muli %add3A_449, %mul3A_450 : i32
    %add3A_452 = arith.constant 245760 : i32
    %add3A_453 = arith.addi %mul3A_451, %add3A_452 : i32
    %add3A_454 = arith.constant 0 : i32
    %add3A_455 = arith.addi %add3A_454, %add3A_453 : i32
    %dma_start3A_456 = tpu.memref_slice %arg7[%add3A_455] : memref<67108864xf32, #tpu.memory_space<hbm>> -> memref<16384xf32, #tpu.memory_space<hbm>>
    %dma_start3A_457 = tpu.memref_slice %arg7[%add3A_455] : memref<67108864xf32, #tpu.memory_space<hbm>> -> memref<16384xf32, #tpu.memory_space<hbm>>
    tpu.enqueue_dma source(%arg12 : memref<16384xf32, #tpu.memory_space<vmem>>) target(%dma_start3A_457 : memref<16384xf32, #tpu.memory_space<hbm>>) target_semaphore(%arg23 : memref<!tpu.dma_semaphore, #tpu.memory_space<semaphore_mem>>)
    %dma_wait3A_458 = arith.constant 0 : i32
    %dma_wait3A_459 = tpu.memref_slice %arg7[%dma_wait3A_458] : memref<67108864xf32, #tpu.memory_space<hbm>> -> memref<16384xf32, #tpu.memory_space<hbm>>
    %dma_wait3A_460 = arith.constant 0 : i32
    %dma_wait3A_461 = tpu.memref_slice %arg7[%dma_wait3A_460] : memref<67108864xf32, #tpu.memory_space<hbm>> -> memref<16384xf32, #tpu.memory_space<hbm>>
    tpu.wait_dma2 semaphore(%arg21 : memref<!tpu.dma_semaphore, #tpu.memory_space<semaphore_mem>>) src(%arg10 : memref<16384xf32, #tpu.memory_space<vmem>>) dst(%dma_wait3A_461 : memref<16384xf32, #tpu.memory_space<hbm>>)
    %mul3A_462 = arith.constant 16 : i32
    %mul3A_463 = arith.muli %select_n3A, %mul3A_462 : i32
    %mul3A_464 = arith.constant 4 : i32
    %mul3A_465 = arith.muli %select_n3A_30, %mul3A_464 : i32
    %add3A_466 = arith.addi %mul3A_463, %mul3A_465 : i32
    %add3A_467 = arith.constant 0 : i32
    %add3A_468 = arith.addi %add3A_466, %add3A_467 : i32
    %mul3A_469 = arith.constant 262144 : i32
    %mul3A_470 = arith.muli %add3A_468, %mul3A_469 : i32
    %add3A_471 = arith.constant 32768 : i32
    %add3A_472 = arith.addi %mul3A_470, %add3A_471 : i32
    %dma_start3A_473 = tpu.memref_slice %arg3[%add3A_472] : memref<33554432xf32, #tpu.memory_space<hbm>> -> memref<16384xf32, #tpu.memory_space<hbm>>
    %dma_start3A_474 = tpu.memref_slice %arg3[%add3A_472] : memref<33554432xf32, #tpu.memory_space<hbm>> -> memref<16384xf32, #tpu.memory_space<hbm>>
    tpu.enqueue_dma source(%dma_start3A_474 : memref<16384xf32, #tpu.memory_space<hbm>>) target(%arg10 : memref<16384xf32, #tpu.memory_space<vmem>>) target_semaphore(%arg16 : memref<!tpu.dma_semaphore, #tpu.memory_space<semaphore_mem>>)
    %dma_wait3A_475 = arith.constant 0 : i32
    %dma_wait3A_476 = tpu.memref_slice %arg2[%dma_wait3A_475] : memref<33554432xf32, #tpu.memory_space<hbm>> -> memref<16384xf32, #tpu.memory_space<hbm>>
    %dma_wait3A_477 = arith.constant 0 : i32
    %dma_wait3A_478 = tpu.memref_slice %arg2[%dma_wait3A_477] : memref<33554432xf32, #tpu.memory_space<hbm>> -> memref<16384xf32, #tpu.memory_space<hbm>>
    tpu.wait_dma2 semaphore(%arg19 : memref<!tpu.dma_semaphore, #tpu.memory_space<semaphore_mem>>) src(%dma_wait3A_478 : memref<16384xf32, #tpu.memory_space<hbm>>) dst(%arg13 : memref<16384xf32, #tpu.memory_space<vmem>>)
    %mul3A_479 = arith.constant 16 : i32
    %mul3A_480 = arith.muli %select_n3A, %mul3A_479 : i32
    %mul3A_481 = arith.constant 4 : i32
    %mul3A_482 = arith.muli %select_n3A_30, %mul3A_481 : i32
    %add3A_483 = arith.addi %mul3A_480, %mul3A_482 : i32
    %add3A_484 = arith.constant 0 : i32
    %add3A_485 = arith.addi %add3A_483, %add3A_484 : i32
    %mul3A_486 = arith.constant 262144 : i32
    %mul3A_487 = arith.muli %add3A_485, %mul3A_486 : i32
    %add3A_488 = arith.constant 0 : i32
    %add3A_489 = arith.addi %mul3A_487, %add3A_488 : i32
    %add3A_490 = arith.constant 33554432 : i32
    %add3A_491 = arith.addi %add3A_490, %add3A_489 : i32
    %dma_start3A_492 = tpu.memref_slice %arg7[%add3A_491] : memref<67108864xf32, #tpu.memory_space<hbm>> -> memref<16384xf32, #tpu.memory_space<hbm>>
    %dma_start3A_493 = tpu.memref_slice %arg7[%add3A_491] : memref<67108864xf32, #tpu.memory_space<hbm>> -> memref<16384xf32, #tpu.memory_space<hbm>>
    tpu.enqueue_dma source(%arg13 : memref<16384xf32, #tpu.memory_space<vmem>>) target(%dma_start3A_493 : memref<16384xf32, #tpu.memory_space<hbm>>) target_semaphore(%arg24 : memref<!tpu.dma_semaphore, #tpu.memory_space<semaphore_mem>>)
    %dma_wait3A_494 = arith.constant 0 : i32
    %dma_wait3A_495 = tpu.memref_slice %arg7[%dma_wait3A_494] : memref<67108864xf32, #tpu.memory_space<hbm>> -> memref<16384xf32, #tpu.memory_space<hbm>>
    %dma_wait3A_496 = arith.constant 0 : i32
    %dma_wait3A_497 = tpu.memref_slice %arg7[%dma_wait3A_496] : memref<67108864xf32, #tpu.memory_space<hbm>> -> memref<16384xf32, #tpu.memory_space<hbm>>
    tpu.wait_dma2 semaphore(%arg22 : memref<!tpu.dma_semaphore, #tpu.memory_space<semaphore_mem>>) src(%arg11 : memref<16384xf32, #tpu.memory_space<vmem>>) dst(%dma_wait3A_497 : memref<16384xf32, #tpu.memory_space<hbm>>)
    %mul3A_498 = arith.constant 16 : i32
    %mul3A_499 = arith.muli %select_n3A, %mul3A_498 : i32
    %mul3A_500 = arith.constant 4 : i32
    %mul3A_501 = arith.muli %select_n3A_30, %mul3A_500 : i32
    %add3A_502 = arith.addi %mul3A_499, %mul3A_501 : i32
    %add3A_503 = arith.constant 0 : i32
    %add3A_504 = arith.addi %add3A_502, %add3A_503 : i32
    %mul3A_505 = arith.constant 262144 : i32
    %mul3A_506 = arith.muli %add3A_504, %mul3A_505 : i32
    %add3A_507 = arith.constant 49152 : i32
    %add3A_508 = arith.addi %mul3A_506, %add3A_507 : i32
    %dma_start3A_509 = tpu.memref_slice %arg3[%add3A_508] : memref<33554432xf32, #tpu.memory_space<hbm>> -> memref<16384xf32, #tpu.memory_space<hbm>>
    %dma_start3A_510 = tpu.memref_slice %arg3[%add3A_508] : memref<33554432xf32, #tpu.memory_space<hbm>> -> memref<16384xf32, #tpu.memory_space<hbm>>
    tpu.enqueue_dma source(%dma_start3A_510 : memref<16384xf32, #tpu.memory_space<hbm>>) target(%arg11 : memref<16384xf32, #tpu.memory_space<vmem>>) target_semaphore(%arg17 : memref<!tpu.dma_semaphore, #tpu.memory_space<semaphore_mem>>)
    %dma_wait3A_511 = arith.constant 0 : i32
    %dma_wait3A_512 = tpu.memref_slice %arg2[%dma_wait3A_511] : memref<33554432xf32, #tpu.memory_space<hbm>> -> memref<16384xf32, #tpu.memory_space<hbm>>
    %dma_wait3A_513 = arith.constant 0 : i32
    %dma_wait3A_514 = tpu.memref_slice %arg2[%dma_wait3A_513] : memref<33554432xf32, #tpu.memory_space<hbm>> -> memref<16384xf32, #tpu.memory_space<hbm>>
    tpu.wait_dma2 semaphore(%arg15 : memref<!tpu.dma_semaphore, #tpu.memory_space<semaphore_mem>>) src(%dma_wait3A_514 : memref<16384xf32, #tpu.memory_space<hbm>>) dst(%arg9 : memref<16384xf32, #tpu.memory_space<vmem>>)
    %mul3A_515 = arith.constant 16 : i32
    %mul3A_516 = arith.muli %select_n3A, %mul3A_515 : i32
    %mul3A_517 = arith.constant 4 : i32
    %mul3A_518 = arith.muli %select_n3A_30, %mul3A_517 : i32
    %add3A_519 = arith.addi %mul3A_516, %mul3A_518 : i32
    %add3A_520 = arith.constant 0 : i32
    %add3A_521 = arith.addi %add3A_519, %add3A_520 : i32
    %mul3A_522 = arith.constant 262144 : i32
    %mul3A_523 = arith.muli %add3A_521, %mul3A_522 : i32
    %add3A_524 = arith.constant 16384 : i32
    %add3A_525 = arith.addi %mul3A_523, %add3A_524 : i32
    %add3A_526 = arith.constant 33554432 : i32
    %add3A_527 = arith.addi %add3A_526, %add3A_525 : i32
    %dma_start3A_528 = tpu.memref_slice %arg7[%add3A_527] : memref<67108864xf32, #tpu.memory_space<hbm>> -> memref<16384xf32, #tpu.memory_space<hbm>>
    %dma_start3A_529 = tpu.memref_slice %arg7[%add3A_527] : memref<67108864xf32, #tpu.memory_space<hbm>> -> memref<16384xf32, #tpu.memory_space<hbm>>
    tpu.enqueue_dma source(%arg9 : memref<16384xf32, #tpu.memory_space<vmem>>) target(%dma_start3A_529 : memref<16384xf32, #tpu.memory_space<hbm>>) target_semaphore(%arg20 : memref<!tpu.dma_semaphore, #tpu.memory_space<semaphore_mem>>)
    %dma_wait3A_530 = arith.constant 0 : i32
    %dma_wait3A_531 = tpu.memref_slice %arg7[%dma_wait3A_530] : memref<67108864xf32, #tpu.memory_space<hbm>> -> memref<16384xf32, #tpu.memory_space<hbm>>
    %dma_wait3A_532 = arith.constant 0 : i32
    %dma_wait3A_533 = tpu.memref_slice %arg7[%dma_wait3A_532] : memref<67108864xf32, #tpu.memory_space<hbm>> -> memref<16384xf32, #tpu.memory_space<hbm>>
    tpu.wait_dma2 semaphore(%arg23 : memref<!tpu.dma_semaphore, #tpu.memory_space<semaphore_mem>>) src(%arg12 : memref<16384xf32, #tpu.memory_space<vmem>>) dst(%dma_wait3A_533 : memref<16384xf32, #tpu.memory_space<hbm>>)
    %mul3A_534 = arith.constant 16 : i32
    %mul3A_535 = arith.muli %select_n3A, %mul3A_534 : i32
    %mul3A_536 = arith.constant 4 : i32
    %mul3A_537 = arith.muli %select_n3A_30, %mul3A_536 : i32
    %add3A_538 = arith.addi %mul3A_535, %mul3A_537 : i32
    %add3A_539 = arith.constant 0 : i32
    %add3A_540 = arith.addi %add3A_538, %add3A_539 : i32
    %mul3A_541 = arith.constant 262144 : i32
    %mul3A_542 = arith.muli %add3A_540, %mul3A_541 : i32
    %add3A_543 = arith.constant 65536 : i32
    %add3A_544 = arith.addi %mul3A_542, %add3A_543 : i32
    %dma_start3A_545 = tpu.memref_slice %arg3[%add3A_544] : memref<33554432xf32, #tpu.memory_space<hbm>> -> memref<16384xf32, #tpu.memory_space<hbm>>
    %dma_start3A_546 = tpu.memref_slice %arg3[%add3A_544] : memref<33554432xf32, #tpu.memory_space<hbm>> -> memref<16384xf32, #tpu.memory_space<hbm>>
    tpu.enqueue_dma source(%dma_start3A_546 : memref<16384xf32, #tpu.memory_space<hbm>>) target(%arg12 : memref<16384xf32, #tpu.memory_space<vmem>>) target_semaphore(%arg18 : memref<!tpu.dma_semaphore, #tpu.memory_space<semaphore_mem>>)
    %dma_wait3A_547 = arith.constant 0 : i32
    %dma_wait3A_548 = tpu.memref_slice %arg2[%dma_wait3A_547] : memref<33554432xf32, #tpu.memory_space<hbm>> -> memref<16384xf32, #tpu.memory_space<hbm>>
    %dma_wait3A_549 = arith.constant 0 : i32
    %dma_wait3A_550 = tpu.memref_slice %arg2[%dma_wait3A_549] : memref<33554432xf32, #tpu.memory_space<hbm>> -> memref<16384xf32, #tpu.memory_space<hbm>>
    tpu.wait_dma2 semaphore(%arg16 : memref<!tpu.dma_semaphore, #tpu.memory_space<semaphore_mem>>) src(%dma_wait3A_550 : memref<16384xf32, #tpu.memory_space<hbm>>) dst(%arg10 : memref<16384xf32, #tpu.memory_space<vmem>>)
    %mul3A_551 = arith.constant 16 : i32
    %mul3A_552 = arith.muli %select_n3A, %mul3A_551 : i32
    %mul3A_553 = arith.constant 4 : i32
    %mul3A_554 = arith.muli %select_n3A_30, %mul3A_553 : i32
    %add3A_555 = arith.addi %mul3A_552, %mul3A_554 : i32
    %add3A_556 = arith.constant 0 : i32
    %add3A_557 = arith.addi %add3A_555, %add3A_556 : i32
    %mul3A_558 = arith.constant 262144 : i32
    %mul3A_559 = arith.muli %add3A_557, %mul3A_558 : i32
    %add3A_560 = arith.constant 32768 : i32
    %add3A_561 = arith.addi %mul3A_559, %add3A_560 : i32
    %add3A_562 = arith.constant 33554432 : i32
    %add3A_563 = arith.addi %add3A_562, %add3A_561 : i32
    %dma_start3A_564 = tpu.memref_slice %arg7[%add3A_563] : memref<67108864xf32, #tpu.memory_space<hbm>> -> memref<16384xf32, #tpu.memory_space<hbm>>
    %dma_start3A_565 = tpu.memref_slice %arg7[%add3A_563] : memref<67108864xf32, #tpu.memory_space<hbm>> -> memref<16384xf32, #tpu.memory_space<hbm>>
    tpu.enqueue_dma source(%arg10 : memref<16384xf32, #tpu.memory_space<vmem>>) target(%dma_start3A_565 : memref<16384xf32, #tpu.memory_space<hbm>>) target_semaphore(%arg21 : memref<!tpu.dma_semaphore, #tpu.memory_space<semaphore_mem>>)
    %dma_wait3A_566 = arith.constant 0 : i32
    %dma_wait3A_567 = tpu.memref_slice %arg7[%dma_wait3A_566] : memref<67108864xf32, #tpu.memory_space<hbm>> -> memref<16384xf32, #tpu.memory_space<hbm>>
    %dma_wait3A_568 = arith.constant 0 : i32
    %dma_wait3A_569 = tpu.memref_slice %arg7[%dma_wait3A_568] : memref<67108864xf32, #tpu.memory_space<hbm>> -> memref<16384xf32, #tpu.memory_space<hbm>>
    tpu.wait_dma2 semaphore(%arg24 : memref<!tpu.dma_semaphore, #tpu.memory_space<semaphore_mem>>) src(%arg13 : memref<16384xf32, #tpu.memory_space<vmem>>) dst(%dma_wait3A_569 : memref<16384xf32, #tpu.memory_space<hbm>>)
    %mul3A_570 = arith.constant 16 : i32
    %mul3A_571 = arith.muli %select_n3A, %mul3A_570 : i32
    %mul3A_572 = arith.constant 4 : i32
    %mul3A_573 = arith.muli %select_n3A_30, %mul3A_572 : i32
    %add3A_574 = arith.addi %mul3A_571, %mul3A_573 : i32
    %add3A_575 = arith.constant 0 : i32
    %add3A_576 = arith.addi %add3A_574, %add3A_575 : i32
    %mul3A_577 = arith.constant 262144 : i32
    %mul3A_578 = arith.muli %add3A_576, %mul3A_577 : i32
    %add3A_579 = arith.constant 81920 : i32
    %add3A_580 = arith.addi %mul3A_578, %add3A_579 : i32
    %dma_start3A_581 = tpu.memref_slice %arg3[%add3A_580] : memref<33554432xf32, #tpu.memory_space<hbm>> -> memref<16384xf32, #tpu.memory_space<hbm>>
    %dma_start3A_582 = tpu.memref_slice %arg3[%add3A_580] : memref<33554432xf32, #tpu.memory_space<hbm>> -> memref<16384xf32, #tpu.memory_space<hbm>>
    tpu.enqueue_dma source(%dma_start3A_582 : memref<16384xf32, #tpu.memory_space<hbm>>) target(%arg13 : memref<16384xf32, #tpu.memory_space<vmem>>) target_semaphore(%arg19 : memref<!tpu.dma_semaphore, #tpu.memory_space<semaphore_mem>>)
    %dma_wait3A_583 = arith.constant 0 : i32
    %dma_wait3A_584 = tpu.memref_slice %arg2[%dma_wait3A_583] : memref<33554432xf32, #tpu.memory_space<hbm>> -> memref<16384xf32, #tpu.memory_space<hbm>>
    %dma_wait3A_585 = arith.constant 0 : i32
    %dma_wait3A_586 = tpu.memref_slice %arg2[%dma_wait3A_585] : memref<33554432xf32, #tpu.memory_space<hbm>> -> memref<16384xf32, #tpu.memory_space<hbm>>
    tpu.wait_dma2 semaphore(%arg17 : memref<!tpu.dma_semaphore, #tpu.memory_space<semaphore_mem>>) src(%dma_wait3A_586 : memref<16384xf32, #tpu.memory_space<hbm>>) dst(%arg11 : memref<16384xf32, #tpu.memory_space<vmem>>)
    %mul3A_587 = arith.constant 16 : i32
    %mul3A_588 = arith.muli %select_n3A, %mul3A_587 : i32
    %mul3A_589 = arith.constant 4 : i32
    %mul3A_590 = arith.muli %select_n3A_30, %mul3A_589 : i32
    %add3A_591 = arith.addi %mul3A_588, %mul3A_590 : i32
    %add3A_592 = arith.constant 0 : i32
    %add3A_593 = arith.addi %add3A_591, %add3A_592 : i32
    %mul3A_594 = arith.constant 262144 : i32
    %mul3A_595 = arith.muli %add3A_593, %mul3A_594 : i32
    %add3A_596 = arith.constant 49152 : i32
    %add3A_597 = arith.addi %mul3A_595, %add3A_596 : i32
    %add3A_598 = arith.constant 33554432 : i32
    %add3A_599 = arith.addi %add3A_598, %add3A_597 : i32
    %dma_start3A_600 = tpu.memref_slice %arg7[%add3A_599] : memref<67108864xf32, #tpu.memory_space<hbm>> -> memref<16384xf32, #tpu.memory_space<hbm>>
    %dma_start3A_601 = tpu.memref_slice %arg7[%add3A_599] : memref<67108864xf32, #tpu.memory_space<hbm>> -> memref<16384xf32, #tpu.memory_space<hbm>>
    tpu.enqueue_dma source(%arg11 : memref<16384xf32, #tpu.memory_space<vmem>>) target(%dma_start3A_601 : memref<16384xf32, #tpu.memory_space<hbm>>) target_semaphore(%arg22 : memref<!tpu.dma_semaphore, #tpu.memory_space<semaphore_mem>>)
    %dma_wait3A_602 = arith.constant 0 : i32
    %dma_wait3A_603 = tpu.memref_slice %arg7[%dma_wait3A_602] : memref<67108864xf32, #tpu.memory_space<hbm>> -> memref<16384xf32, #tpu.memory_space<hbm>>
    %dma_wait3A_604 = arith.constant 0 : i32
    %dma_wait3A_605 = tpu.memref_slice %arg7[%dma_wait3A_604] : memref<67108864xf32, #tpu.memory_space<hbm>> -> memref<16384xf32, #tpu.memory_space<hbm>>
    tpu.wait_dma2 semaphore(%arg20 : memref<!tpu.dma_semaphore, #tpu.memory_space<semaphore_mem>>) src(%arg9 : memref<16384xf32, #tpu.memory_space<vmem>>) dst(%dma_wait3A_605 : memref<16384xf32, #tpu.memory_space<hbm>>)
    %mul3A_606 = arith.constant 16 : i32
    %mul3A_607 = arith.muli %select_n3A, %mul3A_606 : i32
    %mul3A_608 = arith.constant 4 : i32
    %mul3A_609 = arith.muli %select_n3A_30, %mul3A_608 : i32
    %add3A_610 = arith.addi %mul3A_607, %mul3A_609 : i32
    %add3A_611 = arith.constant 0 : i32
    %add3A_612 = arith.addi %add3A_610, %add3A_611 : i32
    %mul3A_613 = arith.constant 262144 : i32
    %mul3A_614 = arith.muli %add3A_612, %mul3A_613 : i32
    %add3A_615 = arith.constant 98304 : i32
    %add3A_616 = arith.addi %mul3A_614, %add3A_615 : i32
    %dma_start3A_617 = tpu.memref_slice %arg3[%add3A_616] : memref<33554432xf32, #tpu.memory_space<hbm>> -> memref<16384xf32, #tpu.memory_space<hbm>>
    %dma_start3A_618 = tpu.memref_slice %arg3[%add3A_616] : memref<33554432xf32, #tpu.memory_space<hbm>> -> memref<16384xf32, #tpu.memory_space<hbm>>
    tpu.enqueue_dma source(%dma_start3A_618 : memref<16384xf32, #tpu.memory_space<hbm>>) target(%arg9 : memref<16384xf32, #tpu.memory_space<vmem>>) target_semaphore(%arg15 : memref<!tpu.dma_semaphore, #tpu.memory_space<semaphore_mem>>)
    %dma_wait3A_619 = arith.constant 0 : i32
    %dma_wait3A_620 = tpu.memref_slice %arg2[%dma_wait3A_619] : memref<33554432xf32, #tpu.memory_space<hbm>> -> memref<16384xf32, #tpu.memory_space<hbm>>
    %dma_wait3A_621 = arith.constant 0 : i32
    %dma_wait3A_622 = tpu.memref_slice %arg2[%dma_wait3A_621] : memref<33554432xf32, #tpu.memory_space<hbm>> -> memref<16384xf32, #tpu.memory_space<hbm>>
    tpu.wait_dma2 semaphore(%arg18 : memref<!tpu.dma_semaphore, #tpu.memory_space<semaphore_mem>>) src(%dma_wait3A_622 : memref<16384xf32, #tpu.memory_space<hbm>>) dst(%arg12 : memref<16384xf32, #tpu.memory_space<vmem>>)
    %mul3A_623 = arith.constant 16 : i32
    %mul3A_624 = arith.muli %select_n3A, %mul3A_623 : i32
    %mul3A_625 = arith.constant 4 : i32
    %mul3A_626 = arith.muli %select_n3A_30, %mul3A_625 : i32
    %add3A_627 = arith.addi %mul3A_624, %mul3A_626 : i32
    %add3A_628 = arith.constant 0 : i32
    %add3A_629 = arith.addi %add3A_627, %add3A_628 : i32
    %mul3A_630 = arith.constant 262144 : i32
    %mul3A_631 = arith.muli %add3A_629, %mul3A_630 : i32
    %add3A_632 = arith.constant 65536 : i32
    %add3A_633 = arith.addi %mul3A_631, %add3A_632 : i32
    %add3A_634 = arith.constant 33554432 : i32
    %add3A_635 = arith.addi %add3A_634, %add3A_633 : i32
    %dma_start3A_636 = tpu.memref_slice %arg7[%add3A_635] : memref<67108864xf32, #tpu.memory_space<hbm>> -> memref<16384xf32, #tpu.memory_space<hbm>>
    %dma_start3A_637 = tpu.memref_slice %arg7[%add3A_635] : memref<67108864xf32, #tpu.memory_space<hbm>> -> memref<16384xf32, #tpu.memory_space<hbm>>
    tpu.enqueue_dma source(%arg12 : memref<16384xf32, #tpu.memory_space<vmem>>) target(%dma_start3A_637 : memref<16384xf32, #tpu.memory_space<hbm>>) target_semaphore(%arg23 : memref<!tpu.dma_semaphore, #tpu.memory_space<semaphore_mem>>)
    %dma_wait3A_638 = arith.constant 0 : i32
    %dma_wait3A_639 = tpu.memref_slice %arg7[%dma_wait3A_638] : memref<67108864xf32, #tpu.memory_space<hbm>> -> memref<16384xf32, #tpu.memory_space<hbm>>
    %dma_wait3A_640 = arith.constant 0 : i32
    %dma_wait3A_641 = tpu.memref_slice %arg7[%dma_wait3A_640] : memref<67108864xf32, #tpu.memory_space<hbm>> -> memref<16384xf32, #tpu.memory_space<hbm>>
    tpu.wait_dma2 semaphore(%arg21 : memref<!tpu.dma_semaphore, #tpu.memory_space<semaphore_mem>>) src(%arg10 : memref<16384xf32, #tpu.memory_space<vmem>>) dst(%dma_wait3A_641 : memref<16384xf32, #tpu.memory_space<hbm>>)
    %mul3A_642 = arith.constant 16 : i32
    %mul3A_643 = arith.muli %select_n3A, %mul3A_642 : i32
    %mul3A_644 = arith.constant 4 : i32
    %mul3A_645 = arith.muli %select_n3A_30, %mul3A_644 : i32
    %add3A_646 = arith.addi %mul3A_643, %mul3A_645 : i32
    %add3A_647 = arith.constant 0 : i32
    %add3A_648 = arith.addi %add3A_646, %add3A_647 : i32
    %mul3A_649 = arith.constant 262144 : i32
    %mul3A_650 = arith.muli %add3A_648, %mul3A_649 : i32
    %add3A_651 = arith.constant 114688 : i32
    %add3A_652 = arith.addi %mul3A_650, %add3A_651 : i32
    %dma_start3A_653 = tpu.memref_slice %arg3[%add3A_652] : memref<33554432xf32, #tpu.memory_space<hbm>> -> memref<16384xf32, #tpu.memory_space<hbm>>
    %dma_start3A_654 = tpu.memref_slice %arg3[%add3A_652] : memref<33554432xf32, #tpu.memory_space<hbm>> -> memref<16384xf32, #tpu.memory_space<hbm>>
    tpu.enqueue_dma source(%dma_start3A_654 : memref<16384xf32, #tpu.memory_space<hbm>>) target(%arg10 : memref<16384xf32, #tpu.memory_space<vmem>>) target_semaphore(%arg16 : memref<!tpu.dma_semaphore, #tpu.memory_space<semaphore_mem>>)
    %dma_wait3A_655 = arith.constant 0 : i32
    %dma_wait3A_656 = tpu.memref_slice %arg2[%dma_wait3A_655] : memref<33554432xf32, #tpu.memory_space<hbm>> -> memref<16384xf32, #tpu.memory_space<hbm>>
    %dma_wait3A_657 = arith.constant 0 : i32
    %dma_wait3A_658 = tpu.memref_slice %arg2[%dma_wait3A_657] : memref<33554432xf32, #tpu.memory_space<hbm>> -> memref<16384xf32, #tpu.memory_space<hbm>>
    tpu.wait_dma2 semaphore(%arg19 : memref<!tpu.dma_semaphore, #tpu.memory_space<semaphore_mem>>) src(%dma_wait3A_658 : memref<16384xf32, #tpu.memory_space<hbm>>) dst(%arg13 : memref<16384xf32, #tpu.memory_space<vmem>>)
    %mul3A_659 = arith.constant 16 : i32
    %mul3A_660 = arith.muli %select_n3A, %mul3A_659 : i32
    %mul3A_661 = arith.constant 4 : i32
    %mul3A_662 = arith.muli %select_n3A_30, %mul3A_661 : i32
    %add3A_663 = arith.addi %mul3A_660, %mul3A_662 : i32
    %add3A_664 = arith.constant 0 : i32
    %add3A_665 = arith.addi %add3A_663, %add3A_664 : i32
    %mul3A_666 = arith.constant 262144 : i32
    %mul3A_667 = arith.muli %add3A_665, %mul3A_666 : i32
    %add3A_668 = arith.constant 81920 : i32
    %add3A_669 = arith.addi %mul3A_667, %add3A_668 : i32
    %add3A_670 = arith.constant 33554432 : i32
    %add3A_671 = arith.addi %add3A_670, %add3A_669 : i32
    %dma_start3A_672 = tpu.memref_slice %arg7[%add3A_671] : memref<67108864xf32, #tpu.memory_space<hbm>> -> memref<16384xf32, #tpu.memory_space<hbm>>
    %dma_start3A_673 = tpu.memref_slice %arg7[%add3A_671] : memref<67108864xf32, #tpu.memory_space<hbm>> -> memref<16384xf32, #tpu.memory_space<hbm>>
    tpu.enqueue_dma source(%arg13 : memref<16384xf32, #tpu.memory_space<vmem>>) target(%dma_start3A_673 : memref<16384xf32, #tpu.memory_space<hbm>>) target_semaphore(%arg24 : memref<!tpu.dma_semaphore, #tpu.memory_space<semaphore_mem>>)
    %dma_wait3A_674 = arith.constant 0 : i32
    %dma_wait3A_675 = tpu.memref_slice %arg7[%dma_wait3A_674] : memref<67108864xf32, #tpu.memory_space<hbm>> -> memref<16384xf32, #tpu.memory_space<hbm>>
    %dma_wait3A_676 = arith.constant 0 : i32
    %dma_wait3A_677 = tpu.memref_slice %arg7[%dma_wait3A_676] : memref<67108864xf32, #tpu.memory_space<hbm>> -> memref<16384xf32, #tpu.memory_space<hbm>>
    tpu.wait_dma2 semaphore(%arg22 : memref<!tpu.dma_semaphore, #tpu.memory_space<semaphore_mem>>) src(%arg11 : memref<16384xf32, #tpu.memory_space<vmem>>) dst(%dma_wait3A_677 : memref<16384xf32, #tpu.memory_space<hbm>>)
    %mul3A_678 = arith.constant 16 : i32
    %mul3A_679 = arith.muli %select_n3A, %mul3A_678 : i32
    %mul3A_680 = arith.constant 4 : i32
    %mul3A_681 = arith.muli %select_n3A_30, %mul3A_680 : i32
    %add3A_682 = arith.addi %mul3A_679, %mul3A_681 : i32
    %add3A_683 = arith.constant 0 : i32
    %add3A_684 = arith.addi %add3A_682, %add3A_683 : i32
    %mul3A_685 = arith.constant 262144 : i32
    %mul3A_686 = arith.muli %add3A_684, %mul3A_685 : i32
    %add3A_687 = arith.constant 131072 : i32
    %add3A_688 = arith.addi %mul3A_686, %add3A_687 : i32
    %dma_start3A_689 = tpu.memref_slice %arg3[%add3A_688] : memref<33554432xf32, #tpu.memory_space<hbm>> -> memref<16384xf32, #tpu.memory_space<hbm>>
    %dma_start3A_690 = tpu.memref_slice %arg3[%add3A_688] : memref<33554432xf32, #tpu.memory_space<hbm>> -> memref<16384xf32, #tpu.memory_space<hbm>>
    tpu.enqueue_dma source(%dma_start3A_690 : memref<16384xf32, #tpu.memory_space<hbm>>) target(%arg11 : memref<16384xf32, #tpu.memory_space<vmem>>) target_semaphore(%arg17 : memref<!tpu.dma_semaphore, #tpu.memory_space<semaphore_mem>>)
    %scan3A_691 = arith.constant 14 : i32
    %scan3A_692 = arith.constant 11 : i32
    %scan3A_693 = arith.addi %scan3A_691, %scan3A_692 : i32
    %scan3A_694 = arith.constant 1 : i32
    scf.for %scan3A_885 = %scan3A_691 to %scan3A_693 step %scan3A_694  : i32 {
      %mul3A_886 = arith.constant 5 : i32
      %mul3A_887 = arith.muli %mul3A_886, %scan3A_885 : i32
      %add3A_888 = arith.constant 0 : i32
      %add3A_889 = arith.addi %mul3A_887, %add3A_888 : i32
      %sub3A_890 = arith.constant 64 : i32
      %sub3A_891 = arith.subi %add3A_889, %sub3A_890 : i32
      %dma_wait3A_892 = arith.constant 0 : i32
      %dma_wait3A_893 = tpu.memref_slice %arg2[%dma_wait3A_892] : memref<33554432xf32, #tpu.memory_space<hbm>> -> memref<16384xf32, #tpu.memory_space<hbm>>
      %dma_wait3A_894 = arith.constant 0 : i32
      %dma_wait3A_895 = tpu.memref_slice %arg2[%dma_wait3A_894] : memref<33554432xf32, #tpu.memory_space<hbm>> -> memref<16384xf32, #tpu.memory_space<hbm>>
      tpu.wait_dma2 semaphore(%arg15 : memref<!tpu.dma_semaphore, #tpu.memory_space<semaphore_mem>>) src(%dma_wait3A_895 : memref<16384xf32, #tpu.memory_space<hbm>>) dst(%arg9 : memref<16384xf32, #tpu.memory_space<vmem>>)
      %mul3A_896 = arith.constant 16 : i32
      %mul3A_897 = arith.muli %select_n3A, %mul3A_896 : i32
      %mul3A_898 = arith.constant 4 : i32
      %mul3A_899 = arith.muli %select_n3A_30, %mul3A_898 : i32
      %add3A_900 = arith.addi %mul3A_897, %mul3A_899 : i32
      %jit3A_901 = arith.constant 16 : i32
      %div3A_902 = arith.divsi %sub3A_891, %jit3A_901 : i32
      %sign3A_903 = arith.constant 0 : i32
      %sign3A_904 = arith.cmpi sgt, %sub3A_891, %sign3A_903 : i32
      %sign3A_905 = arith.extui %sign3A_904 : i1 to i32
      %sign3A_906 = arith.constant 0 : i32
      %sign3A_907 = arith.cmpi slt, %sub3A_891, %sign3A_906 : i32
      %sign3A_908 = arith.extui %sign3A_907 : i1 to i32
      %sign3A_909 = arith.subi %sign3A_905, %sign3A_908 : i32
      %sign3A_910 = arith.constant 0 : i32
      %sign3A_911 = arith.cmpi sgt, %jit3A_901, %sign3A_910 : i32
      %sign3A_912 = arith.extui %sign3A_911 : i1 to i32
      %sign3A_913 = arith.constant 0 : i32
      %sign3A_914 = arith.cmpi slt, %jit3A_901, %sign3A_913 : i32
      %sign3A_915 = arith.extui %sign3A_914 : i1 to i32
      %sign3A_916 = arith.subi %sign3A_912, %sign3A_915 : i32
      %ne3A_917 = arith.cmpi ne, %sign3A_909, %sign3A_916 : i32
      %rem3A_918 = arith.remsi %sub3A_891, %jit3A_901 : i32
      %ne3A_919 = arith.constant 0 : i32
      %ne3A_920 = arith.cmpi ne, %rem3A_918, %ne3A_919 : i32
      %and3A_921 = arith.andi %ne3A_917, %ne3A_920 : i1
      %sub3A_922 = arith.constant 1 : i32
      %sub3A_923 = arith.subi %div3A_902, %sub3A_922 : i32
      %select_n3A_924 = arith.select %and3A_921, %sub3A_923, %div3A_902 : i32
      %add3A_925 = arith.addi %add3A_900, %select_n3A_924 : i32
      %mul3A_926 = arith.constant 262144 : i32
      %mul3A_927 = arith.muli %add3A_925, %mul3A_926 : i32
      %jit3A_928 = arith.constant 16 : i32
      %eq3A_929 = arith.constant 0 : i32
      %eq3A_930 = arith.cmpi eq, %jit3A_928, %eq3A_929 : i32
      %jit3A_931 = arith.constant 1 : i32
      %select_n3A_932 = arith.select %eq3A_930, %jit3A_931, %jit3A_928 : i32
      %rem3A_933 = arith.remsi %sub3A_891, %select_n3A_932 : i32
      %ne3A_934 = arith.constant 0 : i32
      %ne3A_935 = arith.cmpi ne, %rem3A_933, %ne3A_934 : i32
      %lt3A_936 = arith.constant 0 : i32
      %lt3A_937 = arith.cmpi slt, %rem3A_933, %lt3A_936 : i32
      %lt3A_938 = arith.constant 0 : i32
      %lt3A_939 = arith.cmpi slt, %select_n3A_932, %lt3A_938 : i32
      %ne3A_940 = arith.xori %lt3A_937, %lt3A_939 : i1
      %and3A_941 = arith.andi %ne3A_940, %ne3A_935 : i1
      %add3A_942 = arith.addi %rem3A_933, %select_n3A_932 : i32
      %select_n3A_943 = arith.select %and3A_941, %add3A_942, %rem3A_933 : i32
      %mul3A_944 = arith.constant 16384 : i32
      %mul3A_945 = arith.muli %select_n3A_943, %mul3A_944 : i32
      %add3A_946 = arith.addi %mul3A_927, %mul3A_945 : i32
      %add3A_947 = arith.constant 33554432 : i32
      %add3A_948 = arith.addi %add3A_947, %add3A_946 : i32
      %dma_start3A_949 = tpu.memref_slice %arg7[%add3A_948] : memref<67108864xf32, #tpu.memory_space<hbm>> -> memref<16384xf32, #tpu.memory_space<hbm>>
      %dma_start3A_950 = tpu.memref_slice %arg7[%add3A_948] : memref<67108864xf32, #tpu.memory_space<hbm>> -> memref<16384xf32, #tpu.memory_space<hbm>>
      tpu.enqueue_dma source(%arg9 : memref<16384xf32, #tpu.memory_space<vmem>>) target(%dma_start3A_950 : memref<16384xf32, #tpu.memory_space<hbm>>) target_semaphore(%arg20 : memref<!tpu.dma_semaphore, #tpu.memory_space<semaphore_mem>>)
      %dma_wait3A_951 = arith.constant 0 : i32
      %dma_wait3A_952 = tpu.memref_slice %arg7[%dma_wait3A_951] : memref<67108864xf32, #tpu.memory_space<hbm>> -> memref<16384xf32, #tpu.memory_space<hbm>>
      %dma_wait3A_953 = arith.constant 0 : i32
      %dma_wait3A_954 = tpu.memref_slice %arg7[%dma_wait3A_953] : memref<67108864xf32, #tpu.memory_space<hbm>> -> memref<16384xf32, #tpu.memory_space<hbm>>
      tpu.wait_dma2 semaphore(%arg23 : memref<!tpu.dma_semaphore, #tpu.memory_space<semaphore_mem>>) src(%arg12 : memref<16384xf32, #tpu.memory_space<vmem>>) dst(%dma_wait3A_954 : memref<16384xf32, #tpu.memory_space<hbm>>)
      %add3A_955 = arith.constant 3 : i32
      %add3A_956 = arith.addi %sub3A_891, %add3A_955 : i32
      %mul3A_957 = arith.constant 16 : i32
      %mul3A_958 = arith.muli %select_n3A, %mul3A_957 : i32
      %mul3A_959 = arith.constant 4 : i32
      %mul3A_960 = arith.muli %select_n3A_30, %mul3A_959 : i32
      %add3A_961 = arith.addi %mul3A_958, %mul3A_960 : i32
      %jit3A_962 = arith.constant 16 : i32
      %div3A_963 = arith.divsi %add3A_956, %jit3A_962 : i32
      %sign3A_964 = arith.constant 0 : i32
      %sign3A_965 = arith.cmpi sgt, %add3A_956, %sign3A_964 : i32
      %sign3A_966 = arith.extui %sign3A_965 : i1 to i32
      %sign3A_967 = arith.constant 0 : i32
      %sign3A_968 = arith.cmpi slt, %add3A_956, %sign3A_967 : i32
      %sign3A_969 = arith.extui %sign3A_968 : i1 to i32
      %sign3A_970 = arith.subi %sign3A_966, %sign3A_969 : i32
      %sign3A_971 = arith.constant 0 : i32
      %sign3A_972 = arith.cmpi sgt, %jit3A_962, %sign3A_971 : i32
      %sign3A_973 = arith.extui %sign3A_972 : i1 to i32
      %sign3A_974 = arith.constant 0 : i32
      %sign3A_975 = arith.cmpi slt, %jit3A_962, %sign3A_974 : i32
      %sign3A_976 = arith.extui %sign3A_975 : i1 to i32
      %sign3A_977 = arith.subi %sign3A_973, %sign3A_976 : i32
      %ne3A_978 = arith.cmpi ne, %sign3A_970, %sign3A_977 : i32
      %rem3A_979 = arith.remsi %add3A_956, %jit3A_962 : i32
      %ne3A_980 = arith.constant 0 : i32
      %ne3A_981 = arith.cmpi ne, %rem3A_979, %ne3A_980 : i32
      %and3A_982 = arith.andi %ne3A_978, %ne3A_981 : i1
      %sub3A_983 = arith.constant 1 : i32
      %sub3A_984 = arith.subi %div3A_963, %sub3A_983 : i32
      %select_n3A_985 = arith.select %and3A_982, %sub3A_984, %div3A_963 : i32
      %add3A_986 = arith.addi %add3A_961, %select_n3A_985 : i32
      %mul3A_987 = arith.constant 262144 : i32
      %mul3A_988 = arith.muli %add3A_986, %mul3A_987 : i32
      %jit3A_989 = arith.constant 16 : i32
      %eq3A_990 = arith.constant 0 : i32
      %eq3A_991 = arith.cmpi eq, %jit3A_989, %eq3A_990 : i32
      %jit3A_992 = arith.constant 1 : i32
      %select_n3A_993 = arith.select %eq3A_991, %jit3A_992, %jit3A_989 : i32
      %rem3A_994 = arith.remsi %add3A_956, %select_n3A_993 : i32
      %ne3A_995 = arith.constant 0 : i32
      %ne3A_996 = arith.cmpi ne, %rem3A_994, %ne3A_995 : i32
      %lt3A_997 = arith.constant 0 : i32
      %lt3A_998 = arith.cmpi slt, %rem3A_994, %lt3A_997 : i32
      %lt3A_999 = arith.constant 0 : i32
      %lt3A_1000 = arith.cmpi slt, %select_n3A_993, %lt3A_999 : i32
      %ne3A_1001 = arith.xori %lt3A_998, %lt3A_1000 : i1
      %and3A_1002 = arith.andi %ne3A_1001, %ne3A_996 : i1
      %add3A_1003 = arith.addi %rem3A_994, %select_n3A_993 : i32
      %select_n3A_1004 = arith.select %and3A_1002, %add3A_1003, %rem3A_994 : i32
      %mul3A_1005 = arith.constant 16384 : i32
      %mul3A_1006 = arith.muli %select_n3A_1004, %mul3A_1005 : i32
      %add3A_1007 = arith.addi %mul3A_988, %mul3A_1006 : i32
      %dma_start3A_1008 = tpu.memref_slice %arg3[%add3A_1007] : memref<33554432xf32, #tpu.memory_space<hbm>> -> memref<16384xf32, #tpu.memory_space<hbm>>
      %dma_start3A_1009 = tpu.memref_slice %arg3[%add3A_1007] : memref<33554432xf32, #tpu.memory_space<hbm>> -> memref<16384xf32, #tpu.memory_space<hbm>>
      tpu.enqueue_dma source(%dma_start3A_1009 : memref<16384xf32, #tpu.memory_space<hbm>>) target(%arg12 : memref<16384xf32, #tpu.memory_space<vmem>>) target_semaphore(%arg18 : memref<!tpu.dma_semaphore, #tpu.memory_space<semaphore_mem>>)
      %mul3A_1010 = arith.constant 5 : i32
      %mul3A_1011 = arith.muli %mul3A_1010, %scan3A_885 : i32
      %add3A_1012 = arith.constant 1 : i32
      %add3A_1013 = arith.addi %mul3A_1011, %add3A_1012 : i32
      %sub3A_1014 = arith.constant 64 : i32
      %sub3A_1015 = arith.subi %add3A_1013, %sub3A_1014 : i32
      %dma_wait3A_1016 = arith.constant 0 : i32
      %dma_wait3A_1017 = tpu.memref_slice %arg2[%dma_wait3A_1016] : memref<33554432xf32, #tpu.memory_space<hbm>> -> memref<16384xf32, #tpu.memory_space<hbm>>
      %dma_wait3A_1018 = arith.constant 0 : i32
      %dma_wait3A_1019 = tpu.memref_slice %arg2[%dma_wait3A_1018] : memref<33554432xf32, #tpu.memory_space<hbm>> -> memref<16384xf32, #tpu.memory_space<hbm>>
      tpu.wait_dma2 semaphore(%arg16 : memref<!tpu.dma_semaphore, #tpu.memory_space<semaphore_mem>>) src(%dma_wait3A_1019 : memref<16384xf32, #tpu.memory_space<hbm>>) dst(%arg10 : memref<16384xf32, #tpu.memory_space<vmem>>)
      %mul3A_1020 = arith.constant 16 : i32
      %mul3A_1021 = arith.muli %select_n3A, %mul3A_1020 : i32
      %mul3A_1022 = arith.constant 4 : i32
      %mul3A_1023 = arith.muli %select_n3A_30, %mul3A_1022 : i32
      %add3A_1024 = arith.addi %mul3A_1021, %mul3A_1023 : i32
      %jit3A_1025 = arith.constant 16 : i32
      %div3A_1026 = arith.divsi %sub3A_1015, %jit3A_1025 : i32
      %sign3A_1027 = arith.constant 0 : i32
      %sign3A_1028 = arith.cmpi sgt, %sub3A_1015, %sign3A_1027 : i32
      %sign3A_1029 = arith.extui %sign3A_1028 : i1 to i32
      %sign3A_1030 = arith.constant 0 : i32
      %sign3A_1031 = arith.cmpi slt, %sub3A_1015, %sign3A_1030 : i32
      %sign3A_1032 = arith.extui %sign3A_1031 : i1 to i32
      %sign3A_1033 = arith.subi %sign3A_1029, %sign3A_1032 : i32
      %sign3A_1034 = arith.constant 0 : i32
      %sign3A_1035 = arith.cmpi sgt, %jit3A_1025, %sign3A_1034 : i32
      %sign3A_1036 = arith.extui %sign3A_1035 : i1 to i32
      %sign3A_1037 = arith.constant 0 : i32
      %sign3A_1038 = arith.cmpi slt, %jit3A_1025, %sign3A_1037 : i32
      %sign3A_1039 = arith.extui %sign3A_1038 : i1 to i32
      %sign3A_1040 = arith.subi %sign3A_1036, %sign3A_1039 : i32
      %ne3A_1041 = arith.cmpi ne, %sign3A_1033, %sign3A_1040 : i32
      %rem3A_1042 = arith.remsi %sub3A_1015, %jit3A_1025 : i32
      %ne3A_1043 = arith.constant 0 : i32
      %ne3A_1044 = arith.cmpi ne, %rem3A_1042, %ne3A_1043 : i32
      %and3A_1045 = arith.andi %ne3A_1041, %ne3A_1044 : i1
      %sub3A_1046 = arith.constant 1 : i32
      %sub3A_1047 = arith.subi %div3A_1026, %sub3A_1046 : i32
      %select_n3A_1048 = arith.select %and3A_1045, %sub3A_1047, %div3A_1026 : i32
      %add3A_1049 = arith.addi %add3A_1024, %select_n3A_1048 : i32
      %mul3A_1050 = arith.constant 262144 : i32
      %mul3A_1051 = arith.muli %add3A_1049, %mul3A_1050 : i32
      %jit3A_1052 = arith.constant 16 : i32
      %eq3A_1053 = arith.constant 0 : i32
      %eq3A_1054 = arith.cmpi eq, %jit3A_1052, %eq3A_1053 : i32
      %jit3A_1055 = arith.constant 1 : i32
      %select_n3A_1056 = arith.select %eq3A_1054, %jit3A_1055, %jit3A_1052 : i32
      %rem3A_1057 = arith.remsi %sub3A_1015, %select_n3A_1056 : i32
      %ne3A_1058 = arith.constant 0 : i32
      %ne3A_1059 = arith.cmpi ne, %rem3A_1057, %ne3A_1058 : i32
      %lt3A_1060 = arith.constant 0 : i32
      %lt3A_1061 = arith.cmpi slt, %rem3A_1057, %lt3A_1060 : i32
      %lt3A_1062 = arith.constant 0 : i32
      %lt3A_1063 = arith.cmpi slt, %select_n3A_1056, %lt3A_1062 : i32
      %ne3A_1064 = arith.xori %lt3A_1061, %lt3A_1063 : i1
      %and3A_1065 = arith.andi %ne3A_1064, %ne3A_1059 : i1
      %add3A_1066 = arith.addi %rem3A_1057, %select_n3A_1056 : i32
      %select_n3A_1067 = arith.select %and3A_1065, %add3A_1066, %rem3A_1057 : i32
      %mul3A_1068 = arith.constant 16384 : i32
      %mul3A_1069 = arith.muli %select_n3A_1067, %mul3A_1068 : i32
      %add3A_1070 = arith.addi %mul3A_1051, %mul3A_1069 : i32
      %add3A_1071 = arith.constant 33554432 : i32
      %add3A_1072 = arith.addi %add3A_1071, %add3A_1070 : i32
      %dma_start3A_1073 = tpu.memref_slice %arg7[%add3A_1072] : memref<67108864xf32, #tpu.memory_space<hbm>> -> memref<16384xf32, #tpu.memory_space<hbm>>
      %dma_start3A_1074 = tpu.memref_slice %arg7[%add3A_1072] : memref<67108864xf32, #tpu.memory_space<hbm>> -> memref<16384xf32, #tpu.memory_space<hbm>>
      tpu.enqueue_dma source(%arg10 : memref<16384xf32, #tpu.memory_space<vmem>>) target(%dma_start3A_1074 : memref<16384xf32, #tpu.memory_space<hbm>>) target_semaphore(%arg21 : memref<!tpu.dma_semaphore, #tpu.memory_space<semaphore_mem>>)
      %dma_wait3A_1075 = arith.constant 0 : i32
      %dma_wait3A_1076 = tpu.memref_slice %arg7[%dma_wait3A_1075] : memref<67108864xf32, #tpu.memory_space<hbm>> -> memref<16384xf32, #tpu.memory_space<hbm>>
      %dma_wait3A_1077 = arith.constant 0 : i32
      %dma_wait3A_1078 = tpu.memref_slice %arg7[%dma_wait3A_1077] : memref<67108864xf32, #tpu.memory_space<hbm>> -> memref<16384xf32, #tpu.memory_space<hbm>>
      tpu.wait_dma2 semaphore(%arg24 : memref<!tpu.dma_semaphore, #tpu.memory_space<semaphore_mem>>) src(%arg13 : memref<16384xf32, #tpu.memory_space<vmem>>) dst(%dma_wait3A_1078 : memref<16384xf32, #tpu.memory_space<hbm>>)
      %add3A_1079 = arith.constant 3 : i32
      %add3A_1080 = arith.addi %sub3A_1015, %add3A_1079 : i32
      %mul3A_1081 = arith.constant 16 : i32
      %mul3A_1082 = arith.muli %select_n3A, %mul3A_1081 : i32
      %mul3A_1083 = arith.constant 4 : i32
      %mul3A_1084 = arith.muli %select_n3A_30, %mul3A_1083 : i32
      %add3A_1085 = arith.addi %mul3A_1082, %mul3A_1084 : i32
      %jit3A_1086 = arith.constant 16 : i32
      %div3A_1087 = arith.divsi %add3A_1080, %jit3A_1086 : i32
      %sign3A_1088 = arith.constant 0 : i32
      %sign3A_1089 = arith.cmpi sgt, %add3A_1080, %sign3A_1088 : i32
      %sign3A_1090 = arith.extui %sign3A_1089 : i1 to i32
      %sign3A_1091 = arith.constant 0 : i32
      %sign3A_1092 = arith.cmpi slt, %add3A_1080, %sign3A_1091 : i32
      %sign3A_1093 = arith.extui %sign3A_1092 : i1 to i32
      %sign3A_1094 = arith.subi %sign3A_1090, %sign3A_1093 : i32
      %sign3A_1095 = arith.constant 0 : i32
      %sign3A_1096 = arith.cmpi sgt, %jit3A_1086, %sign3A_1095 : i32
      %sign3A_1097 = arith.extui %sign3A_1096 : i1 to i32
      %sign3A_1098 = arith.constant 0 : i32
      %sign3A_1099 = arith.cmpi slt, %jit3A_1086, %sign3A_1098 : i32
      %sign3A_1100 = arith.extui %sign3A_1099 : i1 to i32
      %sign3A_1101 = arith.subi %sign3A_1097, %sign3A_1100 : i32
      %ne3A_1102 = arith.cmpi ne, %sign3A_1094, %sign3A_1101 : i32
      %rem3A_1103 = arith.remsi %add3A_1080, %jit3A_1086 : i32
      %ne3A_1104 = arith.constant 0 : i32
      %ne3A_1105 = arith.cmpi ne, %rem3A_1103, %ne3A_1104 : i32
      %and3A_1106 = arith.andi %ne3A_1102, %ne3A_1105 : i1
      %sub3A_1107 = arith.constant 1 : i32
      %sub3A_1108 = arith.subi %div3A_1087, %sub3A_1107 : i32
      %select_n3A_1109 = arith.select %and3A_1106, %sub3A_1108, %div3A_1087 : i32
      %add3A_1110 = arith.addi %add3A_1085, %select_n3A_1109 : i32
      %mul3A_1111 = arith.constant 262144 : i32
      %mul3A_1112 = arith.muli %add3A_1110, %mul3A_1111 : i32
      %jit3A_1113 = arith.constant 16 : i32
      %eq3A_1114 = arith.constant 0 : i32
      %eq3A_1115 = arith.cmpi eq, %jit3A_1113, %eq3A_1114 : i32
      %jit3A_1116 = arith.constant 1 : i32
      %select_n3A_1117 = arith.select %eq3A_1115, %jit3A_1116, %jit3A_1113 : i32
      %rem3A_1118 = arith.remsi %add3A_1080, %select_n3A_1117 : i32
      %ne3A_1119 = arith.constant 0 : i32
      %ne3A_1120 = arith.cmpi ne, %rem3A_1118, %ne3A_1119 : i32
      %lt3A_1121 = arith.constant 0 : i32
      %lt3A_1122 = arith.cmpi slt, %rem3A_1118, %lt3A_1121 : i32
      %lt3A_1123 = arith.constant 0 : i32
      %lt3A_1124 = arith.cmpi slt, %select_n3A_1117, %lt3A_1123 : i32
      %ne3A_1125 = arith.xori %lt3A_1122, %lt3A_1124 : i1
      %and3A_1126 = arith.andi %ne3A_1125, %ne3A_1120 : i1
      %add3A_1127 = arith.addi %rem3A_1118, %select_n3A_1117 : i32
      %select_n3A_1128 = arith.select %and3A_1126, %add3A_1127, %rem3A_1118 : i32
      %mul3A_1129 = arith.constant 16384 : i32
      %mul3A_1130 = arith.muli %select_n3A_1128, %mul3A_1129 : i32
      %add3A_1131 = arith.addi %mul3A_1112, %mul3A_1130 : i32
      %dma_start3A_1132 = tpu.memref_slice %arg3[%add3A_1131] : memref<33554432xf32, #tpu.memory_space<hbm>> -> memref<16384xf32, #tpu.memory_space<hbm>>
      %dma_start3A_1133 = tpu.memref_slice %arg3[%add3A_1131] : memref<33554432xf32, #tpu.memory_space<hbm>> -> memref<16384xf32, #tpu.memory_space<hbm>>
      tpu.enqueue_dma source(%dma_start3A_1133 : memref<16384xf32, #tpu.memory_space<hbm>>) target(%arg13 : memref<16384xf32, #tpu.memory_space<vmem>>) target_semaphore(%arg19 : memref<!tpu.dma_semaphore, #tpu.memory_space<semaphore_mem>>)
      %mul3A_1134 = arith.constant 5 : i32
      %mul3A_1135 = arith.muli %mul3A_1134, %scan3A_885 : i32
      %add3A_1136 = arith.constant 2 : i32
      %add3A_1137 = arith.addi %mul3A_1135, %add3A_1136 : i32
      %sub3A_1138 = arith.constant 64 : i32
      %sub3A_1139 = arith.subi %add3A_1137, %sub3A_1138 : i32
      %dma_wait3A_1140 = arith.constant 0 : i32
      %dma_wait3A_1141 = tpu.memref_slice %arg2[%dma_wait3A_1140] : memref<33554432xf32, #tpu.memory_space<hbm>> -> memref<16384xf32, #tpu.memory_space<hbm>>
      %dma_wait3A_1142 = arith.constant 0 : i32
      %dma_wait3A_1143 = tpu.memref_slice %arg2[%dma_wait3A_1142] : memref<33554432xf32, #tpu.memory_space<hbm>> -> memref<16384xf32, #tpu.memory_space<hbm>>
      tpu.wait_dma2 semaphore(%arg17 : memref<!tpu.dma_semaphore, #tpu.memory_space<semaphore_mem>>) src(%dma_wait3A_1143 : memref<16384xf32, #tpu.memory_space<hbm>>) dst(%arg11 : memref<16384xf32, #tpu.memory_space<vmem>>)
      %mul3A_1144 = arith.constant 16 : i32
      %mul3A_1145 = arith.muli %select_n3A, %mul3A_1144 : i32
      %mul3A_1146 = arith.constant 4 : i32
      %mul3A_1147 = arith.muli %select_n3A_30, %mul3A_1146 : i32
      %add3A_1148 = arith.addi %mul3A_1145, %mul3A_1147 : i32
      %jit3A_1149 = arith.constant 16 : i32
      %div3A_1150 = arith.divsi %sub3A_1139, %jit3A_1149 : i32
      %sign3A_1151 = arith.constant 0 : i32
      %sign3A_1152 = arith.cmpi sgt, %sub3A_1139, %sign3A_1151 : i32
      %sign3A_1153 = arith.extui %sign3A_1152 : i1 to i32
      %sign3A_1154 = arith.constant 0 : i32
      %sign3A_1155 = arith.cmpi slt, %sub3A_1139, %sign3A_1154 : i32
      %sign3A_1156 = arith.extui %sign3A_1155 : i1 to i32
      %sign3A_1157 = arith.subi %sign3A_1153, %sign3A_1156 : i32
      %sign3A_1158 = arith.constant 0 : i32
      %sign3A_1159 = arith.cmpi sgt, %jit3A_1149, %sign3A_1158 : i32
      %sign3A_1160 = arith.extui %sign3A_1159 : i1 to i32
      %sign3A_1161 = arith.constant 0 : i32
      %sign3A_1162 = arith.cmpi slt, %jit3A_1149, %sign3A_1161 : i32
      %sign3A_1163 = arith.extui %sign3A_1162 : i1 to i32
      %sign3A_1164 = arith.subi %sign3A_1160, %sign3A_1163 : i32
      %ne3A_1165 = arith.cmpi ne, %sign3A_1157, %sign3A_1164 : i32
      %rem3A_1166 = arith.remsi %sub3A_1139, %jit3A_1149 : i32
      %ne3A_1167 = arith.constant 0 : i32
      %ne3A_1168 = arith.cmpi ne, %rem3A_1166, %ne3A_1167 : i32
      %and3A_1169 = arith.andi %ne3A_1165, %ne3A_1168 : i1
      %sub3A_1170 = arith.constant 1 : i32
      %sub3A_1171 = arith.subi %div3A_1150, %sub3A_1170 : i32
      %select_n3A_1172 = arith.select %and3A_1169, %sub3A_1171, %div3A_1150 : i32
      %add3A_1173 = arith.addi %add3A_1148, %select_n3A_1172 : i32
      %mul3A_1174 = arith.constant 262144 : i32
      %mul3A_1175 = arith.muli %add3A_1173, %mul3A_1174 : i32
      %jit3A_1176 = arith.constant 16 : i32
      %eq3A_1177 = arith.constant 0 : i32
      %eq3A_1178 = arith.cmpi eq, %jit3A_1176, %eq3A_1177 : i32
      %jit3A_1179 = arith.constant 1 : i32
      %select_n3A_1180 = arith.select %eq3A_1178, %jit3A_1179, %jit3A_1176 : i32
      %rem3A_1181 = arith.remsi %sub3A_1139, %select_n3A_1180 : i32
      %ne3A_1182 = arith.constant 0 : i32
      %ne3A_1183 = arith.cmpi ne, %rem3A_1181, %ne3A_1182 : i32
      %lt3A_1184 = arith.constant 0 : i32
      %lt3A_1185 = arith.cmpi slt, %rem3A_1181, %lt3A_1184 : i32
      %lt3A_1186 = arith.constant 0 : i32
      %lt3A_1187 = arith.cmpi slt, %select_n3A_1180, %lt3A_1186 : i32
      %ne3A_1188 = arith.xori %lt3A_1185, %lt3A_1187 : i1
      %and3A_1189 = arith.andi %ne3A_1188, %ne3A_1183 : i1
      %add3A_1190 = arith.addi %rem3A_1181, %select_n3A_1180 : i32
      %select_n3A_1191 = arith.select %and3A_1189, %add3A_1190, %rem3A_1181 : i32
      %mul3A_1192 = arith.constant 16384 : i32
      %mul3A_1193 = arith.muli %select_n3A_1191, %mul3A_1192 : i32
      %add3A_1194 = arith.addi %mul3A_1175, %mul3A_1193 : i32
      %add3A_1195 = arith.constant 33554432 : i32
      %add3A_1196 = arith.addi %add3A_1195, %add3A_1194 : i32
      %dma_start3A_1197 = tpu.memref_slice %arg7[%add3A_1196] : memref<67108864xf32, #tpu.memory_space<hbm>> -> memref<16384xf32, #tpu.memory_space<hbm>>
      %dma_start3A_1198 = tpu.memref_slice %arg7[%add3A_1196] : memref<67108864xf32, #tpu.memory_space<hbm>> -> memref<16384xf32, #tpu.memory_space<hbm>>
      tpu.enqueue_dma source(%arg11 : memref<16384xf32, #tpu.memory_space<vmem>>) target(%dma_start3A_1198 : memref<16384xf32, #tpu.memory_space<hbm>>) target_semaphore(%arg22 : memref<!tpu.dma_semaphore, #tpu.memory_space<semaphore_mem>>)
      %dma_wait3A_1199 = arith.constant 0 : i32
      %dma_wait3A_1200 = tpu.memref_slice %arg7[%dma_wait3A_1199] : memref<67108864xf32, #tpu.memory_space<hbm>> -> memref<16384xf32, #tpu.memory_space<hbm>>
      %dma_wait3A_1201 = arith.constant 0 : i32
      %dma_wait3A_1202 = tpu.memref_slice %arg7[%dma_wait3A_1201] : memref<67108864xf32, #tpu.memory_space<hbm>> -> memref<16384xf32, #tpu.memory_space<hbm>>
      tpu.wait_dma2 semaphore(%arg20 : memref<!tpu.dma_semaphore, #tpu.memory_space<semaphore_mem>>) src(%arg9 : memref<16384xf32, #tpu.memory_space<vmem>>) dst(%dma_wait3A_1202 : memref<16384xf32, #tpu.memory_space<hbm>>)
      %add3A_1203 = arith.constant 3 : i32
      %add3A_1204 = arith.addi %sub3A_1139, %add3A_1203 : i32
      %mul3A_1205 = arith.constant 16 : i32
      %mul3A_1206 = arith.muli %select_n3A, %mul3A_1205 : i32
      %mul3A_1207 = arith.constant 4 : i32
      %mul3A_1208 = arith.muli %select_n3A_30, %mul3A_1207 : i32
      %add3A_1209 = arith.addi %mul3A_1206, %mul3A_1208 : i32
      %jit3A_1210 = arith.constant 16 : i32
      %div3A_1211 = arith.divsi %add3A_1204, %jit3A_1210 : i32
      %sign3A_1212 = arith.constant 0 : i32
      %sign3A_1213 = arith.cmpi sgt, %add3A_1204, %sign3A_1212 : i32
      %sign3A_1214 = arith.extui %sign3A_1213 : i1 to i32
      %sign3A_1215 = arith.constant 0 : i32
      %sign3A_1216 = arith.cmpi slt, %add3A_1204, %sign3A_1215 : i32
      %sign3A_1217 = arith.extui %sign3A_1216 : i1 to i32
      %sign3A_1218 = arith.subi %sign3A_1214, %sign3A_1217 : i32
      %sign3A_1219 = arith.constant 0 : i32
      %sign3A_1220 = arith.cmpi sgt, %jit3A_1210, %sign3A_1219 : i32
      %sign3A_1221 = arith.extui %sign3A_1220 : i1 to i32
      %sign3A_1222 = arith.constant 0 : i32
      %sign3A_1223 = arith.cmpi slt, %jit3A_1210, %sign3A_1222 : i32
      %sign3A_1224 = arith.extui %sign3A_1223 : i1 to i32
      %sign3A_1225 = arith.subi %sign3A_1221, %sign3A_1224 : i32
      %ne3A_1226 = arith.cmpi ne, %sign3A_1218, %sign3A_1225 : i32
      %rem3A_1227 = arith.remsi %add3A_1204, %jit3A_1210 : i32
      %ne3A_1228 = arith.constant 0 : i32
      %ne3A_1229 = arith.cmpi ne, %rem3A_1227, %ne3A_1228 : i32
      %and3A_1230 = arith.andi %ne3A_1226, %ne3A_1229 : i1
      %sub3A_1231 = arith.constant 1 : i32
      %sub3A_1232 = arith.subi %div3A_1211, %sub3A_1231 : i32
      %select_n3A_1233 = arith.select %and3A_1230, %sub3A_1232, %div3A_1211 : i32
      %add3A_1234 = arith.addi %add3A_1209, %select_n3A_1233 : i32
      %mul3A_1235 = arith.constant 262144 : i32
      %mul3A_1236 = arith.muli %add3A_1234, %mul3A_1235 : i32
      %jit3A_1237 = arith.constant 16 : i32
      %eq3A_1238 = arith.constant 0 : i32
      %eq3A_1239 = arith.cmpi eq, %jit3A_1237, %eq3A_1238 : i32
      %jit3A_1240 = arith.constant 1 : i32
      %select_n3A_1241 = arith.select %eq3A_1239, %jit3A_1240, %jit3A_1237 : i32
      %rem3A_1242 = arith.remsi %add3A_1204, %select_n3A_1241 : i32
      %ne3A_1243 = arith.constant 0 : i32
      %ne3A_1244 = arith.cmpi ne, %rem3A_1242, %ne3A_1243 : i32
      %lt3A_1245 = arith.constant 0 : i32
      %lt3A_1246 = arith.cmpi slt, %rem3A_1242, %lt3A_1245 : i32
      %lt3A_1247 = arith.constant 0 : i32
      %lt3A_1248 = arith.cmpi slt, %select_n3A_1241, %lt3A_1247 : i32
      %ne3A_1249 = arith.xori %lt3A_1246, %lt3A_1248 : i1
      %and3A_1250 = arith.andi %ne3A_1249, %ne3A_1244 : i1
      %add3A_1251 = arith.addi %rem3A_1242, %select_n3A_1241 : i32
      %select_n3A_1252 = arith.select %and3A_1250, %add3A_1251, %rem3A_1242 : i32
      %mul3A_1253 = arith.constant 16384 : i32
      %mul3A_1254 = arith.muli %select_n3A_1252, %mul3A_1253 : i32
      %add3A_1255 = arith.addi %mul3A_1236, %mul3A_1254 : i32
      %dma_start3A_1256 = tpu.memref_slice %arg3[%add3A_1255] : memref<33554432xf32, #tpu.memory_space<hbm>> -> memref<16384xf32, #tpu.memory_space<hbm>>
      %dma_start3A_1257 = tpu.memref_slice %arg3[%add3A_1255] : memref<33554432xf32, #tpu.memory_space<hbm>> -> memref<16384xf32, #tpu.memory_space<hbm>>
      tpu.enqueue_dma source(%dma_start3A_1257 : memref<16384xf32, #tpu.memory_space<hbm>>) target(%arg9 : memref<16384xf32, #tpu.memory_space<vmem>>) target_semaphore(%arg15 : memref<!tpu.dma_semaphore, #tpu.memory_space<semaphore_mem>>)
      %mul3A_1258 = arith.constant 5 : i32
      %mul3A_1259 = arith.muli %mul3A_1258, %scan3A_885 : i32
      %add3A_1260 = arith.constant 3 : i32
      %add3A_1261 = arith.addi %mul3A_1259, %add3A_1260 : i32
      %sub3A_1262 = arith.constant 64 : i32
      %sub3A_1263 = arith.subi %add3A_1261, %sub3A_1262 : i32
      %dma_wait3A_1264 = arith.constant 0 : i32
      %dma_wait3A_1265 = tpu.memref_slice %arg2[%dma_wait3A_1264] : memref<33554432xf32, #tpu.memory_space<hbm>> -> memref<16384xf32, #tpu.memory_space<hbm>>
      %dma_wait3A_1266 = arith.constant 0 : i32
      %dma_wait3A_1267 = tpu.memref_slice %arg2[%dma_wait3A_1266] : memref<33554432xf32, #tpu.memory_space<hbm>> -> memref<16384xf32, #tpu.memory_space<hbm>>
      tpu.wait_dma2 semaphore(%arg18 : memref<!tpu.dma_semaphore, #tpu.memory_space<semaphore_mem>>) src(%dma_wait3A_1267 : memref<16384xf32, #tpu.memory_space<hbm>>) dst(%arg12 : memref<16384xf32, #tpu.memory_space<vmem>>)
      %mul3A_1268 = arith.constant 16 : i32
      %mul3A_1269 = arith.muli %select_n3A, %mul3A_1268 : i32
      %mul3A_1270 = arith.constant 4 : i32
      %mul3A_1271 = arith.muli %select_n3A_30, %mul3A_1270 : i32
      %add3A_1272 = arith.addi %mul3A_1269, %mul3A_1271 : i32
      %jit3A_1273 = arith.constant 16 : i32
      %div3A_1274 = arith.divsi %sub3A_1263, %jit3A_1273 : i32
      %sign3A_1275 = arith.constant 0 : i32
      %sign3A_1276 = arith.cmpi sgt, %sub3A_1263, %sign3A_1275 : i32
      %sign3A_1277 = arith.extui %sign3A_1276 : i1 to i32
      %sign3A_1278 = arith.constant 0 : i32
      %sign3A_1279 = arith.cmpi slt, %sub3A_1263, %sign3A_1278 : i32
      %sign3A_1280 = arith.extui %sign3A_1279 : i1 to i32
      %sign3A_1281 = arith.subi %sign3A_1277, %sign3A_1280 : i32
      %sign3A_1282 = arith.constant 0 : i32
      %sign3A_1283 = arith.cmpi sgt, %jit3A_1273, %sign3A_1282 : i32
      %sign3A_1284 = arith.extui %sign3A_1283 : i1 to i32
      %sign3A_1285 = arith.constant 0 : i32
      %sign3A_1286 = arith.cmpi slt, %jit3A_1273, %sign3A_1285 : i32
      %sign3A_1287 = arith.extui %sign3A_1286 : i1 to i32
      %sign3A_1288 = arith.subi %sign3A_1284, %sign3A_1287 : i32
      %ne3A_1289 = arith.cmpi ne, %sign3A_1281, %sign3A_1288 : i32
      %rem3A_1290 = arith.remsi %sub3A_1263, %jit3A_1273 : i32
      %ne3A_1291 = arith.constant 0 : i32
      %ne3A_1292 = arith.cmpi ne, %rem3A_1290, %ne3A_1291 : i32
      %and3A_1293 = arith.andi %ne3A_1289, %ne3A_1292 : i1
      %sub3A_1294 = arith.constant 1 : i32
      %sub3A_1295 = arith.subi %div3A_1274, %sub3A_1294 : i32
      %select_n3A_1296 = arith.select %and3A_1293, %sub3A_1295, %div3A_1274 : i32
      %add3A_1297 = arith.addi %add3A_1272, %select_n3A_1296 : i32
      %mul3A_1298 = arith.constant 262144 : i32
      %mul3A_1299 = arith.muli %add3A_1297, %mul3A_1298 : i32
      %jit3A_1300 = arith.constant 16 : i32
      %eq3A_1301 = arith.constant 0 : i32
      %eq3A_1302 = arith.cmpi eq, %jit3A_1300, %eq3A_1301 : i32
      %jit3A_1303 = arith.constant 1 : i32
      %select_n3A_1304 = arith.select %eq3A_1302, %jit3A_1303, %jit3A_1300 : i32
      %rem3A_1305 = arith.remsi %sub3A_1263, %select_n3A_1304 : i32
      %ne3A_1306 = arith.constant 0 : i32
      %ne3A_1307 = arith.cmpi ne, %rem3A_1305, %ne3A_1306 : i32
      %lt3A_1308 = arith.constant 0 : i32
      %lt3A_1309 = arith.cmpi slt, %rem3A_1305, %lt3A_1308 : i32
      %lt3A_1310 = arith.constant 0 : i32
      %lt3A_1311 = arith.cmpi slt, %select_n3A_1304, %lt3A_1310 : i32
      %ne3A_1312 = arith.xori %lt3A_1309, %lt3A_1311 : i1
      %and3A_1313 = arith.andi %ne3A_1312, %ne3A_1307 : i1
      %add3A_1314 = arith.addi %rem3A_1305, %select_n3A_1304 : i32
      %select_n3A_1315 = arith.select %and3A_1313, %add3A_1314, %rem3A_1305 : i32
      %mul3A_1316 = arith.constant 16384 : i32
      %mul3A_1317 = arith.muli %select_n3A_1315, %mul3A_1316 : i32
      %add3A_1318 = arith.addi %mul3A_1299, %mul3A_1317 : i32
      %add3A_1319 = arith.constant 33554432 : i32
      %add3A_1320 = arith.addi %add3A_1319, %add3A_1318 : i32
      %dma_start3A_1321 = tpu.memref_slice %arg7[%add3A_1320] : memref<67108864xf32, #tpu.memory_space<hbm>> -> memref<16384xf32, #tpu.memory_space<hbm>>
      %dma_start3A_1322 = tpu.memref_slice %arg7[%add3A_1320] : memref<67108864xf32, #tpu.memory_space<hbm>> -> memref<16384xf32, #tpu.memory_space<hbm>>
      tpu.enqueue_dma source(%arg12 : memref<16384xf32, #tpu.memory_space<vmem>>) target(%dma_start3A_1322 : memref<16384xf32, #tpu.memory_space<hbm>>) target_semaphore(%arg23 : memref<!tpu.dma_semaphore, #tpu.memory_space<semaphore_mem>>)
      %dma_wait3A_1323 = arith.constant 0 : i32
      %dma_wait3A_1324 = tpu.memref_slice %arg7[%dma_wait3A_1323] : memref<67108864xf32, #tpu.memory_space<hbm>> -> memref<16384xf32, #tpu.memory_space<hbm>>
      %dma_wait3A_1325 = arith.constant 0 : i32
      %dma_wait3A_1326 = tpu.memref_slice %arg7[%dma_wait3A_1325] : memref<67108864xf32, #tpu.memory_space<hbm>> -> memref<16384xf32, #tpu.memory_space<hbm>>
      tpu.wait_dma2 semaphore(%arg21 : memref<!tpu.dma_semaphore, #tpu.memory_space<semaphore_mem>>) src(%arg10 : memref<16384xf32, #tpu.memory_space<vmem>>) dst(%dma_wait3A_1326 : memref<16384xf32, #tpu.memory_space<hbm>>)
      %add3A_1327 = arith.constant 3 : i32
      %add3A_1328 = arith.addi %sub3A_1263, %add3A_1327 : i32
      %mul3A_1329 = arith.constant 16 : i32
      %mul3A_1330 = arith.muli %select_n3A, %mul3A_1329 : i32
      %mul3A_1331 = arith.constant 4 : i32
      %mul3A_1332 = arith.muli %select_n3A_30, %mul3A_1331 : i32
      %add3A_1333 = arith.addi %mul3A_1330, %mul3A_1332 : i32
      %jit3A_1334 = arith.constant 16 : i32
      %div3A_1335 = arith.divsi %add3A_1328, %jit3A_1334 : i32
      %sign3A_1336 = arith.constant 0 : i32
      %sign3A_1337 = arith.cmpi sgt, %add3A_1328, %sign3A_1336 : i32
      %sign3A_1338 = arith.extui %sign3A_1337 : i1 to i32
      %sign3A_1339 = arith.constant 0 : i32
      %sign3A_1340 = arith.cmpi slt, %add3A_1328, %sign3A_1339 : i32
      %sign3A_1341 = arith.extui %sign3A_1340 : i1 to i32
      %sign3A_1342 = arith.subi %sign3A_1338, %sign3A_1341 : i32
      %sign3A_1343 = arith.constant 0 : i32
      %sign3A_1344 = arith.cmpi sgt, %jit3A_1334, %sign3A_1343 : i32
      %sign3A_1345 = arith.extui %sign3A_1344 : i1 to i32
      %sign3A_1346 = arith.constant 0 : i32
      %sign3A_1347 = arith.cmpi slt, %jit3A_1334, %sign3A_1346 : i32
      %sign3A_1348 = arith.extui %sign3A_1347 : i1 to i32
      %sign3A_1349 = arith.subi %sign3A_1345, %sign3A_1348 : i32
      %ne3A_1350 = arith.cmpi ne, %sign3A_1342, %sign3A_1349 : i32
      %rem3A_1351 = arith.remsi %add3A_1328, %jit3A_1334 : i32
      %ne3A_1352 = arith.constant 0 : i32
      %ne3A_1353 = arith.cmpi ne, %rem3A_1351, %ne3A_1352 : i32
      %and3A_1354 = arith.andi %ne3A_1350, %ne3A_1353 : i1
      %sub3A_1355 = arith.constant 1 : i32
      %sub3A_1356 = arith.subi %div3A_1335, %sub3A_1355 : i32
      %select_n3A_1357 = arith.select %and3A_1354, %sub3A_1356, %div3A_1335 : i32
      %add3A_1358 = arith.addi %add3A_1333, %select_n3A_1357 : i32
      %mul3A_1359 = arith.constant 262144 : i32
      %mul3A_1360 = arith.muli %add3A_1358, %mul3A_1359 : i32
      %jit3A_1361 = arith.constant 16 : i32
      %eq3A_1362 = arith.constant 0 : i32
      %eq3A_1363 = arith.cmpi eq, %jit3A_1361, %eq3A_1362 : i32
      %jit3A_1364 = arith.constant 1 : i32
      %select_n3A_1365 = arith.select %eq3A_1363, %jit3A_1364, %jit3A_1361 : i32
      %rem3A_1366 = arith.remsi %add3A_1328, %select_n3A_1365 : i32
      %ne3A_1367 = arith.constant 0 : i32
      %ne3A_1368 = arith.cmpi ne, %rem3A_1366, %ne3A_1367 : i32
      %lt3A_1369 = arith.constant 0 : i32
      %lt3A_1370 = arith.cmpi slt, %rem3A_1366, %lt3A_1369 : i32
      %lt3A_1371 = arith.constant 0 : i32
      %lt3A_1372 = arith.cmpi slt, %select_n3A_1365, %lt3A_1371 : i32
      %ne3A_1373 = arith.xori %lt3A_1370, %lt3A_1372 : i1
      %and3A_1374 = arith.andi %ne3A_1373, %ne3A_1368 : i1
      %add3A_1375 = arith.addi %rem3A_1366, %select_n3A_1365 : i32
      %select_n3A_1376 = arith.select %and3A_1374, %add3A_1375, %rem3A_1366 : i32
      %mul3A_1377 = arith.constant 16384 : i32
      %mul3A_1378 = arith.muli %select_n3A_1376, %mul3A_1377 : i32
      %add3A_1379 = arith.addi %mul3A_1360, %mul3A_1378 : i32
      %dma_start3A_1380 = tpu.memref_slice %arg3[%add3A_1379] : memref<33554432xf32, #tpu.memory_space<hbm>> -> memref<16384xf32, #tpu.memory_space<hbm>>
      %dma_start3A_1381 = tpu.memref_slice %arg3[%add3A_1379] : memref<33554432xf32, #tpu.memory_space<hbm>> -> memref<16384xf32, #tpu.memory_space<hbm>>
      tpu.enqueue_dma source(%dma_start3A_1381 : memref<16384xf32, #tpu.memory_space<hbm>>) target(%arg10 : memref<16384xf32, #tpu.memory_space<vmem>>) target_semaphore(%arg16 : memref<!tpu.dma_semaphore, #tpu.memory_space<semaphore_mem>>)
      %mul3A_1382 = arith.constant 5 : i32
      %mul3A_1383 = arith.muli %mul3A_1382, %scan3A_885 : i32
      %add3A_1384 = arith.constant 4 : i32
      %add3A_1385 = arith.addi %mul3A_1383, %add3A_1384 : i32
      %sub3A_1386 = arith.constant 64 : i32
      %sub3A_1387 = arith.subi %add3A_1385, %sub3A_1386 : i32
      %dma_wait3A_1388 = arith.constant 0 : i32
      %dma_wait3A_1389 = tpu.memref_slice %arg2[%dma_wait3A_1388] : memref<33554432xf32, #tpu.memory_space<hbm>> -> memref<16384xf32, #tpu.memory_space<hbm>>
      %dma_wait3A_1390 = arith.constant 0 : i32
      %dma_wait3A_1391 = tpu.memref_slice %arg2[%dma_wait3A_1390] : memref<33554432xf32, #tpu.memory_space<hbm>> -> memref<16384xf32, #tpu.memory_space<hbm>>
      tpu.wait_dma2 semaphore(%arg19 : memref<!tpu.dma_semaphore, #tpu.memory_space<semaphore_mem>>) src(%dma_wait3A_1391 : memref<16384xf32, #tpu.memory_space<hbm>>) dst(%arg13 : memref<16384xf32, #tpu.memory_space<vmem>>)
      %mul3A_1392 = arith.constant 16 : i32
      %mul3A_1393 = arith.muli %select_n3A, %mul3A_1392 : i32
      %mul3A_1394 = arith.constant 4 : i32
      %mul3A_1395 = arith.muli %select_n3A_30, %mul3A_1394 : i32
      %add3A_1396 = arith.addi %mul3A_1393, %mul3A_1395 : i32
      %jit3A_1397 = arith.constant 16 : i32
      %div3A_1398 = arith.divsi %sub3A_1387, %jit3A_1397 : i32
      %sign3A_1399 = arith.constant 0 : i32
      %sign3A_1400 = arith.cmpi sgt, %sub3A_1387, %sign3A_1399 : i32
      %sign3A_1401 = arith.extui %sign3A_1400 : i1 to i32
      %sign3A_1402 = arith.constant 0 : i32
      %sign3A_1403 = arith.cmpi slt, %sub3A_1387, %sign3A_1402 : i32
      %sign3A_1404 = arith.extui %sign3A_1403 : i1 to i32
      %sign3A_1405 = arith.subi %sign3A_1401, %sign3A_1404 : i32
      %sign3A_1406 = arith.constant 0 : i32
      %sign3A_1407 = arith.cmpi sgt, %jit3A_1397, %sign3A_1406 : i32
      %sign3A_1408 = arith.extui %sign3A_1407 : i1 to i32
      %sign3A_1409 = arith.constant 0 : i32
      %sign3A_1410 = arith.cmpi slt, %jit3A_1397, %sign3A_1409 : i32
      %sign3A_1411 = arith.extui %sign3A_1410 : i1 to i32
      %sign3A_1412 = arith.subi %sign3A_1408, %sign3A_1411 : i32
      %ne3A_1413 = arith.cmpi ne, %sign3A_1405, %sign3A_1412 : i32
      %rem3A_1414 = arith.remsi %sub3A_1387, %jit3A_1397 : i32
      %ne3A_1415 = arith.constant 0 : i32
      %ne3A_1416 = arith.cmpi ne, %rem3A_1414, %ne3A_1415 : i32
      %and3A_1417 = arith.andi %ne3A_1413, %ne3A_1416 : i1
      %sub3A_1418 = arith.constant 1 : i32
      %sub3A_1419 = arith.subi %div3A_1398, %sub3A_1418 : i32
      %select_n3A_1420 = arith.select %and3A_1417, %sub3A_1419, %div3A_1398 : i32
      %add3A_1421 = arith.addi %add3A_1396, %select_n3A_1420 : i32
      %mul3A_1422 = arith.constant 262144 : i32
      %mul3A_1423 = arith.muli %add3A_1421, %mul3A_1422 : i32
      %jit3A_1424 = arith.constant 16 : i32
      %eq3A_1425 = arith.constant 0 : i32
      %eq3A_1426 = arith.cmpi eq, %jit3A_1424, %eq3A_1425 : i32
      %jit3A_1427 = arith.constant 1 : i32
      %select_n3A_1428 = arith.select %eq3A_1426, %jit3A_1427, %jit3A_1424 : i32
      %rem3A_1429 = arith.remsi %sub3A_1387, %select_n3A_1428 : i32
      %ne3A_1430 = arith.constant 0 : i32
      %ne3A_1431 = arith.cmpi ne, %rem3A_1429, %ne3A_1430 : i32
      %lt3A_1432 = arith.constant 0 : i32
      %lt3A_1433 = arith.cmpi slt, %rem3A_1429, %lt3A_1432 : i32
      %lt3A_1434 = arith.constant 0 : i32
      %lt3A_1435 = arith.cmpi slt, %select_n3A_1428, %lt3A_1434 : i32
      %ne3A_1436 = arith.xori %lt3A_1433, %lt3A_1435 : i1
      %and3A_1437 = arith.andi %ne3A_1436, %ne3A_1431 : i1
      %add3A_1438 = arith.addi %rem3A_1429, %select_n3A_1428 : i32
      %select_n3A_1439 = arith.select %and3A_1437, %add3A_1438, %rem3A_1429 : i32
      %mul3A_1440 = arith.constant 16384 : i32
      %mul3A_1441 = arith.muli %select_n3A_1439, %mul3A_1440 : i32
      %add3A_1442 = arith.addi %mul3A_1423, %mul3A_1441 : i32
      %add3A_1443 = arith.constant 33554432 : i32
      %add3A_1444 = arith.addi %add3A_1443, %add3A_1442 : i32
      %dma_start3A_1445 = tpu.memref_slice %arg7[%add3A_1444] : memref<67108864xf32, #tpu.memory_space<hbm>> -> memref<16384xf32, #tpu.memory_space<hbm>>
      %dma_start3A_1446 = tpu.memref_slice %arg7[%add3A_1444] : memref<67108864xf32, #tpu.memory_space<hbm>> -> memref<16384xf32, #tpu.memory_space<hbm>>
      tpu.enqueue_dma source(%arg13 : memref<16384xf32, #tpu.memory_space<vmem>>) target(%dma_start3A_1446 : memref<16384xf32, #tpu.memory_space<hbm>>) target_semaphore(%arg24 : memref<!tpu.dma_semaphore, #tpu.memory_space<semaphore_mem>>)
      %dma_wait3A_1447 = arith.constant 0 : i32
      %dma_wait3A_1448 = tpu.memref_slice %arg7[%dma_wait3A_1447] : memref<67108864xf32, #tpu.memory_space<hbm>> -> memref<16384xf32, #tpu.memory_space<hbm>>
      %dma_wait3A_1449 = arith.constant 0 : i32
      %dma_wait3A_1450 = tpu.memref_slice %arg7[%dma_wait3A_1449] : memref<67108864xf32, #tpu.memory_space<hbm>> -> memref<16384xf32, #tpu.memory_space<hbm>>
      tpu.wait_dma2 semaphore(%arg22 : memref<!tpu.dma_semaphore, #tpu.memory_space<semaphore_mem>>) src(%arg11 : memref<16384xf32, #tpu.memory_space<vmem>>) dst(%dma_wait3A_1450 : memref<16384xf32, #tpu.memory_space<hbm>>)
      %add3A_1451 = arith.constant 3 : i32
      %add3A_1452 = arith.addi %sub3A_1387, %add3A_1451 : i32
      %mul3A_1453 = arith.constant 16 : i32
      %mul3A_1454 = arith.muli %select_n3A, %mul3A_1453 : i32
      %mul3A_1455 = arith.constant 4 : i32
      %mul3A_1456 = arith.muli %select_n3A_30, %mul3A_1455 : i32
      %add3A_1457 = arith.addi %mul3A_1454, %mul3A_1456 : i32
      %jit3A_1458 = arith.constant 16 : i32
      %div3A_1459 = arith.divsi %add3A_1452, %jit3A_1458 : i32
      %sign3A_1460 = arith.constant 0 : i32
      %sign3A_1461 = arith.cmpi sgt, %add3A_1452, %sign3A_1460 : i32
      %sign3A_1462 = arith.extui %sign3A_1461 : i1 to i32
      %sign3A_1463 = arith.constant 0 : i32
      %sign3A_1464 = arith.cmpi slt, %add3A_1452, %sign3A_1463 : i32
      %sign3A_1465 = arith.extui %sign3A_1464 : i1 to i32
      %sign3A_1466 = arith.subi %sign3A_1462, %sign3A_1465 : i32
      %sign3A_1467 = arith.constant 0 : i32
      %sign3A_1468 = arith.cmpi sgt, %jit3A_1458, %sign3A_1467 : i32
      %sign3A_1469 = arith.extui %sign3A_1468 : i1 to i32
      %sign3A_1470 = arith.constant 0 : i32
      %sign3A_1471 = arith.cmpi slt, %jit3A_1458, %sign3A_1470 : i32
      %sign3A_1472 = arith.extui %sign3A_1471 : i1 to i32
      %sign3A_1473 = arith.subi %sign3A_1469, %sign3A_1472 : i32
      %ne3A_1474 = arith.cmpi ne, %sign3A_1466, %sign3A_1473 : i32
      %rem3A_1475 = arith.remsi %add3A_1452, %jit3A_1458 : i32
      %ne3A_1476 = arith.constant 0 : i32
      %ne3A_1477 = arith.cmpi ne, %rem3A_1475, %ne3A_1476 : i32
      %and3A_1478 = arith.andi %ne3A_1474, %ne3A_1477 : i1
      %sub3A_1479 = arith.constant 1 : i32
      %sub3A_1480 = arith.subi %div3A_1459, %sub3A_1479 : i32
      %select_n3A_1481 = arith.select %and3A_1478, %sub3A_1480, %div3A_1459 : i32
      %add3A_1482 = arith.addi %add3A_1457, %select_n3A_1481 : i32
      %mul3A_1483 = arith.constant 262144 : i32
      %mul3A_1484 = arith.muli %add3A_1482, %mul3A_1483 : i32
      %jit3A_1485 = arith.constant 16 : i32
      %eq3A_1486 = arith.constant 0 : i32
      %eq3A_1487 = arith.cmpi eq, %jit3A_1485, %eq3A_1486 : i32
      %jit3A_1488 = arith.constant 1 : i32
      %select_n3A_1489 = arith.select %eq3A_1487, %jit3A_1488, %jit3A_1485 : i32
      %rem3A_1490 = arith.remsi %add3A_1452, %select_n3A_1489 : i32
      %ne3A_1491 = arith.constant 0 : i32
      %ne3A_1492 = arith.cmpi ne, %rem3A_1490, %ne3A_1491 : i32
      %lt3A_1493 = arith.constant 0 : i32
      %lt3A_1494 = arith.cmpi slt, %rem3A_1490, %lt3A_1493 : i32
      %lt3A_1495 = arith.constant 0 : i32
      %lt3A_1496 = arith.cmpi slt, %select_n3A_1489, %lt3A_1495 : i32
      %ne3A_1497 = arith.xori %lt3A_1494, %lt3A_1496 : i1
      %and3A_1498 = arith.andi %ne3A_1497, %ne3A_1492 : i1
      %add3A_1499 = arith.addi %rem3A_1490, %select_n3A_1489 : i32
      %select_n3A_1500 = arith.select %and3A_1498, %add3A_1499, %rem3A_1490 : i32
      %mul3A_1501 = arith.constant 16384 : i32
      %mul3A_1502 = arith.muli %select_n3A_1500, %mul3A_1501 : i32
      %add3A_1503 = arith.addi %mul3A_1484, %mul3A_1502 : i32
      %dma_start3A_1504 = tpu.memref_slice %arg3[%add3A_1503] : memref<33554432xf32, #tpu.memory_space<hbm>> -> memref<16384xf32, #tpu.memory_space<hbm>>
      %dma_start3A_1505 = tpu.memref_slice %arg3[%add3A_1503] : memref<33554432xf32, #tpu.memory_space<hbm>> -> memref<16384xf32, #tpu.memory_space<hbm>>
      tpu.enqueue_dma source(%dma_start3A_1505 : memref<16384xf32, #tpu.memory_space<hbm>>) target(%arg11 : memref<16384xf32, #tpu.memory_space<vmem>>) target_semaphore(%arg17 : memref<!tpu.dma_semaphore, #tpu.memory_space<semaphore_mem>>)
    }
    %scan3A_695 = arith.constant 11 : i32
    %dma_wait3A_696 = arith.constant 0 : i32
    %dma_wait3A_697 = tpu.memref_slice %arg2[%dma_wait3A_696] : memref<33554432xf32, #tpu.memory_space<hbm>> -> memref<16384xf32, #tpu.memory_space<hbm>>
    %dma_wait3A_698 = arith.constant 0 : i32
    %dma_wait3A_699 = tpu.memref_slice %arg2[%dma_wait3A_698] : memref<33554432xf32, #tpu.memory_space<hbm>> -> memref<16384xf32, #tpu.memory_space<hbm>>
    tpu.wait_dma2 semaphore(%arg15 : memref<!tpu.dma_semaphore, #tpu.memory_space<semaphore_mem>>) src(%dma_wait3A_699 : memref<16384xf32, #tpu.memory_space<hbm>>) dst(%arg9 : memref<16384xf32, #tpu.memory_space<vmem>>)
    %mul3A_700 = arith.constant 16 : i32
    %mul3A_701 = arith.muli %select_n3A, %mul3A_700 : i32
    %mul3A_702 = arith.constant 4 : i32
    %mul3A_703 = arith.muli %select_n3A_30, %mul3A_702 : i32
    %add3A_704 = arith.addi %mul3A_701, %mul3A_703 : i32
    %add3A_705 = arith.constant 3 : i32
    %add3A_706 = arith.addi %add3A_704, %add3A_705 : i32
    %mul3A_707 = arith.constant 262144 : i32
    %mul3A_708 = arith.muli %add3A_706, %mul3A_707 : i32
    %add3A_709 = arith.constant 212992 : i32
    %add3A_710 = arith.addi %mul3A_708, %add3A_709 : i32
    %add3A_711 = arith.constant 33554432 : i32
    %add3A_712 = arith.addi %add3A_711, %add3A_710 : i32
    %dma_start3A_713 = tpu.memref_slice %arg7[%add3A_712] : memref<67108864xf32, #tpu.memory_space<hbm>> -> memref<16384xf32, #tpu.memory_space<hbm>>
    %dma_start3A_714 = tpu.memref_slice %arg7[%add3A_712] : memref<67108864xf32, #tpu.memory_space<hbm>> -> memref<16384xf32, #tpu.memory_space<hbm>>
    tpu.enqueue_dma source(%arg9 : memref<16384xf32, #tpu.memory_space<vmem>>) target(%dma_start3A_714 : memref<16384xf32, #tpu.memory_space<hbm>>) target_semaphore(%arg20 : memref<!tpu.dma_semaphore, #tpu.memory_space<semaphore_mem>>)
    %dma_wait3A_715 = arith.constant 0 : i32
    %dma_wait3A_716 = tpu.memref_slice %arg2[%dma_wait3A_715] : memref<33554432xf32, #tpu.memory_space<hbm>> -> memref<16384xf32, #tpu.memory_space<hbm>>
    %dma_wait3A_717 = arith.constant 0 : i32
    %dma_wait3A_718 = tpu.memref_slice %arg2[%dma_wait3A_717] : memref<33554432xf32, #tpu.memory_space<hbm>> -> memref<16384xf32, #tpu.memory_space<hbm>>
    tpu.wait_dma2 semaphore(%arg16 : memref<!tpu.dma_semaphore, #tpu.memory_space<semaphore_mem>>) src(%dma_wait3A_718 : memref<16384xf32, #tpu.memory_space<hbm>>) dst(%arg10 : memref<16384xf32, #tpu.memory_space<vmem>>)
    %mul3A_719 = arith.constant 16 : i32
    %mul3A_720 = arith.muli %select_n3A, %mul3A_719 : i32
    %mul3A_721 = arith.constant 4 : i32
    %mul3A_722 = arith.muli %select_n3A_30, %mul3A_721 : i32
    %add3A_723 = arith.addi %mul3A_720, %mul3A_722 : i32
    %add3A_724 = arith.constant 3 : i32
    %add3A_725 = arith.addi %add3A_723, %add3A_724 : i32
    %mul3A_726 = arith.constant 262144 : i32
    %mul3A_727 = arith.muli %add3A_725, %mul3A_726 : i32
    %add3A_728 = arith.constant 229376 : i32
    %add3A_729 = arith.addi %mul3A_727, %add3A_728 : i32
    %add3A_730 = arith.constant 33554432 : i32
    %add3A_731 = arith.addi %add3A_730, %add3A_729 : i32
    %dma_start3A_732 = tpu.memref_slice %arg7[%add3A_731] : memref<67108864xf32, #tpu.memory_space<hbm>> -> memref<16384xf32, #tpu.memory_space<hbm>>
    %dma_start3A_733 = tpu.memref_slice %arg7[%add3A_731] : memref<67108864xf32, #tpu.memory_space<hbm>> -> memref<16384xf32, #tpu.memory_space<hbm>>
    tpu.enqueue_dma source(%arg10 : memref<16384xf32, #tpu.memory_space<vmem>>) target(%dma_start3A_733 : memref<16384xf32, #tpu.memory_space<hbm>>) target_semaphore(%arg21 : memref<!tpu.dma_semaphore, #tpu.memory_space<semaphore_mem>>)
    %dma_wait3A_734 = arith.constant 0 : i32
    %dma_wait3A_735 = tpu.memref_slice %arg2[%dma_wait3A_734] : memref<33554432xf32, #tpu.memory_space<hbm>> -> memref<16384xf32, #tpu.memory_space<hbm>>
    %dma_wait3A_736 = arith.constant 0 : i32
    %dma_wait3A_737 = tpu.memref_slice %arg2[%dma_wait3A_736] : memref<33554432xf32, #tpu.memory_space<hbm>> -> memref<16384xf32, #tpu.memory_space<hbm>>
    tpu.wait_dma2 semaphore(%arg17 : memref<!tpu.dma_semaphore, #tpu.memory_space<semaphore_mem>>) src(%dma_wait3A_737 : memref<16384xf32, #tpu.memory_space<hbm>>) dst(%arg11 : memref<16384xf32, #tpu.memory_space<vmem>>)
    %mul3A_738 = arith.constant 16 : i32
    %mul3A_739 = arith.muli %select_n3A, %mul3A_738 : i32
    %mul3A_740 = arith.constant 4 : i32
    %mul3A_741 = arith.muli %select_n3A_30, %mul3A_740 : i32
    %add3A_742 = arith.addi %mul3A_739, %mul3A_741 : i32
    %add3A_743 = arith.constant 3 : i32
    %add3A_744 = arith.addi %add3A_742, %add3A_743 : i32
    %mul3A_745 = arith.constant 262144 : i32
    %mul3A_746 = arith.muli %add3A_744, %mul3A_745 : i32
    %add3A_747 = arith.constant 245760 : i32
    %add3A_748 = arith.addi %mul3A_746, %add3A_747 : i32
    %add3A_749 = arith.constant 33554432 : i32
    %add3A_750 = arith.addi %add3A_749, %add3A_748 : i32
    %dma_start3A_751 = tpu.memref_slice %arg7[%add3A_750] : memref<67108864xf32, #tpu.memory_space<hbm>> -> memref<16384xf32, #tpu.memory_space<hbm>>
    %dma_start3A_752 = tpu.memref_slice %arg7[%add3A_750] : memref<67108864xf32, #tpu.memory_space<hbm>> -> memref<16384xf32, #tpu.memory_space<hbm>>
    tpu.enqueue_dma source(%arg11 : memref<16384xf32, #tpu.memory_space<vmem>>) target(%dma_start3A_752 : memref<16384xf32, #tpu.memory_space<hbm>>) target_semaphore(%arg22 : memref<!tpu.dma_semaphore, #tpu.memory_space<semaphore_mem>>)
    %dma_wait3A_753 = arith.constant 0 : i32
    %dma_wait3A_754 = tpu.memref_slice %arg7[%dma_wait3A_753] : memref<67108864xf32, #tpu.memory_space<hbm>> -> memref<16384xf32, #tpu.memory_space<hbm>>
    %dma_wait3A_755 = arith.constant 0 : i32
    %dma_wait3A_756 = tpu.memref_slice %arg7[%dma_wait3A_755] : memref<67108864xf32, #tpu.memory_space<hbm>> -> memref<16384xf32, #tpu.memory_space<hbm>>
    tpu.wait_dma2 semaphore(%arg20 : memref<!tpu.dma_semaphore, #tpu.memory_space<semaphore_mem>>) src(%arg9 : memref<16384xf32, #tpu.memory_space<vmem>>) dst(%dma_wait3A_756 : memref<16384xf32, #tpu.memory_space<hbm>>)
    %dma_wait3A_757 = arith.constant 0 : i32
    %dma_wait3A_758 = tpu.memref_slice %arg7[%dma_wait3A_757] : memref<67108864xf32, #tpu.memory_space<hbm>> -> memref<16384xf32, #tpu.memory_space<hbm>>
    %dma_wait3A_759 = arith.constant 0 : i32
    %dma_wait3A_760 = tpu.memref_slice %arg7[%dma_wait3A_759] : memref<67108864xf32, #tpu.memory_space<hbm>> -> memref<16384xf32, #tpu.memory_space<hbm>>
    tpu.wait_dma2 semaphore(%arg21 : memref<!tpu.dma_semaphore, #tpu.memory_space<semaphore_mem>>) src(%arg10 : memref<16384xf32, #tpu.memory_space<vmem>>) dst(%dma_wait3A_760 : memref<16384xf32, #tpu.memory_space<hbm>>)
    %dma_wait3A_761 = arith.constant 0 : i32
    %dma_wait3A_762 = tpu.memref_slice %arg7[%dma_wait3A_761] : memref<67108864xf32, #tpu.memory_space<hbm>> -> memref<16384xf32, #tpu.memory_space<hbm>>
    %dma_wait3A_763 = arith.constant 0 : i32
    %dma_wait3A_764 = tpu.memref_slice %arg7[%dma_wait3A_763] : memref<67108864xf32, #tpu.memory_space<hbm>> -> memref<16384xf32, #tpu.memory_space<hbm>>
    tpu.wait_dma2 semaphore(%arg22 : memref<!tpu.dma_semaphore, #tpu.memory_space<semaphore_mem>>) src(%arg11 : memref<16384xf32, #tpu.memory_space<vmem>>) dst(%dma_wait3A_764 : memref<16384xf32, #tpu.memory_space<hbm>>)
    %dma_wait3A_765 = arith.constant 0 : i32
    %dma_wait3A_766 = tpu.memref_slice %arg7[%dma_wait3A_765] : memref<67108864xf32, #tpu.memory_space<hbm>> -> memref<16384xf32, #tpu.memory_space<hbm>>
    %dma_wait3A_767 = arith.constant 0 : i32
    %dma_wait3A_768 = tpu.memref_slice %arg7[%dma_wait3A_767] : memref<67108864xf32, #tpu.memory_space<hbm>> -> memref<16384xf32, #tpu.memory_space<hbm>>
    tpu.wait_dma2 semaphore(%arg23 : memref<!tpu.dma_semaphore, #tpu.memory_space<semaphore_mem>>) src(%arg12 : memref<16384xf32, #tpu.memory_space<vmem>>) dst(%dma_wait3A_768 : memref<16384xf32, #tpu.memory_space<hbm>>)
    %dma_wait3A_769 = arith.constant 0 : i32
    %dma_wait3A_770 = tpu.memref_slice %arg7[%dma_wait3A_769] : memref<67108864xf32, #tpu.memory_space<hbm>> -> memref<16384xf32, #tpu.memory_space<hbm>>
    %dma_wait3A_771 = arith.constant 0 : i32
    %dma_wait3A_772 = tpu.memref_slice %arg7[%dma_wait3A_771] : memref<67108864xf32, #tpu.memory_space<hbm>> -> memref<16384xf32, #tpu.memory_space<hbm>>
    tpu.wait_dma2 semaphore(%arg24 : memref<!tpu.dma_semaphore, #tpu.memory_space<semaphore_mem>>) src(%arg13 : memref<16384xf32, #tpu.memory_space<vmem>>) dst(%dma_wait3A_772 : memref<16384xf32, #tpu.memory_space<hbm>>)
    %dma_wait3A_773 = arith.constant 0 : i32
    %dma_wait3A_774 = tpu.memref_slice %arg4[%dma_wait3A_773] : memref<524288xf32, #tpu.memory_space<hbm>> -> memref<32768xf32, #tpu.memory_space<hbm>>
    %dma_wait3A_775 = arith.constant 0 : i32
    %dma_wait3A_776 = tpu.memref_slice %arg4[%dma_wait3A_775] : memref<524288xf32, #tpu.memory_space<hbm>> -> memref<32768xf32, #tpu.memory_space<hbm>>
    tpu.wait_dma2 semaphore(%arg25 : memref<!tpu.dma_semaphore, #tpu.memory_space<semaphore_mem>>) src(%dma_wait3A_776 : memref<32768xf32, #tpu.memory_space<hbm>>) dst(%arg14 : memref<32768xf32, #tpu.memory_space<vmem>>)
    %mul3A_777 = arith.constant 16 : i32
    %mul3A_778 = arith.muli %select_n3A, %mul3A_777 : i32
    %mul3A_779 = arith.constant 4 : i32
    %mul3A_780 = arith.muli %select_n3A_30, %mul3A_779 : i32
    %add3A_781 = arith.addi %mul3A_778, %mul3A_780 : i32
    %add3A_782 = arith.constant 0 : i32
    %add3A_783 = arith.addi %add3A_781, %add3A_782 : i32
    %mul3A_784 = arith.constant 262144 : i32
    %mul3A_785 = arith.muli %add3A_783, %mul3A_784 : i32
    %mul3A_786 = arith.constant 128 : i32
    %mul3A_787 = arith.muli %squeeze3A, %mul3A_786 : i32
    %add3A_788 = arith.addi %mul3A_785, %mul3A_787 : i32
    %dma_start3A_789 = arith.constant 0 : i32
    %dma_start3A_790 = tpu.memref_slice %arg14[%dma_start3A_789] : memref<32768xf32, #tpu.memory_space<vmem>> -> memref<4096xf32, #tpu.memory_space<vmem>>
    %dma_start3A_791 = tpu.memref_slice %arg7[%add3A_788] : memref<67108864xf32, #tpu.memory_space<hbm>> -> memref<4096xf32, #tpu.memory_space<hbm>>
    %dma_start3A_792 = tpu.memref_slice %arg7[%add3A_788] : memref<67108864xf32, #tpu.memory_space<hbm>> -> memref<4096xf32, #tpu.memory_space<hbm>>
    %dma_start3A_793 = arith.constant 0 : i32
    %dma_start3A_794 = tpu.memref_slice %arg14[%dma_start3A_793] : memref<32768xf32, #tpu.memory_space<vmem>> -> memref<4096xf32, #tpu.memory_space<vmem>>
    tpu.enqueue_dma source(%dma_start3A_794 : memref<4096xf32, #tpu.memory_space<vmem>>) target(%dma_start3A_792 : memref<4096xf32, #tpu.memory_space<hbm>>) target_semaphore(%arg25 : memref<!tpu.dma_semaphore, #tpu.memory_space<semaphore_mem>>)
    %add3A_795 = arith.constant 33554432 : i32
    %add3A_796 = arith.addi %add3A_795, %add3A_788 : i32
    %dma_start3A_797 = arith.constant 4096 : i32
    %dma_start3A_798 = tpu.memref_slice %arg14[%dma_start3A_797] : memref<32768xf32, #tpu.memory_space<vmem>> -> memref<4096xf32, #tpu.memory_space<vmem>>
    %dma_start3A_799 = tpu.memref_slice %arg7[%add3A_796] : memref<67108864xf32, #tpu.memory_space<hbm>> -> memref<4096xf32, #tpu.memory_space<hbm>>
    %dma_start3A_800 = tpu.memref_slice %arg7[%add3A_796] : memref<67108864xf32, #tpu.memory_space<hbm>> -> memref<4096xf32, #tpu.memory_space<hbm>>
    %dma_start3A_801 = arith.constant 4096 : i32
    %dma_start3A_802 = tpu.memref_slice %arg14[%dma_start3A_801] : memref<32768xf32, #tpu.memory_space<vmem>> -> memref<4096xf32, #tpu.memory_space<vmem>>
    tpu.enqueue_dma source(%dma_start3A_802 : memref<4096xf32, #tpu.memory_space<vmem>>) target(%dma_start3A_800 : memref<4096xf32, #tpu.memory_space<hbm>>) target_semaphore(%arg25 : memref<!tpu.dma_semaphore, #tpu.memory_space<semaphore_mem>>)
    %mul3A_803 = arith.constant 16 : i32
    %mul3A_804 = arith.muli %select_n3A, %mul3A_803 : i32
    %mul3A_805 = arith.constant 4 : i32
    %mul3A_806 = arith.muli %select_n3A_30, %mul3A_805 : i32
    %add3A_807 = arith.addi %mul3A_804, %mul3A_806 : i32
    %add3A_808 = arith.constant 1 : i32
    %add3A_809 = arith.addi %add3A_807, %add3A_808 : i32
    %mul3A_810 = arith.constant 262144 : i32
    %mul3A_811 = arith.muli %add3A_809, %mul3A_810 : i32
    %mul3A_812 = arith.constant 128 : i32
    %mul3A_813 = arith.muli %squeeze3A, %mul3A_812 : i32
    %add3A_814 = arith.addi %mul3A_811, %mul3A_813 : i32
    %dma_start3A_815 = arith.constant 8192 : i32
    %dma_start3A_816 = tpu.memref_slice %arg14[%dma_start3A_815] : memref<32768xf32, #tpu.memory_space<vmem>> -> memref<4096xf32, #tpu.memory_space<vmem>>
    %dma_start3A_817 = tpu.memref_slice %arg7[%add3A_814] : memref<67108864xf32, #tpu.memory_space<hbm>> -> memref<4096xf32, #tpu.memory_space<hbm>>
    %dma_start3A_818 = tpu.memref_slice %arg7[%add3A_814] : memref<67108864xf32, #tpu.memory_space<hbm>> -> memref<4096xf32, #tpu.memory_space<hbm>>
    %dma_start3A_819 = arith.constant 8192 : i32
    %dma_start3A_820 = tpu.memref_slice %arg14[%dma_start3A_819] : memref<32768xf32, #tpu.memory_space<vmem>> -> memref<4096xf32, #tpu.memory_space<vmem>>
    tpu.enqueue_dma source(%dma_start3A_820 : memref<4096xf32, #tpu.memory_space<vmem>>) target(%dma_start3A_818 : memref<4096xf32, #tpu.memory_space<hbm>>) target_semaphore(%arg25 : memref<!tpu.dma_semaphore, #tpu.memory_space<semaphore_mem>>)
    %add3A_821 = arith.constant 33554432 : i32
    %add3A_822 = arith.addi %add3A_821, %add3A_814 : i32
    %dma_start3A_823 = arith.constant 12288 : i32
    %dma_start3A_824 = tpu.memref_slice %arg14[%dma_start3A_823] : memref<32768xf32, #tpu.memory_space<vmem>> -> memref<4096xf32, #tpu.memory_space<vmem>>
    %dma_start3A_825 = tpu.memref_slice %arg7[%add3A_822] : memref<67108864xf32, #tpu.memory_space<hbm>> -> memref<4096xf32, #tpu.memory_space<hbm>>
    %dma_start3A_826 = tpu.memref_slice %arg7[%add3A_822] : memref<67108864xf32, #tpu.memory_space<hbm>> -> memref<4096xf32, #tpu.memory_space<hbm>>
    %dma_start3A_827 = arith.constant 12288 : i32
    %dma_start3A_828 = tpu.memref_slice %arg14[%dma_start3A_827] : memref<32768xf32, #tpu.memory_space<vmem>> -> memref<4096xf32, #tpu.memory_space<vmem>>
    tpu.enqueue_dma source(%dma_start3A_828 : memref<4096xf32, #tpu.memory_space<vmem>>) target(%dma_start3A_826 : memref<4096xf32, #tpu.memory_space<hbm>>) target_semaphore(%arg25 : memref<!tpu.dma_semaphore, #tpu.memory_space<semaphore_mem>>)
    %mul3A_829 = arith.constant 16 : i32
    %mul3A_830 = arith.muli %select_n3A, %mul3A_829 : i32
    %mul3A_831 = arith.constant 4 : i32
    %mul3A_832 = arith.muli %select_n3A_30, %mul3A_831 : i32
    %add3A_833 = arith.addi %mul3A_830, %mul3A_832 : i32
    %add3A_834 = arith.constant 2 : i32
    %add3A_835 = arith.addi %add3A_833, %add3A_834 : i32
    %mul3A_836 = arith.constant 262144 : i32
    %mul3A_837 = arith.muli %add3A_835, %mul3A_836 : i32
    %mul3A_838 = arith.constant 128 : i32
    %mul3A_839 = arith.muli %squeeze3A, %mul3A_838 : i32
    %add3A_840 = arith.addi %mul3A_837, %mul3A_839 : i32
    %dma_start3A_841 = arith.constant 16384 : i32
    %dma_start3A_842 = tpu.memref_slice %arg14[%dma_start3A_841] : memref<32768xf32, #tpu.memory_space<vmem>> -> memref<4096xf32, #tpu.memory_space<vmem>>
    %dma_start3A_843 = tpu.memref_slice %arg7[%add3A_840] : memref<67108864xf32, #tpu.memory_space<hbm>> -> memref<4096xf32, #tpu.memory_space<hbm>>
    %dma_start3A_844 = tpu.memref_slice %arg7[%add3A_840] : memref<67108864xf32, #tpu.memory_space<hbm>> -> memref<4096xf32, #tpu.memory_space<hbm>>
    %dma_start3A_845 = arith.constant 16384 : i32
    %dma_start3A_846 = tpu.memref_slice %arg14[%dma_start3A_845] : memref<32768xf32, #tpu.memory_space<vmem>> -> memref<4096xf32, #tpu.memory_space<vmem>>
    tpu.enqueue_dma source(%dma_start3A_846 : memref<4096xf32, #tpu.memory_space<vmem>>) target(%dma_start3A_844 : memref<4096xf32, #tpu.memory_space<hbm>>) target_semaphore(%arg25 : memref<!tpu.dma_semaphore, #tpu.memory_space<semaphore_mem>>)
    %add3A_847 = arith.constant 33554432 : i32
    %add3A_848 = arith.addi %add3A_847, %add3A_840 : i32
    %dma_start3A_849 = arith.constant 20480 : i32
    %dma_start3A_850 = tpu.memref_slice %arg14[%dma_start3A_849] : memref<32768xf32, #tpu.memory_space<vmem>> -> memref<4096xf32, #tpu.memory_space<vmem>>
    %dma_start3A_851 = tpu.memref_slice %arg7[%add3A_848] : memref<67108864xf32, #tpu.memory_space<hbm>> -> memref<4096xf32, #tpu.memory_space<hbm>>
    %dma_start3A_852 = tpu.memref_slice %arg7[%add3A_848] : memref<67108864xf32, #tpu.memory_space<hbm>> -> memref<4096xf32, #tpu.memory_space<hbm>>
    %dma_start3A_853 = arith.constant 20480 : i32
    %dma_start3A_854 = tpu.memref_slice %arg14[%dma_start3A_853] : memref<32768xf32, #tpu.memory_space<vmem>> -> memref<4096xf32, #tpu.memory_space<vmem>>
    tpu.enqueue_dma source(%dma_start3A_854 : memref<4096xf32, #tpu.memory_space<vmem>>) target(%dma_start3A_852 : memref<4096xf32, #tpu.memory_space<hbm>>) target_semaphore(%arg25 : memref<!tpu.dma_semaphore, #tpu.memory_space<semaphore_mem>>)
    %mul3A_855 = arith.constant 16 : i32
    %mul3A_856 = arith.muli %select_n3A, %mul3A_855 : i32
    %mul3A_857 = arith.constant 4 : i32
    %mul3A_858 = arith.muli %select_n3A_30, %mul3A_857 : i32
    %add3A_859 = arith.addi %mul3A_856, %mul3A_858 : i32
    %add3A_860 = arith.constant 3 : i32
    %add3A_861 = arith.addi %add3A_859, %add3A_860 : i32
    %mul3A_862 = arith.constant 262144 : i32
    %mul3A_863 = arith.muli %add3A_861, %mul3A_862 : i32
    %mul3A_864 = arith.constant 128 : i32
    %mul3A_865 = arith.muli %squeeze3A, %mul3A_864 : i32
    %add3A_866 = arith.addi %mul3A_863, %mul3A_865 : i32
    %dma_start3A_867 = arith.constant 24576 : i32
    %dma_start3A_868 = tpu.memref_slice %arg14[%dma_start3A_867] : memref<32768xf32, #tpu.memory_space<vmem>> -> memref<4096xf32, #tpu.memory_space<vmem>>
    %dma_start3A_869 = tpu.memref_slice %arg7[%add3A_866] : memref<67108864xf32, #tpu.memory_space<hbm>> -> memref<4096xf32, #tpu.memory_space<hbm>>
    %dma_start3A_870 = tpu.memref_slice %arg7[%add3A_866] : memref<67108864xf32, #tpu.memory_space<hbm>> -> memref<4096xf32, #tpu.memory_space<hbm>>
    %dma_start3A_871 = arith.constant 24576 : i32
    %dma_start3A_872 = tpu.memref_slice %arg14[%dma_start3A_871] : memref<32768xf32, #tpu.memory_space<vmem>> -> memref<4096xf32, #tpu.memory_space<vmem>>
    tpu.enqueue_dma source(%dma_start3A_872 : memref<4096xf32, #tpu.memory_space<vmem>>) target(%dma_start3A_870 : memref<4096xf32, #tpu.memory_space<hbm>>) target_semaphore(%arg25 : memref<!tpu.dma_semaphore, #tpu.memory_space<semaphore_mem>>)
    %add3A_873 = arith.constant 33554432 : i32
    %add3A_874 = arith.addi %add3A_873, %add3A_866 : i32
    %dma_start3A_875 = arith.constant 28672 : i32
    %dma_start3A_876 = tpu.memref_slice %arg14[%dma_start3A_875] : memref<32768xf32, #tpu.memory_space<vmem>> -> memref<4096xf32, #tpu.memory_space<vmem>>
    %dma_start3A_877 = tpu.memref_slice %arg7[%add3A_874] : memref<67108864xf32, #tpu.memory_space<hbm>> -> memref<4096xf32, #tpu.memory_space<hbm>>
    %dma_start3A_878 = tpu.memref_slice %arg7[%add3A_874] : memref<67108864xf32, #tpu.memory_space<hbm>> -> memref<4096xf32, #tpu.memory_space<hbm>>
    %dma_start3A_879 = arith.constant 28672 : i32
    %dma_start3A_880 = tpu.memref_slice %arg14[%dma_start3A_879] : memref<32768xf32, #tpu.memory_space<vmem>> -> memref<4096xf32, #tpu.memory_space<vmem>>
    tpu.enqueue_dma source(%dma_start3A_880 : memref<4096xf32, #tpu.memory_space<vmem>>) target(%dma_start3A_878 : memref<4096xf32, #tpu.memory_space<hbm>>) target_semaphore(%arg25 : memref<!tpu.dma_semaphore, #tpu.memory_space<semaphore_mem>>)
    %dma_wait3A_881 = arith.constant 0 : i32
    %dma_wait3A_882 = tpu.memref_slice %arg4[%dma_wait3A_881] : memref<524288xf32, #tpu.memory_space<hbm>> -> memref<32768xf32, #tpu.memory_space<hbm>>
    %dma_wait3A_883 = arith.constant 0 : i32
    %dma_wait3A_884 = tpu.memref_slice %arg4[%dma_wait3A_883] : memref<524288xf32, #tpu.memory_space<hbm>> -> memref<32768xf32, #tpu.memory_space<hbm>>
    tpu.wait_dma2 semaphore(%arg25 : memref<!tpu.dma_semaphore, #tpu.memory_space<semaphore_mem>>) src(%arg14 : memref<32768xf32, #tpu.memory_space<vmem>>) dst(%dma_wait3A_884 : memref<32768xf32, #tpu.memory_space<hbm>>)
    return
  }
}

</mosaic_0001>

<sc_bundles>
// kernel: kernel.3.cloned.1.call-start
scs
__scs_entry_jumppad:
0x0: {  	(pc) =	sbr.rel $0x88, $3  }
0x1: {  	(tag) =	ssettag $0x0;
	lr =	simm.s32 $0x1  }
0x2: {  	[smem:$0x3F9B] =	sst lr;
	_ =	strace $0xD0000000  }
0x3: {  	_ = 	snop  }
0x4: {  	_ = 	snop  }
0x5: {  	_ = 	snop  }
0x6: {  	_ = 	snop  }
0x7: {  	_ = 	snop  }
__scs_overlays_trampoline_lowered:
0x8: {  	[smem:$0x3FAA] =	sst s0  }
0x9: {  	[smem:$0x3FAB] =	sst s1  }
0xa: {  	[smem:$0x3FAC] =	sst s2  }
0xb: {  	[smem:$0x3FAD] =	sst s3  }
0xc: {  	[smem:$0x3FAE] =	sst s4  }
0xd: {  	[smem:$0x3FAF] =	sst s5  }
0xe: {  	[smem:$0x3FB0] =	sst s6  }
0xf: {  	[smem:$0x3FB1] =	sst s7  }
0x10: {  	[smem:$0x3FB2] =	sst s8  }
0x11: {  	[smem:$0x3FB3] =	sst s9;
	s0 =	simm.s32 @!p0 $0x0  }
0x12: {  	s1 =	sld [smem:$0x3F99];
	s0 =	simm.s32 @p0 $0x1  }
0x13: {  	[smem:$0x3FB4] =	sst s0;
	s0 =	simm.s32 @!p1 $0x0  }
0x14: {  	s2 =	sld [smem:$0x3F98];
	s0 =	simm.s32 @p1 $0x1  }
0x15: {  	[smem:$0x3FB5] =	sst s0;
	s0 =	simm.s32 @!p2 $0x0  }
0x16: {  	s3 =	sld [smem:$0x3FDB];
	s0 =	simm.s32 @p2 $0x1  }
0x17: {  	s4 =	simm.s32 $0x1BF5;
	[smem:$0x3FB7] =	sst s0  }
0x18: {  	s0 =	sld [smem:$0x3F9A];
	_ =	swait.ge [sflag:s4], $0x0  }
0x19: {  	s7 =	sld [smem:$0x3F9B]  }
0x1a: {  	s8 =	sadd.s32 $0xFFFFE003, lr  }
0x1b: {  	s9 =	sadd.s32 $0xFFFFFEF7, lr;
	s5 =	simm.s32 $0xFFFFFFFF;
	p2 =	slt.u32 s8, $0xFFFFF086  }
0x1c: {  	p1 =	slt.u32 s9, $0xF7A;
	s5 =	simm.s32 @!p2 $0x0  }
0x1d: {  	s5 =	simm.s32 @p1 $0x1;
	p0 =	seq.s32 s7, s2  }
0x1e: {  	s7 =	smul.u32 @!p0 $0xF7A, s2;
	p2 =	seq.s32 @!p0 s5, $0x0  }
0x1f: {  	s9 =	smul.u32 $0xF7A, s1;
	s8 =	simm.s32 @!p0 $0x1BF5;
	p2 =	por !p2, p0  }
0x20: {  	[sflag:s8] =	ssyncset.s32 @!p0 $0xFFFFF086;
	s6 =	sadd.s32 @!p0 s3, s7;
	s7 =	simm.s32 @!p0 $0x108  }
0x21: {  	s3 =	sadd.s32 s3, s9;
	s6 =	sadd.s32 @!p0 $0x88, s6;
	s7 =	simm.s32 @p2 $0x1082  }
0x22: {  	[simem:s7], [sflag:s8] =	dma.local @!p0 [hbm:s6], $0xF7A  }
0x23: {  	s9 =	sor.u32 $0xD0000000, s2;
	s6 =	simm.s32 $0x108;
	_ =	swait.ge @!p0 [sflag:s8], $0x0  }
0x24: {  	s3 =	sadd.s32 $0x88, s3;
	s6 =	simm.s32 @!p1 $0x1082;
	[sflag:s4] =	ssyncset.s32 $0xFFFFF086  }
0x25: {  	[simem:s6], [sflag:s4] =	dma.local [hbm:s3], $0xF7A  }
0x26: {  	[smem:$0x3F9B] =	sst s1;
	(tag) =	ssettag s2;
	_ =	strace s9  }
0x27: {  	s1 =	sld [smem:$0x3FAB]  }
0x28: {  	s2 =	sld [smem:$0x3FAC]  }
0x29: {  	s4 =	sld [smem:$0x3FAE]  }
0x2a: {  	p0 =	seq.s32 s5, $0x0;
	s5 =	sld [smem:$0x3FAF]  }
0x2b: {  	s6 =	sld [smem:$0x3FB0]  }
0x2c: {  	s7 =	sld [smem:$0x3FB1]  }
0x2d: {  	s3 =	simm.s32 $0x108;
	s8 =	sld [smem:$0x3FB2]  }
0x2e: {  	s3 =	simm.s32 @!p0 $0x1082;
	s9 =	sld [smem:$0x3FB3]  }
0x2f: {  	lr =	sadd.s32 s0, s3;
	s0 =	sld [smem:$0x3FAA]  }
0x30: {  	s3 =	sld [smem:$0x3FAD]  }
0x31: {  	[smem:$0x3FB6] =	sst s10  }
0x32: {  	s10 =	sld [smem:$0x3FB4];
	_ =	sdelay $0x3  }
0x33: {  	p0 =	seq.s32 s10, $0x1;
	s10 =	sld [smem:$0x3FB6];
	_ =	sdelay $0x3  }
0x34: {  	[smem:$0x3FB6] =	sst s10  }
0x35: {  	s10 =	sld [smem:$0x3FB5];
	_ =	sdelay $0x3  }
0x36: {  	p1 =	seq.s32 s10, $0x1;
	s10 =	sld [smem:$0x3FB6];
	_ =	sdelay $0x3  }
0x37: {  	[smem:$0x3FB6] =	sst s10  }
0x38: {  	s10 =	sld [smem:$0x3FB7]  }
0x39: {  	_ = 	snop;
	(pc) =	sbr.ind lr, $3  }
0x3a: {  	_ = 	snop  }
0x3b: {  	_ = 	snop  }
0x3c: {  	p2 =	seq.s32 s10, $0x1;
	s10 =	sld [smem:$0x3FB6]  }
0x3d: {  	_ =	shalt  }
0x3e: {  	_ =	shalt  }
0x3f: {  	_ =	shalt  }
0x40: {  	_ =	shalt  }
0x41: {  	_ =	shalt  }
0x42: {  	_ =	shalt  }
0x43: {  	_ =	shalt  }
0x44: {  	_ =	shalt  }
0x45: {  	_ =	shalt  }
0x46: {  	_ =	shalt  }
0x47: {  	_ =	shalt  }
0x48: {  	_ =	shalt  }
0x49: {  	_ =	shalt  }
0x4a: {  	_ =	shalt  }
0x4b: {  	_ =	shalt  }
0x4c: {  	_ =	shalt  }
0x4d: {  	_ =	shalt  }
0x4e: {  	_ =	shalt  }
0x4f: {  	_ =	shalt  }
0x50: {  	_ =	shalt  }
0x51: {  	_ =	shalt  }
0x52: {  	_ =	shalt  }
0x53: {  	_ =	shalt  }
0x54: {  	_ =	shalt  }
0x55: {  	_ =	shalt  }
0x56: {  	_ =	shalt  }
0x57: {  	_ =	shalt  }
0x58: {  	_ =	shalt  }
0x59: {  	_ =	shalt  }
0x5a: {  	_ =	shalt  }
0x5b: {  	_ =	shalt  }
0x5c: {  	_ =	shalt  }
0x5d: {  	_ =	shalt  }
0x5e: {  	_ =	shalt  }
0x5f: {  	_ =	shalt  }
0x60: {  	_ =	shalt  }
0x61: {  	_ =	shalt  }
0x62: {  	_ =	shalt  }
0x63: {  	_ =	shalt  }
0x64: {  	_ =	shalt  }
0x65: {  	_ =	shalt  }
0x66: {  	_ =	shalt  }
0x67: {  	_ =	shalt  }
0x68: {  	_ =	shalt  }
0x69: {  	_ =	shalt  }
0x6a: {  	_ =	shalt  }
0x6b: {  	_ =	shalt  }
0x6c: {  	_ =	shalt  }
0x6d: {  	_ =	shalt  }
0x6e: {  	_ =	shalt  }
0x6f: {  	_ =	shalt  }
0x70: {  	_ =	shalt  }
0x71: {  	_ =	shalt  }
0x72: {  	_ =	shalt  }
0x73: {  	_ =	shalt  }
0x74: {  	_ =	shalt  }
0x75: {  	_ =	shalt  }
0x76: {  	_ =	shalt  }
0x77: {  	_ =	shalt  }
0x78: {  	_ =	shalt  }
0x79: {  	_ =	shalt  }
0x7a: {  	_ =	shalt  }
0x7b: {  	_ =	shalt  }
0x7c: {  	_ =	shalt  }
0x7d: {  	_ =	shalt  }
0x7e: {  	_ =	shalt  }
0x7f: {  	_ =	shalt  }
0x80: {  	_ =	shalt  }
0x81: {  	_ =	shalt  }
0x82: {  	_ =	shalt  }
0x83: {  	_ =	shalt  }
0x84: {  	_ =	shalt  }
0x85: {  	_ =	shalt  }
0x86: {  	_ =	shalt  }
0x87: {  	_ =	shalt  }
.Lfunc_end0:
.L_simem_size_0:
called_computation_lowered:
.L_overlay_start_0:
0x88: {  	s2 =	sld [smem:$0x3FD9]  }
0x89: {  	s3 =	sld [smem:$0x3FFE];
	_ =	sdelay $0x1  }
0x8a: {  	s1 =	srdreg.scid  }
0x8b: {  	s0 =	sand.u32 $0x1, s1  }
0x8c: {  	s17 =	sshll.u32 s0, $0xA;
	s2 =	sadd.s32 s3, s2  }
0x8d: {  	s2 =	sadd.s32 s2, s17  }
0x8e: {  	[smem:$0x3FC2] =	sst s2  }
0x8f: {  	_ = 	snop  }
0x90: {  	s2 =	sld [smem:$0x3FC9]  }
0x91: {  	s18 =	sld [smem:$0x3FC8]  }
0x92: {  	s4 =	sld [smem:$0x3FC5]  }
0x93: {  	s5 =	sld [smem:$0x3FC4]  }
0x94: {  	s6 =	sld [smem:$0x3FD0];
	(tm) =	ssettm $0x1  }
0x95: {  	s7 =	sld [smem:$0x3FFB];
	_ =	sdelay $0x3  }
0x96: {  	_ =	strace s7  }
0x97: {  	s7 =	sld [smem:$0x3FFC];
	_ =	sdelay $0x3  }
0x98: {  	_ =	strace s7  }
0x99: {  	s7 =	sld [smem:$0x3FFD];
	_ =	sdelay $0x3  }
0x9a: {  	_ =	strace s7  }
0x9b: {  	_ =	strace $0x8FFFFFFF  }
0x9c: {  	s19 =	sld [smem:$0x3FDB];
	_ =	sdelay $0x1  }
0x9d: {  	s8 =	simm.s32 $_scs_section_size  }
0x9e: {  	s9 =	simm.s32 $_size__tile_overlayer_lowered;
	s10 =	simm.s32 $_tile_overlayer_lowered  }
0x9f: {  	s22 =	simm.s32 $0x1BFF;
	s21 =	sshll.u32 s10, $0x1;
	s7 =	sadd.s32 s8, s19  }
0xa0: {  	s11 =	simm.s32 $0x0;
	s20 =	sshll.u32 s9, $0x1;
	s9 =	sadd.s32 s21, s7  }
0xa1: {  	[timem:s11], [sflag:s22] =	dma.local [hbm:s9], s20  }
0xa2: {  	_ =	swait.ge [sflag:s22], s20  }
0xa3: {  	s8 =	ssub.s32 $0x0, s20;
	[sflag:s22] =	ssyncset.done $0x0  }
0xa4: {  	[sflag:s22] =	ssyncadd.s32 s8;
	_ =	sdelay $0x1  }
0xa5: {  	s23 =	simm.s32 $0x1B8B  }
0xa6: {  	_ =	swait.ge [sflag:s23], $0x1  }
0xa7: {  	[sflag:s23] =	ssyncset.done $0x0  }
0xa8: {  	s25 =	simm.s32 $0x1B8E;
	s24 =	sld [smem:$0x3FFE];
	[sflag:s23] =	ssyncadd.s32 $0xFFFFFFFF  }
0xa9: {  	s26 =	simm.s32 $execute0_lowered;
	[smem:$0x3FD2] =	sst s25  }
0xaa: {  	s9 =	sshll.u32 s26, $0x1;
	_ =	strace $0x80000046;
	[dreg:$0x1] =	wrdreg $0xFFFFFFFF  }
0xab: {  	s28 =	simm.s32 $_size_execute0_lowered;
	s7 =	sadd.s32 s7, s9;
	[dreg:$0x0] =	wrdreg $0x0  }
0xac: {  	s9 =	sshll.u32 s28, $0x1;
	[dreg:$0x2] =	wrdreg s7  }
0xad: {  	[dreg:$0x3] =	wrdreg s9  }
0xae: {  	[dreg:$0x4] =	wrdreg $0xC0  }
0xaf: {  	_ =	task [dreg:s11], $0x5FFFF  }
0xb0: {  	[dreg:$0x1] =	wrdreg $0xFFFFFFFF  }
0xb1: {  	[dreg:$0x0] =	wrdreg $0x60  }
0xb2: {  	[dreg:$0x2] =	wrdreg s4  }
0xb3: {  	[dreg:$0x3] =	wrdreg s5  }
0xb4: {  	[dreg:$0x4] =	wrdreg s2  }
0xb5: {  	[dreg:$0x5] =	wrdreg s18  }
0xb6: {  	[dreg:$0x6] =	wrdreg s24  }
0xb7: {  	[dreg:$0x7] =	wrdreg s6  }
0xb8: {  	[dreg:$0x8] =	wrdreg $0x9  }
0xb9: {  	_ =	task.clear_ibuf [dreg:s11], $0x9FFFF;
	_ =	strace $0x90000046  }
0xba: {  	s29 =	simm.s32 $0x9;
	_ =	strace $0x80000048  }
0xbb: {  	_ =	swait.ge [sflag:s29], $0x1  }
0xbc: {  	[sflag:s29] =	ssyncadd.s32 $0xFFFFFFFF  }
0xbd: {  	_ =	strace $0x90000048  }
0xbe: {  	_ =	sfence  }
0xbf: {  	s30 =	sld [smem:$0x0];
	_ =	sdelay $0x2  }
0xc0: {  	s31 =	sshll.u32 s1, $0xD;
	s1 =	sshrl.u32 s1, $0x2  }
0xc1: {  	s3 =	sand.u32 $0x4000, s31;
	s1 =	sadd.s32 s1, s30  }
0xc2: {  	s0 =	sor.u32 s3, s0;
	s1 =	sshll.u32 s1, $0x11  }
0xc3: {  	s0 =	sor.u32 s1, s0  }
0xc4: {  	s0 =	sadd.s32 $0x8F2B, s0  }
0xc5: {  	[sflag:s0] =	ssyncadd.remote.s32 $0x1  }
0xc6: {  	_ =	sfence.sel $0xFFFF  }
0xc7: {  	[dreg:$0x0] =	wrdreg $0xFFFFFFFF;
	(pc) =	sbr.abs _section_cstart, $3  }
0xc8: {  	[dreg:$0x1] =	wrdreg $0xFFFFFFFF  }
0xc9: {  	_ =	task.clear_ibuf [dreg:s11], $0x2FFFF;
	_ =	strace $0x9FFFFFFF  }
0xca: {  	(tm) =	ssettm $0x7FFFFFFF  }
0xcb: {  	_ =	shalt  }
tec
execute0_lowered:
.L_overlay_start_1:
0x0: {  	(tag) =	ssettag $0x1  }
0x1: {  	s22 =	rddreg [dreg:$0x0]  }
0x2: {  	s0 =	rddreg [dreg:$0x1]  }
0x3: {  	s1 =	rddreg [dreg:$0x2]  }
0x4: {  	s3 =	rddreg [dreg:$0x3]  }
0x5: {  	s7 =	rddreg [dreg:$0x4];
	s2 =	stileid.u32  }
0x6: {  	s4 =	rddreg [dreg:$0x5];
	s6 =	srdreg.scid;
	s8 =	sshll.u32 s2, $0x1  }
0x7: {  	s5 =	simm.s32 $0x0;
	s6 =	sand.u32 $0x1, s6;
	s8 =	sand.u32 $0x2, s8  }
0x8: {  	[smem:$0x7FF] =	sst s5;
	s9 =	sshrl.u32 s2, $0x1;
	s8 =	sor.u32 s6, s8  }
0x9: {  	s12 =	sadd.s32 $0x400, s7;
	s2 =	sshll.u32 s9, $0x4;
	s8 =	sshll.u32 s8, $0x2  }
0xa: {  	s10 =	ssub.s32 $0x2, s6;
	_ =	strace $0x80000047;
	s6 =	sor.u32 s2, s8  }
0xb: {  	[dreg:$0x7] =	wrdreg s12;
	s11 =	sshrl.u32 s10, $0x1;
	s8 =	sshll.u32 s6, $0xF  }
0xc: {  	s7 =	ssub.s32 s10, s11;
	s14 =	sshll.u32 s6, $0x9;
	s13 =	sadd.s32 s22, s8  }
0xd: {  	s12 =	sor.u32 $0x1, s6;
	s15 =	sadd.s32 s1, s14;
	[dreg:$0x8] =	wrdreg s13  }
0xe: {  	s10 =	sor.u32 $0x800, s8;
	s16 =	sadd.s32 s3, s14;
	[dreg:$0x9] =	wrdreg s15  }
0xf: {  	s17 =	sshll.u32 s12, $0x9;
	s2 =	sadd.s32 s4, s8;
	[dreg:$0xa] =	wrdreg s16  }
0x10: {  	s30 =	sor.u32 $0x1000, s8;
	s18 =	sadd.s32 s1, s17;
	[dreg:$0x12] =	wrdreg s2  }
0x11: {  	s15 =	sor.u32 $0x3, s6;
	s19 =	sadd.s32 s3, s17;
	[dreg:$0xb] =	wrdreg s18  }
0x12: {  	s13 =	sor.u32 $0x2, s6;
	[dreg:$0xc] =	wrdreg s19;
	s26 =	sshll.u32 s15, $0x12  }
0x13: {  	s14 =	sshll.u32 s13, $0x9;
	s19 =	sadd.s32 s22, s10;
	[dreg:$0x11] =	wrdreg s26  }
0x14: {  	s16 =	sor.u32 $0x2800, s8;
	s20 =	sadd.s32 s1, s14;
	[dreg:$0x14] =	wrdreg s19  }
0x15: {  	s21 =	sshll.u32 s15, $0x9;
	s23 =	sadd.s32 s3, s14;
	[dreg:$0xd] =	wrdreg s20  }
0x16: {  	s24 =	sshll.u32 s15, $0xF;
	s1 =	sadd.s32 s1, s21;
	[dreg:$0xe] =	wrdreg s23  }
0x17: {  	s15 =	sor.u32 $0x2000, s8;
	s25 =	sadd.s32 s3, s21;
	[dreg:$0xf] =	wrdreg s1  }
0x18: {  	s17 =	sor.u32 $0x3000, s8;
	s11 =	sadd.s32 s22, s15;
	[dreg:$0x10] =	wrdreg s25  }
0x19: {  	s18 =	sor.u32 $0x3800, s8;
	s19 =	sadd.s32 s0, s15;
	[dreg:$0x1f] =	wrdreg s11  }
0x1a: {  	s14 =	sor.u32 $0x1800, s8;
	s8 =	sadd.s32 s0, s8;
	[smem:$0x7E5] =	sst s19  }
0x1b: {  	s20 =	sadd.s32 s4, s10;
	[dreg:$0x13] =	wrdreg s8  }
0x1c: {  	s10 =	sadd.s32 s0, s10;
	[dreg:$0x15] =	wrdreg s20  }
0x1d: {  	s3 =	sadd.s32 s24, s4;
	s23 =	sadd.s32 s22, s30;
	[dreg:$0x16] =	wrdreg s10  }
0x1e: {  	s1 =	sor.u32 $0x7800, s24;
	s24 =	sadd.s32 s4, s30;
	[dreg:$0x19] =	wrdreg s23  }
0x1f: {  	s25 =	sadd.s32 s0, s30;
	[dreg:$0x1a] =	wrdreg s24  }
0x20: {  	s26 =	sadd.s32 s22, s14;
	[dreg:$0x1b] =	wrdreg s25  }
0x21: {  	s30 =	sadd.s32 s4, s14;
	[dreg:$0x1c] =	wrdreg s26  }
0x22: {  	s11 =	sadd.s32 $0x407000, s3;
	[dreg:$0x1d] =	wrdreg s30  }
0x23: {  	s19 =	sshll.u32 s6, $0x12;
	[smem:$0x7F0] =	sst s11  }
0x24: {  	s21 =	sadd.s32 s22, s1;
	[smem:$0x7F6] =	sst s19  }
0x25: {  	s1 =	sadd.s32 s4, s1;
	[dreg:$0x17] =	wrdreg s21  }
0x26: {  	s10 =	sadd.s32 s0, s14;
	[dreg:$0x18] =	wrdreg s1  }
0x27: {  	s14 =	sadd.s32 s4, s15;
	[dreg:$0x1e] =	wrdreg s10  }
0x28: {  	s20 =	sadd.s32 s22, s16;
	[smem:$0x7E4] =	sst s14  }
0x29: {  	s23 =	sadd.s32 s22, s17;
	[smem:$0x7E6] =	sst s20  }
0x2a: {  	s24 =	sadd.s32 s0, s17;
	[smem:$0x7E8] =	sst s23  }
0x2b: {  	s25 =	sadd.s32 s22, s18;
	[smem:$0x7E9] =	sst s24  }
0x2c: {  	s26 =	sadd.s32 $0x6000, s3;
	[smem:$0x7EA] =	sst s25  }
0x2d: {  	s30 =	sadd.s32 $0x6800, s3;
	[smem:$0x7EC] =	sst s26  }
0x2e: {  	s15 =	sshll.u32 s12, $0x12;
	[smem:$0x7ED] =	sst s30  }
0x2f: {  	s17 =	smax.u32 s7, $0x1;
	[smem:$0x7F2] =	sst s15  }
0x30: {  	s21 =	sadd.s32 s0, s16;
	[smem:$0x7F4] =	sst s17  }
0x31: {  	s31 =	simm.s32 $0x400;
	s0 =	sadd.s32 s0, s18;
	[smem:$0x7E7] =	sst s21  }
0x32: {  	s29 =	simm.s32 $0x8400;
	s1 =	sadd.s32 $0x7000, s3;
	[smem:$0x7EB] =	sst s0  }
0x33: {  	s28 =	simm.s32 $0xA;
	s10 =	sadd.s32 $0x406800, s3;
	[smem:$0x7EE] =	sst s1  }
0x34: {  	s9 =	sshll.u32 s9, $0x9;
	s14 =	sadd.s32 $0x407800, s3;
	[smem:$0x7EF] =	sst s10  }
0x35: {  	s7 =	simm.s32 $0x15400;
	s16 =	sshll.u32 s13, $0x12;
	[smem:$0x7F1] =	sst s14  }
0x36: {  	s19 =	simm.s32 $0x1;
	s18 =	sshrl.u32 s9, $0x2;
	[smem:$0x7F3] =	sst s16  }
0x37: {  	s11 =	simm.s32 $0x2;
	s20 =	sadd.s32 $0x400000, s2;
	[smem:$0x7F5] =	sst s18  }
0x38: {  	s12 =	simm.s32 $0x4;
	s23 =	sadd.s32 $0x401000, s2;
	[smem:$0x7F7] =	sst s20  }
0x39: {  	s24 =	sadd.s32 $0x401800, s2;
	s25 =	sadd.s32 $0x402000, s2;
	[smem:$0x7F9] =	sst s23  }
0x3a: {  	s26 =	sadd.s32 $0x402800, s2;
	s30 =	sadd.s32 $0x4000, s8;
	[smem:$0x7FA] =	sst s24  }
0x3b: {  	s8 =	simm.s32 $0x16400;
	s9 =	simm.s32 $0x17400;
	[smem:$0x7FB] =	sst s25  }
0x3c: {  	s3 =	simm.s32 $0x18400;
	s15 =	simm.s32 $0x1A400;
	[smem:$0x7FC] =	sst s26  }
0x3d: {  	s13 =	simm.s32 $0x5;
	s21 =	sadd.s32 $0x400800, s2;
	[smem:$0x7FD] =	sst s30  }
0x3e: {  	s2 =	simm.s32 $0x14400;
	s10 =	simm.s32 $0x19400;
	s16 =	simm.s32 $0x1B400  }
0x3f: {  	s24 =	simm.s32 $0x3;
	s25 =	simm.s32 $0x7;
	s26 =	simm.s32 $0x8  }
0x40: {  	s14 =	simm.s32 $0x9;
	s1 =	simm.s32 $0x0;
	[smem:$0x7F8] =	sst s21  }
.LBB2_1:
0x41: {  	[smem:$0x7E3] =	sst s1  }
0x42: {  	s0 =	rddreg [dreg:$0x8]  }
0x43: {  	[tilespmem:s31], [sflag:$0x1] =	stream.linear.gather [hbm4b:s0+s5], $0x4000, $0x38;
	[tilespmem:$0x1C400] =	vst v63  }
0x44: {  	s18 =	rddreg [dreg:$0x14];
	s21 =	simm.s32 $0x4400  }
0x45: {  	[tilespmem:s21], [sflag:$0x2] =	stream.linear.gather [hbm4b:s18+s5], $0x4000, $0x38;
	[tilespmem:$0x1C400] =	vst v63  }
0x46: {  	s20 =	rddreg [dreg:$0x19]  }
0x47: {  	[tilespmem:s29], [sflag:$0x3] =	stream.linear.gather [hbm4b:s20+s5], $0x4000, $0x38;
	[tilespmem:$0x1C400] =	vst v63  }
0x48: {  	s23 =	rddreg [dreg:$0x7];
	s0 =	simm.s32 $0xC  }
0x49: {  	[tilespmem:s5], [sflag:$0xC] =	stream.linear.gather [hbm4b:s23+s5], $0x400, $0x38;
	[tilespmem:$0x1C400] =	vst v63  }
0x4a: {  	_ =	swait.ge [sflag:s0], $0x400  }
0x4b: {  	s17 =	sld [smem:$0x7F5]  }
0x4c: {  	[sflag:s0] =	ssyncset.done $0x0  }
0x4d: {  	s18 =	rddreg [dreg:$0x9];
	[sflag:s0] =	ssyncadd.s32 $0xFFFFFC00  }
0x4e: {  	v0 =	vld [tilespmem:s17+$0x0];
	[tilespmem:s2], [sflag:$0xB] =	stream.linear.gather [hbm4b:s18+s5], $0x1000, $0x38  }
0x4f: {  	s20 =	rddreg [dreg:$0xa]  }
0x50: {  	[tilespmem:s7], [sflag:$0xB] =	stream.linear.gather [hbm4b:s20+s5], $0x1000, $0x38;
	[tilespmem:$0x1C400] =	vst v63  }
0x51: {  	s23 =	rddreg [dreg:$0xb]  }
0x52: {  	[tilespmem:s8], [sflag:$0xB] =	stream.linear.gather [hbm4b:s23+s5], $0x1000, $0x38;
	[tilespmem:$0x1C400] =	vst v63  }
0x53: {  	s1 =	rddreg [dreg:$0xc]  }
0x54: {  	[tilespmem:s9], [sflag:$0xB] =	stream.linear.gather [hbm4b:s1+s5], $0x1000, $0x38;
	[tilespmem:$0x1C400] =	vst v63  }
0x55: {  	s2 =	rddreg [dreg:$0xd]  }
0x56: {  	[tilespmem:s3], [sflag:$0xB] =	stream.linear.gather [hbm4b:s2+s5], $0x1000, $0x38;
	[tilespmem:$0x1C400] =	vst v63  }
0x57: {  	s7 =	rddreg [dreg:$0xe]  }
0x58: {  	[tilespmem:s10], [sflag:$0xB] =	stream.linear.gather [hbm4b:s7+s5], $0x1000, $0x38;
	[tilespmem:$0x1C400] =	vst v63  }
0x59: {  	s8 =	rddreg [dreg:$0xf]  }
0x5a: {  	[tilespmem:s15], [sflag:$0xB] =	stream.linear.gather [hbm4b:s8+s5], $0x1000, $0x38;
	[tilespmem:$0x1C400] =	vst v63  }
0x5b: {  	s9 =	rddreg [dreg:$0x10]  }
0x5c: {  	[tilespmem:s16], [sflag:$0xB] =	stream.linear.gather [hbm4b:s9+s5], $0x1000, $0x38;
	[tilespmem:$0x1C400] =	vst v63  }
0x5d: {  	_ =	swait.ge [sflag:s19], $0x4000  }
0x5e: {  	[sflag:s19] =	ssyncset.done $0x0  }
0x5f: {  	s10 =	rddreg [dreg:$0x12];
	[sflag:s19] =	ssyncadd.s32 $0xFFFFC000  }
0x60: {  	[hbm4b:s10+s5] =	stream.linear.scatter [tilespmem:s31], [sflag:$0x6], $0x4000, $0x38;
	[tilespmem:$0x1C400] =	vst v63  }
0x61: {  	s2 =	simm.s32 $0xC400;
	s15 =	rddreg [dreg:$0x1c]  }
0x62: {  	[tilespmem:s2], [sflag:$0x4] =	stream.linear.gather [hbm4b:s15+s5], $0x4000, $0x38;
	[tilespmem:$0x1C400] =	vst v63  }
0x63: {  	_ =	swait.ge [sflag:s11], $0x4000  }
0x64: {  	[sflag:s11] =	ssyncset.done $0x0  }
0x65: {  	s16 =	rddreg [dreg:$0x15];
	[sflag:s11] =	ssyncadd.s32 $0xFFFFC000  }
0x66: {  	[hbm4b:s16+s5] =	stream.linear.scatter [tilespmem:s21], [sflag:$0x7], $0x4000, $0x38;
	[tilespmem:$0x1C400] =	vst v63  }
0x67: {  	s10 =	simm.s32 $0x10400;
	s17 =	rddreg [dreg:$0x1f]  }
0x68: {  	[tilespmem:s10], [sflag:$0x5] =	stream.linear.gather [hbm4b:s17+s5], $0x4000, $0x38;
	[tilespmem:$0x1C400] =	vst v63  }
0x69: {  	_ =	swait.ge [sflag:s24], $0x4000  }
0x6a: {  	[sflag:s24] =	ssyncset.done $0x0  }
0x6b: {  	s20 =	simm.s32 $0x6;
	s18 =	rddreg [dreg:$0x1a];
	[sflag:s24] =	ssyncadd.s32 $0xFFFFC000  }
0x6c: {  	[hbm4b:s18+s5] =	stream.linear.scatter [tilespmem:s29], [sflag:$0x8], $0x4000, $0x38;
	[tilespmem:$0x1C400] =	vst v63  }
0x6d: {  	_ =	swait.ge [sflag:s20], $0x4000  }
0x6e: {  	s23 =	sld [smem:$0x7E6]  }
0x6f: {  	[sflag:s20] =	ssyncset.done $0x0  }
0x70: {  	[sflag:s20] =	ssyncadd.s32 $0xFFFFC000  }
0x71: {  	[tilespmem:s31], [sflag:$0x1] =	stream.linear.gather [hbm4b:s23+s5], $0x4000, $0x38;
	[tilespmem:$0x1C400] =	vst v63  }
0x72: {  	_ =	swait.ge [sflag:s12], $0x4000  }
0x73: {  	[sflag:s12] =	ssyncset.done $0x0  }
0x74: {  	s1 =	rddreg [dreg:$0x1d];
	[sflag:s12] =	ssyncadd.s32 $0xFFFFC000  }
0x75: {  	[hbm4b:s1+s5] =	stream.linear.scatter [tilespmem:s2], [sflag:$0x9], $0x4000, $0x38;
	[tilespmem:$0x1C400] =	vst v63  }
0x76: {  	_ =	swait.ge [sflag:s25], $0x4000  }
0x77: {  	s3 =	sld [smem:$0x7E8]  }
0x78: {  	[sflag:s25] =	ssyncset.done $0x0  }
0x79: {  	[sflag:s25] =	ssyncadd.s32 $0xFFFFC000  }
0x7a: {  	[tilespmem:s21], [sflag:$0x2] =	stream.linear.gather [hbm4b:s3+s5], $0x4000, $0x38;
	[tilespmem:$0x1C400] =	vst v63  }
0x7b: {  	s9 =	simm.s32 $0x14000;
	_ =	swait.ge [sflag:s13], $0x4000  }
0x7c: {  	s15 =	simm.s32 $0x3000;
	s16 =	sadd.s32 $0x0, s6;
	s7 =	sld [smem:$0x7E4]  }
0x7d: {  	s17 =	sadd.s32 $0x0, s6;
	s18 =	simm.s32 $0x4000;
	[sflag:s13] =	ssyncset.done $0x0  }
0x7e: {  	s0 =	sand.u32 $0x7800, s18;
	s18 =	sadd.s32 $0x0, s6;
	[sflag:s13] =	ssyncadd.s32 $0xFFFFC000  }
0x7f: {  	[hbm4b:s7+s5] =	stream.linear.scatter [tilespmem:s10], [sflag:$0xA], $0x4000, $0x38;
	[tilespmem:$0x1C400] =	vst v63  }
0x80: {  	s20 =	simm.s32 $0x11;
	s23 =	sshll.u32 s17, $0xF;
	_ =	swait.ge [sflag:s26], $0x4000  }
0x81: {  	s17 =	simm.s32 $0x4800;
	s1 =	simm.s32 $0x6000;
	s8 =	sld [smem:$0x7EA]  }
0x82: {  	s30 =	sand.u32 $0x7800, s1;
	s3 =	sand.u32 $0x3C000, s9;
	[sflag:s26] =	ssyncset.done $0x0  }
0x83: {  	s7 =	sand.u32 $0x7800, s15;
	s15 =	sshll.u32 s18, $0xF;
	[sflag:s26] =	ssyncadd.s32 $0xFFFFC000  }
0x84: {  	[tilespmem:s29], [sflag:$0x3] =	stream.linear.gather [hbm4b:s8+s5], $0x4000, $0x38;
	[tilespmem:$0x1C400] =	vst v63  }
0x85: {  	s18 =	sadd.s32 $0x0, s6;
	s7 =	sadd.s32 s4, s7;
	s8 =	sshll.u32 s16, $0x12  }
0x86: {  	s18 =	sshll.u32 s18, $0xF;
	s16 =	sadd.s32 $0x0, s6;
	s3 =	sor.u32 s3, s8  }
0x87: {  	_ =	swait.ge [sflag:s19], $0x4000;
	s16 =	sshll.u32 s16, $0xF;
	s3 =	sshrl.u32 s3, $0x3  }
0x88: {  	[sflag:s19] =	ssyncset.done $0x0;
	s7 =	sadd.s32 s16, s7;
	s16 =	simm.s32 $0x28000  }
0x89: {  	s3 =	sadd.s32 s4, s3;
	[sflag:s19] =	ssyncadd.s32 $0xFFFFC000;
	s19 =	simm.s32 $0x3800  }
0x8a: {  	[hbm4b:s3+s5] =	stream.linear.scatter [tilespmem:s31], [sflag:$0x6], $0x4000, $0x38;
	[tilespmem:$0x1C400] =	vst v63  }
0x8b: {  	s3 =	sor.u32 s0, s23;
	s23 =	sand.u32 $0x7800, s17;
	_ =	swait.ge [sflag:s14], $0x4000  }
0x8c: {  	s17 =	simm.s32 $0x0;
	s19 =	sand.u32 $0x7800, s19;
	[sflag:s14] =	ssyncset.done $0x0  }
0x8d: {  	s0 =	sadd.s32 s22, s3;
	s29 =	sadd.s32 s4, s19;
	[sflag:s14] =	ssyncadd.s32 $0xFFFFC000  }
0x8e: {  	[tilespmem:s2], [sflag:$0x4] =	stream.linear.gather [hbm4b:s0+s5], $0x4000, $0x38;
	[tilespmem:$0x1C400] =	vst v63  }
0x8f: {  	s31 =	simm.s32 $0x5800;
	s8 =	sadd.s32 s18, s29;
	_ =	swait.ge [sflag:s11], $0x4000  }
0x90: {  	s29 =	sand.u32 $0x7800, s31;
	s2 =	simm.s32 $0x5000;
	[sflag:s11] =	ssyncset.done $0x0  }
0x91: {  	s31 =	simm.s32 $0x8800;
	s1 =	sand.u32 $0x7800, s2;
	[sflag:s11] =	ssyncadd.s32 $0xFFFFC000  }
0x92: {  	[hbm4b:s7+s5] =	stream.linear.scatter [tilespmem:s21], [sflag:$0x7], $0x4000, $0x38;
	[tilespmem:$0x1C400] =	vst v63  }
0x93: {  	s18 =	sadd.s32 s4, s3;
	s1 =	sadd.s32 s22, s1;
	_ =	swait.ge [sflag:s28], $0x4000  }
0x94: {  	s21 =	sadd.s32 $0x0, s6;
	s7 =	sor.u32 s23, s15;
	[sflag:s28] =	ssyncset.done $0x0  }
0x95: {  	s9 =	sadd.s32 s22, s7;
	s23 =	sshll.u32 s21, $0xF;
	[sflag:s28] =	ssyncadd.s32 $0xFFFFC000  }
0x96: {  	[tilespmem:s10], [sflag:$0x5] =	stream.linear.gather [hbm4b:s9+s5], $0x4000, $0x38;
	[tilespmem:$0x1C400] =	vst v63  }
0x97: {  	s2 =	smov.u32 s22;
	s15 =	sadd.s32 s23, s1;
	s9 =	simm.s32 $0xB  }
.LBB2_2:
0x98: {  	s10 =	sadd.s32 $0xFFFFFFF9, s20  }
0x99: {  	_ =	swait.ge [sflag:s24], $0x4000;
	s1 =	smov.u32 s20;
	s3 =	sadd.s32 $0x5, s20  }
0x9a: {  	s22 =	sadd.s32 $0xFFFFD000, s31;
	s23 =	sadd.s32 s4, s7;
	s9 =	sshrl.u32 s9, $0x4  }
0x9b: {  	s19 =	simm.s32 $0x8400;
	s0 =	simm.s32 $0x6;
	s21 =	simm.s32 $0x400  }
0x9c: {  	s11 =	simm.s32 $0xC400;
	[sflag:s24] =	ssyncset.done $0x0;
	s7 =	sshrl.u32 s10, $0x4  }
0x9d: {  	s10 =	sadd.s32 s2, s29;
	s29 =	sadd.s32 $0xFFFFFFFA, s1;
	[sflag:s24] =	ssyncadd.s32 $0xFFFFC000  }
0x9e: {  	[hbm4b:s8+s5] =	stream.linear.scatter [tilespmem:s19], [sflag:$0x8], $0x4000, $0x38;
	[tilespmem:$0x1C400] =	vst v63  }
0x9f: {  	s8 =	sadd.s32 s6, s7;
	s7 =	sadd.s32 s6, s9;
	_ =	swait.ge [sflag:s0], $0x4000  }
0xa0: {  	s9 =	sshll.u32 s7, $0xF;
	s7 =	sadd.s32 $0xFFFFFFFC, s1;
	[sflag:s0] =	ssyncset.done $0x0  }
0xa1: {  	s8 =	sshll.u32 s8, $0x12;
	s7 =	sshrl.u32 s7, $0x4;
	[sflag:s0] =	ssyncadd.s32 $0xFFFFC000  }
0xa2: {  	[tilespmem:s21], [sflag:$0x1] =	stream.linear.gather [hbm4b:s15+s5], $0x4000, $0x38;
	[tilespmem:$0x1C400] =	vst v63  }
0xa3: {  	s9 =	sadd.s32 s9, s10;
	s15 =	sshrl.u32 s29, $0x4;
	_ =	swait.ge [sflag:s12], $0x4000  }
0xa4: {  	s0 =	sadd.s32 $0xFFFFE000, s31;
	s29 =	sadd.s32 s6, s7;
	[sflag:s12] =	ssyncset.done $0x0  }
0xa5: {  	s10 =	sand.u32 $0x3C000, s16;
	s7 =	sadd.s32 s6, s15;
	[sflag:s12] =	ssyncadd.s32 $0xFFFFC000  }
0xa6: {  	[hbm4b:s18+s5] =	stream.linear.scatter [tilespmem:s11], [sflag:$0x9], $0x4000, $0x38;
	[tilespmem:$0x1C400] =	vst v63  }
0xa7: {  	s17 =	sadd.s32 s6, s17;
	s8 =	sor.u32 s10, s8;
	_ =	swait.ge [sflag:s25], $0x4000  }
0xa8: {  	s10 =	sand.u32 $0x7800, s22;
	s0 =	sand.u32 $0x7800, s0;
	[sflag:s25] =	ssyncset.done $0x0  }
0xa9: {  	s15 =	sshll.u32 s29, $0xF;
	s29 =	simm.s32 $0x4400;
	[sflag:s25] =	ssyncadd.s32 $0xFFFFC000  }
0xaa: {  	[tilespmem:s29], [sflag:$0x2] =	stream.linear.gather [hbm4b:s9+s5], $0x4000, $0x38;
	[tilespmem:$0x1C400] =	vst v63  }
0xab: {  	p0 =	sne.s32 s20, $0x3E;
	s9 =	sadd.s32 $0xFFFFFFFD, s1;
	_ =	swait.ge [sflag:s13], $0x4000  }
0xac: {  	s18 =	sadd.s32 s2, s30;
	s9 =	sshrl.u32 s9, $0x4;
	[sflag:s13] =	ssyncset.done $0x0  }
0xad: {  	s17 =	sshll.u32 s17, $0xF;
	s24 =	simm.s32 $0x10400;
	[sflag:s13] =	ssyncadd.s32 $0xFFFFC000  }
0xae: {  	[hbm4b:s23+s5] =	stream.linear.scatter [tilespmem:s24], [sflag:$0xA], $0x4000, $0x38;
	[tilespmem:$0x1C400] =	vst v63  }
0xaf: {  	s10 =	sadd.s32 s4, s10;
	s17 =	sadd.s32 s17, s18;
	_ =	swait.ge [sflag:s26], $0x4000  }
0xb0: {  	[sflag:s26] =	ssyncset.done $0x0  }
0xb1: {  	s8 =	sshrl.u32 s8, $0x3;
	s9 =	sadd.s32 s6, s9;
	[sflag:s26] =	ssyncadd.s32 $0xFFFFC000  }
0xb2: {  	[tilespmem:s19], [sflag:$0x3] =	stream.linear.gather [hbm4b:s17+s5], $0x4000, $0x38;
	[tilespmem:$0x1C400] =	vst v63  }
0xb3: {  	s19 =	simm.s32 $0x1  }
0xb4: {  	s8 =	sadd.s32 s4, s8;
	s9 =	sshll.u32 s9, $0xF;
	_ =	swait.ge [sflag:s19], $0x4000  }
0xb5: {  	s18 =	sadd.s32 $0xFFFFFFFB, s1;
	s17 =	sadd.s32 $0xFFFFE800, s31;
	[sflag:s19] =	ssyncset.done $0x0  }
0xb6: {  	s0 =	sor.u32 s0, s15;
	s15 =	sadd.s32 $0xFFFFD800, s31;
	[sflag:s19] =	ssyncadd.s32 $0xFFFFC000  }
0xb7: {  	s20 =	sand.u32 $0x7800, s17  }
0xb8: {  	[hbm4b:s8+s5] =	stream.linear.scatter [tilespmem:s21], [sflag:$0x6], $0x4000, $0x38;
	[tilespmem:$0x1C400] =	vst v63  }
0xb9: {  	s8 =	sshrl.u32 s18, $0x4;
	s18 =	sadd.s32 $0xFFFFFFFE, s1;
	_ =	swait.ge [sflag:s14], $0x4000  }
0xba: {  	s7 =	sshll.u32 s7, $0xF;
	s8 =	sadd.s32 s6, s8;
	[sflag:s14] =	ssyncset.done $0x0  }
0xbb: {  	s30 =	sand.u32 $0x7800, s31;
	s17 =	sshrl.u32 s1, $0x4;
	[sflag:s14] =	ssyncadd.s32 $0xFFFFC000  }
0xbc: {  	s16 =	sadd.s32 $0x14000, s16;
	s22 =	sadd.s32 $0xFFFFF000, s31;
	s18 =	sshrl.u32 s18, $0x4  }
0xbd: {  	s15 =	sand.u32 $0x7800, s15;
	s8 =	sshll.u32 s8, $0xF;
	s18 =	sadd.s32 s6, s18  }
0xbe: {  	s10 =	sadd.s32 s7, s10;
	s7 =	sadd.s32 s4, s15;
	s23 =	sadd.s32 s2, s0  }
0xbf: {  	[tilespmem:s11], [sflag:$0x4] =	stream.linear.gather [hbm4b:s23+s5], $0x4000, $0x38;
	[tilespmem:$0x1C400] =	vst v63  }
0xc0: {  	s15 =	sand.u32 $0x7800, s22;
	s11 =	simm.s32 $0x2  }
0xc1: {  	s8 =	sadd.s32 s8, s7;
	s7 =	sor.u32 s20, s9;
	_ =	swait.ge [sflag:s11], $0x4000  }
0xc2: {  	s9 =	sadd.s32 s2, s15;
	s15 =	sshll.u32 s18, $0xF;
	[sflag:s11] =	ssyncset.done $0x0  }
0xc3: {  	s20 =	sadd.s32 s2, s7;
	s15 =	sadd.s32 s15, s9;
	[sflag:s11] =	ssyncadd.s32 $0xFFFFC000  }
0xc4: {  	[hbm4b:s10+s5] =	stream.linear.scatter [tilespmem:s29], [sflag:$0x7], $0x4000, $0x38;
	[tilespmem:$0x1C400] =	vst v63  }
.Ltmp0:
0xc5: {  	s9 =	sadd.s32 $0xFFFFF800, s31;
	_ =	swait.ge [sflag:s28], $0x4000;
	(pc) =	sbr.rel @p0 .LBB2_2-.Ltmp0, $4  }
0xc6: {  	s31 =	sadd.s32 $0x2800, s31;
	s29 =	sand.u32 $0x7800, s9;
	[sflag:s28] =	ssyncset.done $0x0  }
0xc7: {  	s18 =	sadd.s32 s4, s0;
	s9 =	sadd.s32 $0xFFFFFFFF, s1;
	[sflag:s28] =	ssyncadd.s32 $0xFFFFC000  }
0xc8: {  	[tilespmem:s24], [sflag:$0x5] =	stream.linear.gather [hbm4b:s20+s5], $0x4000, $0x38;
	[tilespmem:$0x1C400] =	vst v63  }
0xc9: {  	s24 =	simm.s32 $0x3;
	s20 =	smov.u32 s3  }
0xca: {  	_ =	swait.ge [sflag:s24], $0x4000  }
0xcb: {  	[sflag:s24] =	ssyncset.done $0x0  }
0xcc: {  	s0 =	simm.s32 $0x8400;
	s20 =	simm.s32 $0x6;
	[sflag:s24] =	ssyncadd.s32 $0xFFFFC000  }
0xcd: {  	[hbm4b:s8+s5] =	stream.linear.scatter [tilespmem:s0], [sflag:$0x8], $0x4000, $0x38;
	[tilespmem:$0x1C400] =	vst v63  }
0xce: {  	_ =	swait.ge [sflag:s20], $0x4000  }
0xcf: {  	[sflag:s20] =	ssyncset.done $0x0  }
0xd0: {  	s31 =	simm.s32 $0x400;
	[sflag:s20] =	ssyncadd.s32 $0xFFFFC000  }
0xd1: {  	[tilespmem:s31], [sflag:$0x1] =	stream.linear.gather [hbm4b:s15+s5], $0x4000, $0x38;
	[tilespmem:$0x1C400] =	vst v63  }
0xd2: {  	_ =	swait.ge [sflag:s12], $0x4000  }
0xd3: {  	[sflag:s12] =	ssyncset.done $0x0  }
0xd4: {  	s10 =	sshrl.u32 s9, $0x4;
	s16 =	simm.s32 $0xC400;
	[sflag:s12] =	ssyncadd.s32 $0xFFFFC000  }
0xd5: {  	[hbm4b:s18+s5] =	stream.linear.scatter [tilespmem:s16], [sflag:$0x9], $0x4000, $0x38;
	[tilespmem:$0x1C400] =	vst v63  }
0xd6: {  	s0 =	sadd.s32 s6, s10;
	_ =	swait.ge [sflag:s25], $0x4000  }
0xd7: {  	s1 =	sadd.s32 s2, s29;
	s0 =	sshll.u32 s0, $0xF;
	[sflag:s25] =	ssyncset.done $0x0  }
0xd8: {  	s21 =	simm.s32 $0x4400;
	s0 =	sadd.s32 s0, s1;
	[sflag:s25] =	ssyncadd.s32 $0xFFFFC000  }
0xd9: {  	[tilespmem:s21], [sflag:$0x2] =	stream.linear.gather [hbm4b:s0+s5], $0x4000, $0x38;
	[tilespmem:$0x1C400] =	vst v63  }
0xda: {  	_ =	swait.ge [sflag:s13], $0x4000  }
0xdb: {  	[sflag:s13] =	ssyncset.done $0x0  }
0xdc: {  	s15 =	sadd.s32 s4, s7;
	s18 =	simm.s32 $0x10400;
	[sflag:s13] =	ssyncadd.s32 $0xFFFFC000  }
0xdd: {  	[hbm4b:s15+s5] =	stream.linear.scatter [tilespmem:s18], [sflag:$0xA], $0x4000, $0x38;
	[tilespmem:$0x1C400] =	vst v63  }
0xde: {  	s22 =	sadd.s32 s6, s17;
	_ =	swait.ge [sflag:s26], $0x4000  }
0xdf: {  	s23 =	sadd.s32 s2, s30;
	s0 =	sshll.u32 s22, $0xF;
	[sflag:s26] =	ssyncset.done $0x0  }
0xe0: {  	s29 =	simm.s32 $0x8400;
	s0 =	sadd.s32 s0, s23;
	[sflag:s26] =	ssyncadd.s32 $0xFFFFC000  }
0xe1: {  	[tilespmem:s29], [sflag:$0x3] =	stream.linear.gather [hbm4b:s0+s5], $0x4000, $0x38;
	[tilespmem:$0x1C400] =	vst v63  }
0xe2: {  	_ =	swait.ge [sflag:s19], $0x4000  }
0xe3: {  	s1 =	sld [smem:$0x7EC]  }
0xe4: {  	[sflag:s19] =	ssyncset.done $0x0  }
0xe5: {  	[sflag:s19] =	ssyncadd.s32 $0xFFFFC000  }
0xe6: {  	[hbm4b:s1+s5] =	stream.linear.scatter [tilespmem:s31], [sflag:$0x6], $0x4000, $0x38;
	[tilespmem:$0x1C400] =	vst v63  }
0xe7: {  	_ =	swait.ge [sflag:s14], $0x4000  }
0xe8: {  	[sflag:s14] =	ssyncset.done $0x0  }
0xe9: {  	s2 =	rddreg [dreg:$0x17];
	[sflag:s14] =	ssyncadd.s32 $0xFFFFC000  }
0xea: {  	[tilespmem:s16], [sflag:$0x4] =	stream.linear.gather [hbm4b:s2+s5], $0x4000, $0x38;
	[tilespmem:$0x1C400] =	vst v63  }
0xeb: {  	_ =	swait.ge [sflag:s11], $0x4000  }
0xec: {  	s3 =	sld [smem:$0x7ED]  }
0xed: {  	[sflag:s11] =	ssyncset.done $0x0  }
0xee: {  	[sflag:s11] =	ssyncadd.s32 $0xFFFFC000  }
0xef: {  	[hbm4b:s3+s5] =	stream.linear.scatter [tilespmem:s21], [sflag:$0x7], $0x4000, $0x38;
	[tilespmem:$0x1C400] =	vst v63  }
0xf0: {  	_ =	swait.ge [sflag:s28], $0x4000  }
0xf1: {  	[sflag:s28] =	ssyncset.done $0x0  }
0xf2: {  	s7 =	rddreg [dreg:$0x13];
	[sflag:s28] =	ssyncadd.s32 $0xFFFFC000  }
0xf3: {  	[tilespmem:s18], [sflag:$0x5] =	stream.linear.gather [hbm4b:s7+s5], $0x4000, $0x38;
	[tilespmem:$0x1C400] =	vst v63  }
0xf4: {  	_ =	swait.ge [sflag:s24], $0x4000  }
0xf5: {  	s8 =	sld [smem:$0x7EE]  }
0xf6: {  	[sflag:s24] =	ssyncset.done $0x0  }
0xf7: {  	[sflag:s24] =	ssyncadd.s32 $0xFFFFC000  }
0xf8: {  	[hbm4b:s8+s5] =	stream.linear.scatter [tilespmem:s29], [sflag:$0x8], $0x4000, $0x38;
	[tilespmem:$0x1C400] =	vst v63  }
0xf9: {  	_ =	swait.ge [sflag:s20], $0x4000  }
0xfa: {  	[sflag:s20] =	ssyncset.done $0x0  }
0xfb: {  	s9 =	rddreg [dreg:$0x16];
	[sflag:s20] =	ssyncadd.s32 $0xFFFFC000  }
0xfc: {  	[tilespmem:s31], [sflag:$0x1] =	stream.linear.gather [hbm4b:s9+s5], $0x4000, $0x38;
	[tilespmem:$0x1C400] =	vst v63  }
0xfd: {  	_ =	swait.ge [sflag:s12], $0x4000  }
0xfe: {  	[sflag:s12] =	ssyncset.done $0x0  }
0xff: {  	s10 =	rddreg [dreg:$0x18];
	[sflag:s12] =	ssyncadd.s32 $0xFFFFC000  }
0x100: {  	[hbm4b:s10+s5] =	stream.linear.scatter [tilespmem:s16], [sflag:$0x9], $0x4000, $0x38;
	[tilespmem:$0x1C400] =	vst v63  }
0x101: {  	_ =	swait.ge [sflag:s25], $0x4000  }
0x102: {  	[sflag:s25] =	ssyncset.done $0x0  }
0x103: {  	s15 =	rddreg [dreg:$0x1b];
	[sflag:s25] =	ssyncadd.s32 $0xFFFFC000  }
0x104: {  	[tilespmem:s21], [sflag:$0x2] =	stream.linear.gather [hbm4b:s15+s5], $0x4000, $0x38;
	[tilespmem:$0x1C400] =	vst v63  }
0x105: {  	_ =	swait.ge [sflag:s13], $0x4000  }
0x106: {  	s17 =	sld [smem:$0x7F7]  }
0x107: {  	[sflag:s13] =	ssyncset.done $0x0  }
0x108: {  	[sflag:s13] =	ssyncadd.s32 $0xFFFFC000  }
0x109: {  	[hbm4b:s17+s5] =	stream.linear.scatter [tilespmem:s18], [sflag:$0xA], $0x4000, $0x38;
	[tilespmem:$0x1C400] =	vst v63  }
0x10a: {  	_ =	swait.ge [sflag:s26], $0x4000  }
0x10b: {  	[sflag:s26] =	ssyncset.done $0x0  }
0x10c: {  	s22 =	rddreg [dreg:$0x1e];
	[sflag:s26] =	ssyncadd.s32 $0xFFFFC000  }
0x10d: {  	[tilespmem:s29], [sflag:$0x3] =	stream.linear.gather [hbm4b:s22+s5], $0x4000, $0x38;
	[tilespmem:$0x1C400] =	vst v63  }
0x10e: {  	_ =	swait.ge [sflag:s19], $0x4000  }
0x10f: {  	s23 =	sld [smem:$0x7F8]  }
0x110: {  	[sflag:s19] =	ssyncset.done $0x0  }
0x111: {  	[sflag:s19] =	ssyncadd.s32 $0xFFFFC000  }
0x112: {  	[hbm4b:s23+s5] =	stream.linear.scatter [tilespmem:s31], [sflag:$0x6], $0x4000, $0x38;
	[tilespmem:$0x1C400] =	vst v63  }
0x113: {  	_ =	swait.ge [sflag:s14], $0x4000  }
0x114: {  	s1 =	sld [smem:$0x7E5]  }
0x115: {  	[sflag:s14] =	ssyncset.done $0x0  }
0x116: {  	[sflag:s14] =	ssyncadd.s32 $0xFFFFC000  }
0x117: {  	[tilespmem:s16], [sflag:$0x4] =	stream.linear.gather [hbm4b:s1+s5], $0x4000, $0x38;
	[tilespmem:$0x1C400] =	vst v63  }
0x118: {  	_ =	swait.ge [sflag:s11], $0x4000  }
0x119: {  	s2 =	sld [smem:$0x7F9]  }
0x11a: {  	[sflag:s11] =	ssyncset.done $0x0  }
0x11b: {  	[sflag:s11] =	ssyncadd.s32 $0xFFFFC000  }
0x11c: {  	[hbm4b:s2+s5] =	stream.linear.scatter [tilespmem:s21], [sflag:$0x7], $0x4000, $0x38;
	[tilespmem:$0x1C400] =	vst v63  }
0x11d: {  	_ =	swait.ge [sflag:s28], $0x4000  }
0x11e: {  	s3 =	sld [smem:$0x7E7]  }
0x11f: {  	[sflag:s28] =	ssyncset.done $0x0  }
0x120: {  	[sflag:s28] =	ssyncadd.s32 $0xFFFFC000  }
0x121: {  	[tilespmem:s18], [sflag:$0x5] =	stream.linear.gather [hbm4b:s3+s5], $0x4000, $0x38;
	[tilespmem:$0x1C400] =	vst v63  }
0x122: {  	_ =	swait.ge [sflag:s24], $0x4000  }
0x123: {  	s7 =	sld [smem:$0x7FA]  }
0x124: {  	[sflag:s24] =	ssyncset.done $0x0  }
0x125: {  	[sflag:s24] =	ssyncadd.s32 $0xFFFFC000  }
0x126: {  	[hbm4b:s7+s5] =	stream.linear.scatter [tilespmem:s29], [sflag:$0x8], $0x4000, $0x38;
	[tilespmem:$0x1C400] =	vst v63  }
0x127: {  	s17 =	simm.s32 $0xE;
	_ =	swait.ge [sflag:s20], $0x4000  }
0x128: {  	s1 =	smul.u32 $0x5, s17;
	s8 =	sld [smem:$0x7E9]  }
0x129: {  	[sflag:s20] =	ssyncset.done $0x0  }
0x12a: {  	s23 =	sadd.s32 $0xFFFFFFC0, s1;
	[sflag:s20] =	ssyncadd.s32 $0xFFFFC000  }
0x12b: {  	[tilespmem:s31], [sflag:$0x1] =	stream.linear.gather [hbm4b:s8+s5], $0x4000, $0x38;
	[tilespmem:$0x1C400] =	vst v63  }
0x12c: {  	s3 =	sshll.u32 s23, $0x18;
	_ =	swait.ge [sflag:s12], $0x4000  }
0x12d: {  	s3 =	sshra.s32 s3, $0x1F;
	s9 =	sld [smem:$0x7FB]  }
0x12e: {  	s3 =	sand.u32 $0xF, s3;
	[sflag:s12] =	ssyncset.done $0x0  }
0x12f: {  	s3 =	sadd.s32 s3, s23;
	[sflag:s12] =	ssyncadd.s32 $0xFFFFC000  }
0x130: {  	[hbm4b:s9+s5] =	stream.linear.scatter [tilespmem:s16], [sflag:$0x9], $0x4000, $0x38;
	[tilespmem:$0x1C400] =	vst v63  }
0x131: {  	s30 =	sadd.s32 $0xFFFFFFC7, s1;
	s3 =	sshll.u32 s3, $0x18;
	_ =	swait.ge [sflag:s25], $0x4000  }
0x132: {  	s0 =	sshll.u32 s23, $0xE;
	s3 =	sshra.s32 s3, $0x1C;
	s10 =	sld [smem:$0x7EB]  }
0x133: {  	s0 =	sand.u32 $0x3C000, s0;
	s3 =	sadd.s32 s3, s6;
	[sflag:s25] =	ssyncset.done $0x0  }
0x134: {  	s2 =	sadd.s32 $0xFFFFFFC3, s1;
	s3 =	sshll.u32 s3, $0x12;
	[sflag:s25] =	ssyncadd.s32 $0xFFFFC000  }
0x135: {  	[tilespmem:s21], [sflag:$0x2] =	stream.linear.gather [hbm4b:s10+s5], $0x4000, $0x38;
	[tilespmem:$0x1C400] =	vst v63  }
0x136: {  	s7 =	sadd.s32 $0xFFFFFFC2, s1;
	s0 =	sor.u32 s0, s3;
	_ =	swait.ge [sflag:s13], $0x4000  }
0x137: {  	s0 =	sadd.s32 $0x2000000, s0;
	s8 =	sshll.u32 s2, $0xE;
	s15 =	sld [smem:$0x7FC]  }
0x138: {  	s0 =	sshrl.u32 s0, $0x3;
	s8 =	sand.u32 $0x3C000, s8;
	[sflag:s13] =	ssyncset.done $0x0  }
0x139: {  	s0 =	sadd.s32 s4, s0;
	s10 =	sadd.s32 $0xFFFFFFC1, s1;
	[sflag:s13] =	ssyncadd.s32 $0xFFFFC000  }
0x13a: {  	[hbm4b:s15+s5] =	stream.linear.scatter [tilespmem:s18], [sflag:$0xA], $0x4000, $0x38;
	[tilespmem:$0x1C400] =	vst v63  }
0x13b: {  	s17 =	sshll.u32 s10, $0x18;
	s15 =	sshll.u32 s2, $0x18;
	_ =	swait.ge [sflag:s26], $0x4000  }
0x13c: {  	s3 =	sshra.s32 s17, $0x1F;
	s9 =	sshra.s32 s15, $0x1F;
	s22 =	sld [smem:$0x7FD]  }
0x13d: {  	s17 =	sshll.u32 s7, $0x18;
	[sflag:s26] =	ssyncset.done $0x0;
	s9 =	sand.u32 $0xF, s9  }
0x13e: {  	s3 =	sand.u32 $0xF, s3;
	[sflag:s26] =	ssyncadd.s32 $0xFFFFC000;
	s9 =	sadd.s32 s9, s2  }
0x13f: {  	[tilespmem:s29], [sflag:$0x3] =	stream.linear.gather [hbm4b:s22+s5], $0x4000, $0x38;
	[tilespmem:$0x1C400] =	vst v63  }
0x140: {  	s2 =	sadd.s32 $0xFFFFFFC4, s1;
	s9 =	sshll.u32 s9, $0x18;
	_ =	swait.ge [sflag:s19], $0x4000  }
0x141: {  	s15 =	sshll.u32 s2, $0x18;
	s9 =	sshra.s32 s9, $0x1C;
	[sflag:s19] =	ssyncset.done $0x0  }
0x142: {  	s22 =	sadd.s32 s3, s10;
	s9 =	sadd.s32 s9, s6;
	[sflag:s19] =	ssyncadd.s32 $0xFFFFC000  }
0x143: {  	[hbm4b:s0+s5] =	stream.linear.scatter [tilespmem:s31], [sflag:$0x6], $0x4000, $0x38;
	[tilespmem:$0x1C400] =	vst v63  }
0x144: {  	s10 =	sshll.u32 s10, $0xE;
	s9 =	sshll.u32 s9, $0x12;
	_ =	swait.ge [sflag:s14], $0x4000  }
0x145: {  	s23 =	sshll.u32 s22, $0x18;
	s3 =	sor.u32 s8, s9;
	[sflag:s14] =	ssyncset.done $0x0  }
0x146: {  	s22 =	sadd.s32 $0xFFFFFFC5, s1;
	s8 =	sshrl.u32 s3, $0x3;
	[sflag:s14] =	ssyncadd.s32 $0xFFFFC000  }
0x147: {  	s0 =	sshra.s32 s23, $0x1C;
	s3 =	sadd.s32 $0x2000000, s3;
	s23 =	rddreg [dreg:$0x1]  }
0x148: {  	s0 =	sadd.s32 s0, s6;
	s3 =	sshrl.u32 s3, $0x3;
	s8 =	sadd.s32 s23, s8  }
0x149: {  	[tilespmem:s16], [sflag:$0x4] =	stream.linear.gather [hbm4b:s8+s5], $0x4000, $0x38;
	[tilespmem:$0x1C400] =	vst v63  }
0x14a: {  	s0 =	sshll.u32 s0, $0x12;
	s8 =	sand.u32 $0x3C000, s10;
	s10 =	sshra.s32 s15, $0x1F  }
0x14b: {  	s16 =	sshll.u32 s2, $0xE;
	s15 =	sadd.s32 $0xFFFFFFC6, s1;
	s0 =	sor.u32 s8, s0  }
0x14c: {  	s10 =	sand.u32 $0xF, s10;
	_ =	swait.ge [sflag:s11], $0x4000;
	s8 =	sand.u32 $0x3C000, s16  }
0x14d: {  	s16 =	simm.s32 $0xF;
	s0 =	sadd.s32 $0x2000000, s0;
	s9 =	sadd.s32 s10, s2  }
0x14e: {  	s10 =	sshra.s32 s17, $0x1F;
	[sflag:s11] =	ssyncset.done $0x0;
	s2 =	sshll.u32 s22, $0x18  }
0x14f: {  	s17 =	sshll.u32 s15, $0x18;
	s0 =	sshrl.u32 s0, $0x3;
	s9 =	sshll.u32 s9, $0x18  }
0x150: {  	[sflag:s11] =	ssyncadd.s32 $0xFFFFC000;
	s9 =	sshra.s32 s9, $0x1C;
	s0 =	sadd.s32 s4, s0  }
0x151: {  	[hbm4b:s0+s5] =	stream.linear.scatter [tilespmem:s21], [sflag:$0x7], $0x4000, $0x38;
	[tilespmem:$0x1C400] =	vst v63  }
0x152: {  	s9 =	sadd.s32 s9, s6;
	s21 =	sand.u32 $0xF, s10;
	s10 =	sshll.u32 s22, $0xE  }
0x153: {  	s9 =	sshll.u32 s9, $0x12;
	s0 =	sadd.s32 s21, s7;
	_ =	swait.ge [sflag:s28], $0x4000  }
0x154: {  	s7 =	sshll.u32 s7, $0xE;
	s10 =	sand.u32 $0x3C000, s10;
	s21 =	sshll.u32 s30, $0x18  }
0x155: {  	s8 =	sor.u32 s8, s9;
	s0 =	sshll.u32 s0, $0x18;
	[sflag:s28] =	ssyncset.done $0x0  }
0x156: {  	s7 =	sand.u32 $0x3C000, s7;
	s9 =	sshrl.u32 s8, $0x3;
	s0 =	sshra.s32 s0, $0x1C  }
0x157: {  	[sflag:s28] =	ssyncadd.s32 $0xFFFFC000;
	s9 =	sadd.s32 s23, s9;
	s0 =	sadd.s32 s0, s6  }
0x158: {  	[tilespmem:s18], [sflag:$0x5] =	stream.linear.gather [hbm4b:s9+s5], $0x4000, $0x38;
	[tilespmem:$0x1C400] =	vst v63  }
0x159: {  	s1 =	sshra.s32 s21, $0x1F;
	s0 =	sshll.u32 s0, $0x12;
	s9 =	sshra.s32 s2, $0x1F  }
0x15a: {  	s0 =	sor.u32 s7, s0;
	s9 =	sand.u32 $0xF, s9;
	_ =	swait.ge [sflag:s24], $0x4000  }
0x15b: {  	s7 =	sshll.u32 s15, $0xE;
	s0 =	sadd.s32 $0x2000000, s0;
	s9 =	sadd.s32 s9, s22  }
0x15c: {  	[sflag:s24] =	ssyncset.done $0x0;
	s0 =	sshrl.u32 s0, $0x3;
	s9 =	sshll.u32 s9, $0x18  }
0x15d: {  	[sflag:s24] =	ssyncadd.s32 $0xFFFFC000;
	s0 =	sadd.s32 s4, s0;
	s9 =	sshra.s32 s9, $0x1C  }
0x15e: {  	[hbm4b:s0+s5] =	stream.linear.scatter [tilespmem:s29], [sflag:$0x8], $0x4000, $0x38;
	[tilespmem:$0x1C400] =	vst v63  }
0x15f: {  	s18 =	sand.u32 $0x3C000, s7;
	s0 =	sshra.s32 s17, $0x1F;
	s9 =	sadd.s32 s9, s6  }
0x160: {  	s22 =	sand.u32 $0xF, s1;
	s0 =	sand.u32 $0xF, s0;
	s9 =	sshll.u32 s9, $0x12  }
0x161: {  	_ =	swait.ge [sflag:s20], $0x4000;
	s9 =	sor.u32 s10, s9;
	s0 =	sadd.s32 s0, s15  }
0x162: {  	[sflag:s20] =	ssyncset.done $0x0;
	s9 =	sshrl.u32 s9, $0x3;
	s0 =	sshll.u32 s0, $0x18  }
0x163: {  	[sflag:s20] =	ssyncadd.s32 $0xFFFFC000;
	s0 =	sshra.s32 s0, $0x1C;
	s9 =	sadd.s32 s23, s9  }
0x164: {  	[tilespmem:s31], [sflag:$0x1] =	stream.linear.gather [hbm4b:s9+s5], $0x4000, $0x38;
	[tilespmem:$0x1C400] =	vst v63  }
0x165: {  	s20 =	sadd.s32 $0x2000000, s8;
	s8 =	sadd.s32 s4, s3;
	s0 =	sadd.s32 s0, s6  }
0x166: {  	s3 =	sadd.s32 s22, s30;
	s0 =	sshll.u32 s0, $0x12;
	_ =	swait.ge [sflag:s12], $0x4000  }
0x167: {  	s7 =	sshrl.u32 s20, $0x3;
	s0 =	sor.u32 s18, s0;
	[sflag:s12] =	ssyncset.done $0x0  }
0x168: {  	s1 =	sadd.s32 s4, s7;
	[sflag:s12] =	ssyncadd.s32 $0xFFFFC000;
	s7 =	sshrl.u32 s0, $0x3  }
.LBB2_4:
0x169: {  	s2 =	simm.s32 $0xC400;
	s0 =	smov.u32 s16  }
0x16a: {  	[hbm4b:s8+s5] =	stream.linear.scatter [tilespmem:s2], [sflag:$0x9], $0x4000, $0x38;
	[tilespmem:$0x1C400] =	vst v63  }
0x16b: {  	p0 =	sne.s32 s16, $0x18;
	s8 =	sshll.u32 s30, $0xE;
	_ =	swait.ge [sflag:s25], $0x4000  }
0x16c: {  	s16 =	sadd.s32 $0x1, s16;
	s7 =	sadd.s32 s23, s7;
	[sflag:s25] =	ssyncset.done $0x0  }
0x16d: {  	s3 =	sshll.u32 s3, $0x18;
	s18 =	simm.s32 $0x4400;
	[sflag:s25] =	ssyncadd.s32 $0xFFFFC000  }
0x16e: {  	[tilespmem:s18], [sflag:$0x2] =	stream.linear.gather [hbm4b:s7+s5], $0x4000, $0x38;
	[tilespmem:$0x1C400] =	vst v63  }
0x16f: {  	s3 =	sshra.s32 s3, $0x1C;
	_ =	swait.ge [sflag:s13], $0x4000  }
0x170: {  	s21 =	simm.s32 $0x10400;
	s3 =	sadd.s32 s3, s6;
	[sflag:s13] =	ssyncset.done $0x0  }
0x171: {  	s3 =	sshll.u32 s3, $0x12;
	s7 =	sand.u32 $0x3C000, s8;
	[sflag:s13] =	ssyncadd.s32 $0xFFFFC000  }
0x172: {  	[hbm4b:s1+s5] =	stream.linear.scatter [tilespmem:s21], [sflag:$0xA], $0x4000, $0x38;
	[tilespmem:$0x1C400] =	vst v63  }
0x173: {  	s1 =	sor.u32 s7, s3  }
0x174: {  	_ =	swait.ge [sflag:s26], $0x4000;
	s3 =	sshrl.u32 s1, $0x3;
	s1 =	smul.u32 $0x5, s0  }
0x175: {  	s22 =	simm.s32 $0xC400;
	[sflag:s26] =	ssyncset.done $0x0  }
0x176: {  	s0 =	sadd.s32 s23, s3;
	[sflag:s26] =	ssyncadd.s32 $0xFFFFC000;
	s17 =	sadd.s32 $0xFFFFFFC6, s1  }
0x177: {  	[tilespmem:s29], [sflag:$0x3] =	stream.linear.gather [hbm4b:s0+s5], $0x4000, $0x38;
	[tilespmem:$0x1C400] =	vst v63  }
0x178: {  	s30 =	sadd.s32 $0xFFFFFFC7, s1;
	s7 =	sadd.s32 $0xFFFFFFC3, s1;
	_ =	swait.ge [sflag:s19], $0x4000  }
0x179: {  	s0 =	sadd.s32 $0xFFFFFFC0, s1;
	s9 =	sshll.u32 s7, $0x18;
	[sflag:s19] =	ssyncset.done $0x0  }
0x17a: {  	s3 =	sadd.s32 $0xFFFFFFC2, s1;
	s8 =	sshll.u32 s0, $0x18;
	s9 =	sshra.s32 s9, $0x1F  }
0x17b: {  	s8 =	sshra.s32 s8, $0x1F;
	s9 =	sand.u32 $0xF, s9;
	[sflag:s19] =	ssyncadd.s32 $0xFFFFC000  }
0x17c: {  	s10 =	sadd.s32 $0xFFFFFFC1, s1;
	s8 =	sand.u32 $0xF, s8;
	s9 =	sadd.s32 s9, s7  }
0x17d: {  	s15 =	sshll.u32 s10, $0x18;
	s8 =	sadd.s32 s8, s0;
	s9 =	sshll.u32 s9, $0x18  }
0x17e: {  	s7 =	sshll.u32 s7, $0xE;
	s8 =	sshll.u32 s8, $0x18;
	s9 =	sshra.s32 s9, $0x1C  }
0x17f: {  	s7 =	sand.u32 $0x3C000, s7;
	s8 =	sshra.s32 s8, $0x1C;
	s9 =	sadd.s32 s9, s6  }
0x180: {  	s0 =	sshll.u32 s0, $0xE;
	s8 =	sadd.s32 s8, s6;
	s9 =	sshll.u32 s9, $0x12  }
0x181: {  	s0 =	sand.u32 $0x3C000, s0;
	s8 =	sshll.u32 s8, $0x12;
	s20 =	sor.u32 s7, s9  }
0x182: {  	s7 =	sshra.s32 s15, $0x1F;
	s9 =	sshll.u32 s10, $0xE;
	s0 =	sor.u32 s0, s8  }
0x183: {  	s8 =	sshrl.u32 s20, $0x3;
	s7 =	sand.u32 $0xF, s7;
	s0 =	sadd.s32 $0x2000000, s0  }
0x184: {  	s15 =	sshll.u32 s3, $0x18;
	s7 =	sadd.s32 s7, s10;
	s0 =	sshrl.u32 s0, $0x3  }
0x185: {  	s9 =	sand.u32 $0x3C000, s9;
	s7 =	sshll.u32 s7, $0x18;
	s0 =	sadd.s32 s4, s0  }
0x186: {  	[hbm4b:s0+s5] =	stream.linear.scatter [tilespmem:s31], [sflag:$0x6], $0x4000, $0x38;
	[tilespmem:$0x1C400] =	vst v63  }
0x187: {  	s0 =	sshra.s32 s7, $0x1C;
	s7 =	sadd.s32 $0xFFFFFFC4, s1;
	_ =	swait.ge [sflag:s14], $0x4000  }
0x188: {  	s0 =	sadd.s32 s0, s6;
	s10 =	sshll.u32 s7, $0x18;
	[sflag:s14] =	ssyncset.done $0x0  }
0x189: {  	s8 =	sadd.s32 s23, s8;
	s0 =	sshll.u32 s0, $0x12;
	[sflag:s14] =	ssyncadd.s32 $0xFFFFC000  }
0x18a: {  	s0 =	sor.u32 s9, s0;
	s9 =	sshra.s32 s10, $0x1F;
	s10 =	sshll.u32 s7, $0xE  }
0x18b: {  	s1 =	sadd.s32 $0xFFFFFFC5, s1;
	s0 =	sadd.s32 $0x2000000, s0;
	s9 =	sand.u32 $0xF, s9  }
0x18c: {  	s0 =	sshrl.u32 s0, $0x3;
	s7 =	sadd.s32 s9, s7;
	s9 =	sshra.s32 s15, $0x1F  }
0x18d: {  	[tilespmem:s2], [sflag:$0x4] =	stream.linear.gather [hbm4b:s8+s5], $0x4000, $0x38;
	[tilespmem:$0x1C400] =	vst v63  }
0x18e: {  	s0 =	sadd.s32 s4, s0;
	s7 =	sshll.u32 s7, $0x18;
	_ =	swait.ge [sflag:s11], $0x4000  }
0x18f: {  	s7 =	sshra.s32 s7, $0x1C;
	s8 =	sand.u32 $0xF, s9;
	[sflag:s11] =	ssyncset.done $0x0  }
0x190: {  	s7 =	sadd.s32 s7, s6;
	s8 =	sadd.s32 s8, s3;
	[sflag:s11] =	ssyncadd.s32 $0xFFFFC000  }
0x191: {  	[hbm4b:s0+s5] =	stream.linear.scatter [tilespmem:s18], [sflag:$0x7], $0x4000, $0x38;
	[tilespmem:$0x1C400] =	vst v63  }
0x192: {  	s8 =	sshll.u32 s8, $0x18;
	s0 =	sshll.u32 s7, $0x12;
	s7 =	sand.u32 $0x3C000, s10  }
0x193: {  	s0 =	sor.u32 s7, s0;
	s7 =	sshra.s32 s8, $0x1C;
	_ =	swait.ge [sflag:s28], $0x4000  }
0x194: {  	s8 =	sshrl.u32 s0, $0x3;
	s0 =	sadd.s32 $0x2000000, s0;
	[sflag:s28] =	ssyncset.done $0x0  }
0x195: {  	s8 =	sadd.s32 s23, s8;
	s0 =	sshrl.u32 s0, $0x3;
	[sflag:s28] =	ssyncadd.s32 $0xFFFFC000  }
0x196: {  	s15 =	sshll.u32 s17, $0xE;
	s3 =	sshll.u32 s3, $0xE;
	s7 =	sadd.s32 s7, s6  }
0x197: {  	s9 =	sshll.u32 s1, $0x18;
	s3 =	sand.u32 $0x3C000, s3;
	s7 =	sshll.u32 s7, $0x12  }
0x198: {  	s3 =	sor.u32 s3, s7;
	s7 =	sshra.s32 s9, $0x1F;
	s9 =	sshll.u32 s1, $0xE  }
0x199: {  	s10 =	sadd.s32 $0x2000000, s20;
	s3 =	sadd.s32 $0x2000000, s3;
	s7 =	sand.u32 $0xF, s7  }
0x19a: {  	s3 =	sshrl.u32 s3, $0x3;
	s1 =	sadd.s32 s7, s1;
	s7 =	sshrl.u32 s10, $0x3  }
0x19b: {  	s10 =	sshll.u32 s17, $0x18;
	s3 =	sadd.s32 s4, s3;
	s1 =	sshll.u32 s1, $0x18  }
0x19c: {  	s2 =	simm.s32 $0x10400;
	s10 =	sshra.s32 s10, $0x1F;
	s1 =	sshra.s32 s1, $0x1C  }
0x19d: {  	s18 =	sshll.u32 s30, $0x18;
	s10 =	sand.u32 $0xF, s10;
	s1 =	sadd.s32 s1, s6  }
0x19e: {  	[tilespmem:s21], [sflag:$0x5] =	stream.linear.gather [hbm4b:s8+s5], $0x4000, $0x38;
	[tilespmem:$0x1C400] =	vst v63  }
0x19f: {  	s1 =	sshll.u32 s1, $0x12;
	s8 =	sand.u32 $0x3C000, s9;
	_ =	swait.ge [sflag:s24], $0x4000  }
0x1a0: {  	s1 =	sor.u32 s8, s1;
	s8 =	sadd.s32 s10, s17;
	[sflag:s24] =	ssyncset.done $0x0  }
0x1a1: {  	s1 =	sshrl.u32 s1, $0x3;
	s8 =	sshll.u32 s8, $0x18;
	[sflag:s24] =	ssyncadd.s32 $0xFFFFC000  }
0x1a2: {  	[hbm4b:s3+s5] =	stream.linear.scatter [tilespmem:s29], [sflag:$0x8], $0x4000, $0x38;
	[tilespmem:$0x1C400] =	vst v63  }
0x1a3: {  	s10 =	simm.s32 $0x6;
	s3 =	sshra.s32 s8, $0x1C  }
0x1a4: {  	s8 =	sshra.s32 s18, $0x1F;
	_ =	swait.ge [sflag:s10], $0x4000;
	s3 =	sadd.s32 s3, s6  }
0x1a5: {  	s9 =	sand.u32 $0xF, s8;
	s8 =	sadd.s32 s23, s1;
	[sflag:s10] =	ssyncset.done $0x0  }
.Ltmp1:
0x1a6: {  	s1 =	sadd.s32 s4, s0;
	[sflag:s10] =	ssyncadd.s32 $0xFFFFC000;
	(pc) =	sbr.rel @p0 .LBB2_4-.Ltmp1, $4  }
0x1a7: {  	[tilespmem:s31], [sflag:$0x1] =	stream.linear.gather [hbm4b:s8+s5], $0x4000, $0x38;
	[tilespmem:$0x1C400] =	vst v63  }
0x1a8: {  	s0 =	sshll.u32 s3, $0x12;
	s3 =	sand.u32 $0x3C000, s15;
	_ =	swait.ge [sflag:s12], $0x4000  }
0x1a9: {  	s0 =	sor.u32 s3, s0;
	s8 =	sadd.s32 s4, s7;
	[sflag:s12] =	ssyncset.done $0x0  }
0x1aa: {  	s3 =	sadd.s32 s9, s30;
	s7 =	sshrl.u32 s0, $0x3;
	[sflag:s12] =	ssyncadd.s32 $0xFFFFC000  }
0x1ab: {  	[hbm4b:s8+s5] =	stream.linear.scatter [tilespmem:s22], [sflag:$0x9], $0x4000, $0x38;
	[tilespmem:$0x1C400] =	vst v63  }
0x1ac: {  	_ =	swait.ge [sflag:s25], $0x4000  }
0x1ad: {  	[sflag:s25] =	ssyncset.done $0x0  }
0x1ae: {  	s0 =	sadd.s32 s23, s7;
	s20 =	simm.s32 $0x4400;
	[sflag:s25] =	ssyncadd.s32 $0xFFFFC000  }
0x1af: {  	[tilespmem:s20], [sflag:$0x2] =	stream.linear.gather [hbm4b:s0+s5], $0x4000, $0x38;
	[tilespmem:$0x1C400] =	vst v63  }
0x1b0: {  	_ =	swait.ge [sflag:s13], $0x4000  }
0x1b1: {  	[sflag:s13] =	ssyncset.done $0x0  }
0x1b2: {  	[sflag:s13] =	ssyncadd.s32 $0xFFFFC000  }
0x1b3: {  	[hbm4b:s1+s5] =	stream.linear.scatter [tilespmem:s2], [sflag:$0xA], $0x4000, $0x38;
	[tilespmem:$0x1C400] =	vst v63  }
0x1b4: {  	_ =	swait.ge [sflag:s26], $0x4000  }
0x1b5: {  	(v2sf) =	vpush v0, $0x0;
	_ =	sdelay $0x6  }
0x1b6: {  	s21 =	sshll.u32 s3, $0x18  }
0x1b7: {  	s0 =	sshra.s32 s21, $0x1C  }
0x1b8: {  	s22 =	sshll.u32 s30, $0xE;
	s0 =	sadd.s32 s0, s6  }
0x1b9: {  	s0 =	sshll.u32 s0, $0x12;
	s1 =	sand.u32 $0x3C000, s22  }
0x1ba: {  	s0 =	sor.u32 s1, s0  }
0x1bb: {  	[sflag:s26] =	ssyncset.done $0x0;
	s0 =	sshrl.u32 s0, $0x3  }
0x1bc: {  	[sflag:s26] =	ssyncadd.s32 $0xFFFFC000;
	s0 =	sadd.s32 s23, s0  }
0x1bd: {  	[tilespmem:s29], [sflag:$0x3] =	stream.linear.gather [hbm4b:s0+s5], $0x4000, $0x38;
	[tilespmem:$0x1C400] =	vst v63  }
0x1be: {  	s30 =	spop (v2sf)  }
0x1bf: {  	_ =	swait.ge [sflag:s19], $0x4000  }
0x1c0: {  	s2 =	sld [smem:$0x7EF]  }
0x1c1: {  	[sflag:s19] =	ssyncset.done $0x0  }
0x1c2: {  	[sflag:s19] =	ssyncadd.s32 $0xFFFFC000  }
0x1c3: {  	[hbm4b:s2+s5] =	stream.linear.scatter [tilespmem:s31], [sflag:$0x6], $0x4000, $0x38;
	[tilespmem:$0x1C400] =	vst v63  }
0x1c4: {  	_ =	swait.ge [sflag:s11], $0x4000  }
0x1c5: {  	s3 =	sld [smem:$0x7F0]  }
0x1c6: {  	[sflag:s11] =	ssyncset.done $0x0  }
0x1c7: {  	[sflag:s11] =	ssyncadd.s32 $0xFFFFC000  }
0x1c8: {  	[hbm4b:s3+s5] =	stream.linear.scatter [tilespmem:s20], [sflag:$0x7], $0x4000, $0x38;
	[tilespmem:$0x1C400] =	vst v63  }
0x1c9: {  	_ =	swait.ge [sflag:s24], $0x4000  }
0x1ca: {  	s8 =	sld [smem:$0x7F1]  }
0x1cb: {  	[sflag:s24] =	ssyncset.done $0x0  }
0x1cc: {  	s9 =	simm.s32 $0x6;
	[sflag:s24] =	ssyncadd.s32 $0xFFFFC000  }
0x1cd: {  	[hbm4b:s8+s5] =	stream.linear.scatter [tilespmem:s29], [sflag:$0x8], $0x4000, $0x38;
	[tilespmem:$0x1C400] =	vst v63  }
0x1ce: {  	_ =	swait.ge [sflag:s9], $0x4000  }
0x1cf: {  	[sflag:s9] =	ssyncset.done $0x0  }
0x1d0: {  	[sflag:s9] =	ssyncadd.s32 $0xFFFFC000  }
0x1d1: {  	_ =	swait.ge [sflag:s25], $0x4000  }
0x1d2: {  	[sflag:s25] =	ssyncset.done $0x0  }
0x1d3: {  	[sflag:s25] =	ssyncadd.s32 $0xFFFFC000  }
0x1d4: {  	_ =	swait.ge [sflag:s26], $0x4000  }
0x1d5: {  	[sflag:s26] =	ssyncset.done $0x0  }
0x1d6: {  	[sflag:s26] =	ssyncadd.s32 $0xFFFFC000  }
0x1d7: {  	_ =	swait.ge [sflag:s14], $0x4000  }
0x1d8: {  	[sflag:s14] =	ssyncset.done $0x0  }
0x1d9: {  	[sflag:s14] =	ssyncadd.s32 $0xFFFFC000  }
0x1da: {  	_ =	swait.ge [sflag:s28], $0x4000  }
0x1db: {  	[sflag:s28] =	ssyncset.done $0x0  }
0x1dc: {  	s17 =	simm.s32 $0xB;
	[sflag:s28] =	ssyncadd.s32 $0xFFFFC000  }
0x1dd: {  	_ =	swait.ge [sflag:s17], $0x8000  }
0x1de: {  	s10 =	sld [smem:$0x7F6];
	_ =	sdelay $0x1  }
0x1df: {  	s0 =	sshll.u32 s30, $0x7  }
0x1e0: {  	s2 =	simm.s32 $0x14400;
	[sflag:s17] =	ssyncset.done $0x0;
	s1 =	sadd.s32 s10, s0  }
0x1e1: {  	s16 =	sld [smem:$0x7F2];
	s15 =	sshrl.u32 s1, $0x3;
	s1 =	sadd.s32 $0x2000000, s1  }
0x1e2: {  	[sflag:s17] =	ssyncadd.s32 $0xFFFF8000;
	s3 =	sadd.s32 s4, s15;
	s1 =	sshrl.u32 s1, $0x3  }
0x1e3: {  	[hbm4b:s3+s5] =	stream.linear.scatter [tilespmem:s2], [sflag:$0xB], $0x1000, $0x38;
	[tilespmem:$0x1C400] =	vst v63  }
0x1e4: {  	s7 =	simm.s32 $0x15400;
	s1 =	sadd.s32 s4, s1  }
0x1e5: {  	[hbm4b:s1+s5] =	stream.linear.scatter [tilespmem:s7], [sflag:$0xB], $0x1000, $0x38;
	[tilespmem:$0x1C400] =	vst v63  }
0x1e6: {  	s1 =	sadd.s32 s16, s0  }
0x1e7: {  	s8 =	simm.s32 $0x16400;
	s18 =	sshrl.u32 s1, $0x3;
	s1 =	sadd.s32 $0x2000000, s1  }
0x1e8: {  	s20 =	sld [smem:$0x7F3];
	s3 =	sadd.s32 s4, s18;
	s1 =	sshrl.u32 s1, $0x3  }
0x1e9: {  	[hbm4b:s3+s5] =	stream.linear.scatter [tilespmem:s8], [sflag:$0xB], $0x1000, $0x38;
	[tilespmem:$0x1C400] =	vst v63  }
0x1ea: {  	s9 =	simm.s32 $0x17400;
	s1 =	sadd.s32 s4, s1  }
0x1eb: {  	[hbm4b:s1+s5] =	stream.linear.scatter [tilespmem:s9], [sflag:$0xB], $0x1000, $0x38;
	[tilespmem:$0x1C400] =	vst v63  }
0x1ec: {  	s1 =	sadd.s32 s20, s0  }
0x1ed: {  	s22 =	rddreg [dreg:$0x11];
	s21 =	sshrl.u32 s1, $0x3;
	s1 =	sadd.s32 $0x2000000, s1  }
0x1ee: {  	s10 =	simm.s32 $0x18400;
	s3 =	sadd.s32 s4, s21;
	s1 =	sshrl.u32 s1, $0x3  }
0x1ef: {  	[hbm4b:s3+s5] =	stream.linear.scatter [tilespmem:s10], [sflag:$0xB], $0x1000, $0x38;
	[tilespmem:$0x1C400] =	vst v63  }
0x1f0: {  	s0 =	sadd.s32 s22, s0;
	s1 =	sadd.s32 s4, s1;
	s10 =	simm.s32 $0x19400  }
0x1f1: {  	[hbm4b:s1+s5] =	stream.linear.scatter [tilespmem:s10], [sflag:$0xB], $0x1000, $0x38;
	[tilespmem:$0x1C400] =	vst v63  }
0x1f2: {  	s1 =	sshrl.u32 s0, $0x3;
	s0 =	sadd.s32 $0x2000000, s0  }
0x1f3: {  	s15 =	simm.s32 $0x1A400;
	s1 =	sadd.s32 s4, s1;
	s0 =	sshrl.u32 s0, $0x3  }
0x1f4: {  	[hbm4b:s1+s5] =	stream.linear.scatter [tilespmem:s15], [sflag:$0xB], $0x1000, $0x38;
	[tilespmem:$0x1C400] =	vst v63  }
0x1f5: {  	s16 =	simm.s32 $0x1B400;
	s0 =	sadd.s32 s4, s0  }
0x1f6: {  	[hbm4b:s0+s5] =	stream.linear.scatter [tilespmem:s16], [sflag:$0xB], $0x1000, $0x38;
	[tilespmem:$0x1C400] =	vst v63  }
0x1f7: {  	_ =	swait.ge [sflag:s17], $0x8000  }
0x1f8: {  	s23 =	sld [smem:$0x7E3]  }
0x1f9: {  	s30 =	sld [smem:$0x7F4];
	_ =	sdelay $0x1  }
0x1fa: {  	s1 =	sadd.s32 $0x1, s23  }
0x1fb: {  	p0 =	sne.s32 s1, s30  }
.Ltmp2:
0x1fc: {  	_ = 	snop;
	(pc) =	sbr.rel @p0 .LBB2_1-.Ltmp2, $4  }
0x1fd: {  	_ = 	snop  }
0x1fe: {  	[sflag:s17] =	ssyncset.done $0x0  }
0x1ff: {  	[sflag:s17] =	ssyncadd.s32 $0xFFFF8000  }
0x200: {  	s3 =	simm.s32 $0x18400;
	s22 =	rddreg [dreg:$0x0]  }
0x201: {  	_ =	sfence.sel $0x180000  }
0x202: {  	[bflag:$0x0] =	sbarrier.arrive $0xFFFF  }
0x203: {  	_ =	strace $0x90000047  }
0x204: {  	s0 =	stileid.u32;
	[bflag:$0x2] =	sbarrier.arrive $0xFFFF  }
0x205: {  	p0 =	sne.s32 s0, $0x0;
	s0 =	rddreg [dreg:$0x6]  }
0x206: {  	s0 =	sadd.s32 @!p0 $0x100000, s0  }
0x207: {  	[sflag:s0] =	ssyncadd.tile.s32 @!p0 $0x1;
	_ =	shalt  }
.Lfunc_end2:
_tile_overlayer_lowered:
.L_overlay_start_2:
0x208: {  	(tag) =	ssettag $0x2  }
0x209: {  	s0 =	rddreg [dreg:$0x0];
	s2 =	stileid.u32  }
0x20a: {  	s1 =	rddreg [dreg:$0x1];
	p0 =	sne.s32 s2, $0x0  }
0x20b: {  	s3 =	rddreg [dreg:$0x2];
	[bflag:$0x3] =	sbarrier.arrive $0xFFFF;
	s2 =	simm.s32 @!p0 $0x1C0C  }
0x20c: {  	[timem:s3], [sflag:s2] =	dma.local @!p0 [hbm:s0], s1  }
0x20d: {  	s0 =	simm.s32 @!p0 $0xC  }
0x20e: {  	_ =	swait.ge @!p0 [sflag:s0], s1  }
0x20f: {  	s1 =	ssub.s32 @!p0 $0x0, s1;
	[sflag:s0] =	ssyncset.done @!p0 $0x0  }
0x210: {  	[sflag:s0] =	ssyncadd.s32 @!p0 s1  }
0x211: {  	[bflag:$0x3] =	sbarrier.arrive $0xFFFF  }
0x212: {  	_ =	shalt  }

</sc_bundles>
